<compile_context>
chip_gen: v7x
topology: tpu7x:2x2x1
jax: 0.10.2.dev20260603
libtpu: 0.0.44.dev20260713+nightly
codegen_flags: <defaults>
</compile_context>

<pallas_src>
import functools

import jax
import jax.numpy as jnp
from jax import lax
from jax.experimental import pallas as pl
from jax.experimental.pallas import tpu as pltpu
from jax.experimental.pallas import tpu_sc as plsc

NE = 320000
D = 128
W = D // 2
NC, NS, L = 2, 16, 16
NW = NC * NS
E_PER_W = NE // NW
CHUNK = 400
NCHUNK = E_PER_W // CHUNK

_mesh = plsc.VectorSubcoreMesh(core_axis_name="c", subcore_axis_name="s")


def _lane_take(x, idx):
    dnums = lax.GatherDimensionNumbers(
        offset_dims=(), collapsed_slice_dims=(0,), start_index_map=(0,))
    return lax.gather(x, idx[:, None], dnums, slice_sizes=(1,),
                      mode=lax.GatherScatterMode.PROMISE_IN_BOUNDS)


@functools.partial(
    pl.kernel,
    mesh=_mesh,
    out_type=jax.ShapeDtypeStruct((NE,), jnp.float32),
    compiler_params=pltpu.CompilerParams(needs_layout_passes=False,
                                         use_tc_tiling_on_sc=False),
    scratch_types=[
        pltpu.VMEM((E_PER_W,), jnp.int32),
        pltpu.VMEM((E_PER_W,), jnp.int32),
        pltpu.VMEM((CHUNK, W), jnp.float32),
        pltpu.VMEM((CHUNK, W), jnp.float32),
        pltpu.VMEM((CHUNK, W), jnp.float32),
        pltpu.VMEM((CHUNK, W), jnp.float32),
        pltpu.VMEM((CHUNK,), jnp.float32),
        pltpu.SemaphoreType.DMA,
        pltpu.SemaphoreType.DMA,
        pltpu.SemaphoreType.DMA,
        pltpu.SemaphoreType.DMA,
    ],
)
def _sc_dot_kernel(xp_hbm, xd_hbm, idx_hbm, out_hbm,
                   i0w, i1w, r0a, r1a, r0b, r1b, out_v,
                   spa, sda, spb, sdb):
    wid = lax.axis_index("s") * NC + lax.axis_index("c")
    base_w = wid * E_PER_W
    pltpu.sync_copy(idx_hbm.at[pl.ds(base_w, E_PER_W)], i0w)
    pltpu.sync_copy(idx_hbm.at[pl.ds(NE + base_w, E_PER_W)], i1w)

    lanes = lax.iota(jnp.int32, L)
    masks = [((lanes >> b) & 1) == 0 for b in range(4)]
    perms = [lanes ^ (1 << b) for b in range(4)]

    def issue(ci, r0, r1, sp, sd):
        off = ci * CHUNK
        pltpu.async_copy(xp_hbm.at[i0w.at[pl.ds(off, CHUNK)]], r0, sp)
        pltpu.async_copy(xd_hbm.at[i1w.at[pl.ds(off, CHUNK)]], r1, sd)

    def consume(ci, r0, r1, sp, sd):
        off = ci * CHUNK
        pltpu.make_async_copy(xp_hbm.at[i0w.at[pl.ds(off, CHUNK)]], r0,
                              sp).wait()
        pltpu.make_async_copy(xd_hbm.at[i1w.at[pl.ds(off, CHUNK)]], r1,
                              sd).wait()

        def group_body(g, c):
            accs = []
            for k in range(L):
                e = g * L + k
                p = []
                for j in range(4):
                    a = plsc.bitcast(r0[e, pl.ds(j * L, L)], jnp.bfloat16)
                    b = plsc.bitcast(r1[e, pl.ds(j * L, L)], jnp.bfloat16)
                    p.append(a * b)
                s = (p[0] + p[1]) + (p[2] + p[3])
                lo, hi = plsc.unpack(s, format=plsc.PackFormat.INTERLEAVED)
                accs.append(lo + hi)
            for b in range(4):
                m, pm = masks[b], perms[b]
                accs = [jnp.where(m, u, v) + _lane_take(jnp.where(m, v, u), pm)
                        for u, v in zip(accs[0::2], accs[1::2])]
            out_v[pl.ds(g * L, L)] = accs[0]
            return c

        lax.fori_loop(0, CHUNK // L, group_body, 0)
        base = base_w + ci * CHUNK
        pltpu.sync_copy(out_v, out_hbm.at[pl.ds(base, CHUNK)])

    bufa = (r0a, r1a, spa, sda)
    bufb = (r0b, r1b, spb, sdb)

    issue(0, *bufa)

    def pair_body(g, carry):
        ci = 2 * g
        issue(ci + 1, *bufb)
        consume(ci, *bufa)

        @pl.when(ci + 2 < NCHUNK)
        def _():
            issue(ci + 2, *bufa)

        consume(ci + 1, *bufb)
        return carry

    lax.fori_loop(0, NCHUNK // 2, pair_body, 0)
    consume(NCHUNK - 1, *bufa)


def _pack_bf16(x):
    u = lax.bitcast_convert_type(x.astype(jnp.bfloat16), jnp.uint16)
    u = u.astype(jnp.uint32)
    return lax.bitcast_convert_type(u[:, :W] | (u[:, W:] << 16), jnp.float32)


def kernel(x_patient, x_drug, edge_label_index):
    return _sc_dot_kernel(_pack_bf16(x_patient), _pack_bf16(x_drug),
                          edge_label_index.reshape(-1))

# --- scband reference (transcript-rebuilt; emitter-appended) ---
"""Pipeline reference for scband-classifier-70325794505478 (READ-ONLY COPY).

The authoritative reference and input builder live on the scoring server;
editing this copy changes nothing except your own understanding.
"""

import jax, jax.numpy as jnp
import numpy as np


def setup_inputs(seed: int = 0) -> dict:
    key = jax.random.key(seed)
    k1, k2, k3 = jax.random.split(key, 3)
    x_patient = jax.random.normal(k1, (10000, 128), dtype=jnp.float32)
    x_drug = jax.random.normal(k2, (10000, 128), dtype=jnp.float32)
    edge_label_index = jax.random.randint(k3, (2, 320000), 0, 10000, dtype=jnp.int32)
    return {"x_patient": x_patient, "x_drug": x_drug, "edge_label_index": edge_label_index}


def reference(x_patient, x_drug, edge_label_index):
    # Gather per-edge features from both node tables (embedding lookups)
    edge_feat_patient = jnp.take(x_patient, edge_label_index[0], axis=0)
    edge_feat_drug = jnp.take(x_drug, edge_label_index[1], axis=0)
    # Elementwise product + reduce over feature dim -> per-edge dot-product score
    return (edge_feat_patient * edge_feat_drug).sum(axis=-1)

if __name__ == "__main__":
    import jax
    _d = setup_inputs()
    print(jax.jit(kernel)(*tuple(_d.values())))

</pallas_src>

<mosaic_0001>
#map = affine_map<(d0, d1) -> (0, 0)>
#map1 = affine_map<(d0, d1) -> (0)>
module attributes {stable_mosaic.version = 14 : i64} {
  func.func @_sc_dot_kernel(%arg0: i32, %arg1: i32, %arg2: memref<10000x64xf32, #tpu.memory_space<hbm>>, %arg3: memref<10000x64xf32, #tpu.memory_space<hbm>>, %arg4: memref<640000xi32, #tpu.memory_space<hbm>>, %arg5: memref<320000xf32, #tpu.memory_space<hbm>>, %arg6: memref<10000xi32, #tpu.memory_space<vmem>>, %arg7: memref<10000xi32, #tpu.memory_space<vmem>>, %arg8: memref<400x64xf32, #tpu.memory_space<vmem>>, %arg9: memref<400x64xf32, #tpu.memory_space<vmem>>, %arg10: memref<400x64xf32, #tpu.memory_space<vmem>>, %arg11: memref<400x64xf32, #tpu.memory_space<vmem>>, %arg12: memref<400xf32, #tpu.memory_space<vmem>>, %arg13: memref<!tpu.dma_semaphore, #tpu.memory_space<semaphore_mem>>, %arg14: memref<!tpu.dma_semaphore, #tpu.memory_space<semaphore_mem>>, %arg15: memref<!tpu.dma_semaphore, #tpu.memory_space<semaphore_mem>>, %arg16: memref<!tpu.dma_semaphore, #tpu.memory_space<semaphore_mem>>) attributes {dimension_semantics = [#tpu.dimension_semantics<core_parallel>, #tpu.dimension_semantics<subcore_parallel>], iteration_bounds = array<i64: 2, 16>, scalar_prefetch = 0 : i64, scratch_operands = 11 : i64, tpu.core_type = #tpu.core_type<sc_vector_subcore>, window_params = [{transform_indices = #map}, {transform_indices = #map}, {transform_indices = #map1}, {transform_indices = #map1}]} {
    %mul3A = arith.constant 2 : i32
    %mul3A_0 = arith.muli %arg1, %mul3A : i32
    %add3A = arith.addi %mul3A_0, %arg0 : i32
    %mul3A_1 = arith.constant 10000 : i32
    %mul3A_2 = arith.muli %add3A, %mul3A_1 : i32
    "tpu.region"() ({
      %run_scoped3A = tpu.sem_alloc : memref<!tpu.dma_semaphore, #tpu.memory_space<semaphore_mem>>
      %dma_start3A_80 = tpu.memref_slice %arg4[%mul3A_2] : memref<640000xi32, #tpu.memory_space<hbm>> -> memref<10000xi32, #tpu.memory_space<hbm>>
      %dma_start3A_81 = tpu.memref_slice %arg4[%mul3A_2] : memref<640000xi32, #tpu.memory_space<hbm>> -> memref<10000xi32, #tpu.memory_space<hbm>>
      tpu.enqueue_dma source(%dma_start3A_81 : memref<10000xi32, #tpu.memory_space<hbm>>) target(%arg6 : memref<10000xi32, #tpu.memory_space<vmem>>) target_semaphore(%run_scoped3A : memref<!tpu.dma_semaphore, #tpu.memory_space<semaphore_mem>>)
      %dma_wait3A_82 = tpu.memref_slice %arg4[%mul3A_2] : memref<640000xi32, #tpu.memory_space<hbm>> -> memref<10000xi32, #tpu.memory_space<hbm>>
      %dma_wait3A_83 = tpu.memref_slice %arg4[%mul3A_2] : memref<640000xi32, #tpu.memory_space<hbm>> -> memref<10000xi32, #tpu.memory_space<hbm>>
      tpu.wait_dma2 semaphore(%run_scoped3A : memref<!tpu.dma_semaphore, #tpu.memory_space<semaphore_mem>>) src(%dma_wait3A_83 : memref<10000xi32, #tpu.memory_space<hbm>>) dst(%arg6 : memref<10000xi32, #tpu.memory_space<vmem>>)
      tpu.yield
    }) : () -> ()
    %add3A_3 = arith.constant 320000 : i32
    %add3A_4 = arith.addi %add3A_3, %mul3A_2 : i32
    "tpu.region"() ({
      %run_scoped3A = tpu.sem_alloc : memref<!tpu.dma_semaphore, #tpu.memory_space<semaphore_mem>>
      %dma_start3A_80 = tpu.memref_slice %arg4[%add3A_4] : memref<640000xi32, #tpu.memory_space<hbm>> -> memref<10000xi32, #tpu.memory_space<hbm>>
      %dma_start3A_81 = tpu.memref_slice %arg4[%add3A_4] : memref<640000xi32, #tpu.memory_space<hbm>> -> memref<10000xi32, #tpu.memory_space<hbm>>
      tpu.enqueue_dma source(%dma_start3A_81 : memref<10000xi32, #tpu.memory_space<hbm>>) target(%arg7 : memref<10000xi32, #tpu.memory_space<vmem>>) target_semaphore(%run_scoped3A : memref<!tpu.dma_semaphore, #tpu.memory_space<semaphore_mem>>)
      %dma_wait3A_82 = tpu.memref_slice %arg4[%add3A_4] : memref<640000xi32, #tpu.memory_space<hbm>> -> memref<10000xi32, #tpu.memory_space<hbm>>
      %dma_wait3A_83 = tpu.memref_slice %arg4[%add3A_4] : memref<640000xi32, #tpu.memory_space<hbm>> -> memref<10000xi32, #tpu.memory_space<hbm>>
      tpu.wait_dma2 semaphore(%run_scoped3A : memref<!tpu.dma_semaphore, #tpu.memory_space<semaphore_mem>>) src(%dma_wait3A_83 : memref<10000xi32, #tpu.memory_space<hbm>>) dst(%arg7 : memref<10000xi32, #tpu.memory_space<vmem>>)
      tpu.yield
    }) : () -> ()
    %iota3A = tpu.iota {dimensions = array<i32: 0>} : vector<16xi32>
    %shift_right_arithmetic3A = arith.constant 0 : i32
    %shift_right_arithmetic3A_5 = vector.broadcast %shift_right_arithmetic3A : i32 to vector<16xi32>
    %shift_right_arithmetic3A_6 = arith.shrsi %iota3A, %shift_right_arithmetic3A_5 : vector<16xi32>
    %and3A = arith.constant 1 : i32
    %and3A_7 = vector.broadcast %and3A : i32 to vector<16xi32>
    %and3A_8 = arith.andi %shift_right_arithmetic3A_6, %and3A_7 : vector<16xi32>
    %eq3A = arith.constant 0 : i32
    %eq3A_9 = vector.broadcast %eq3A : i32 to vector<16xi32>
    %eq3A_10 = arith.cmpi eq, %and3A_8, %eq3A_9 : vector<16xi32>
    %shift_right_arithmetic3A_11 = arith.constant 1 : i32
    %shift_right_arithmetic3A_12 = vector.broadcast %shift_right_arithmetic3A_11 : i32 to vector<16xi32>
    %shift_right_arithmetic3A_13 = arith.shrsi %iota3A, %shift_right_arithmetic3A_12 : vector<16xi32>
    %and3A_14 = arith.constant 1 : i32
    %and3A_15 = vector.broadcast %and3A_14 : i32 to vector<16xi32>
    %and3A_16 = arith.andi %shift_right_arithmetic3A_13, %and3A_15 : vector<16xi32>
    %eq3A_17 = arith.constant 0 : i32
    %eq3A_18 = vector.broadcast %eq3A_17 : i32 to vector<16xi32>
    %eq3A_19 = arith.cmpi eq, %and3A_16, %eq3A_18 : vector<16xi32>
    %shift_right_arithmetic3A_20 = arith.constant 2 : i32
    %shift_right_arithmetic3A_21 = vector.broadcast %shift_right_arithmetic3A_20 : i32 to vector<16xi32>
    %shift_right_arithmetic3A_22 = arith.shrsi %iota3A, %shift_right_arithmetic3A_21 : vector<16xi32>
    %and3A_23 = arith.constant 1 : i32
    %and3A_24 = vector.broadcast %and3A_23 : i32 to vector<16xi32>
    %and3A_25 = arith.andi %shift_right_arithmetic3A_22, %and3A_24 : vector<16xi32>
    %eq3A_26 = arith.constant 0 : i32
    %eq3A_27 = vector.broadcast %eq3A_26 : i32 to vector<16xi32>
    %eq3A_28 = arith.cmpi eq, %and3A_25, %eq3A_27 : vector<16xi32>
    %shift_right_arithmetic3A_29 = arith.constant 3 : i32
    %shift_right_arithmetic3A_30 = vector.broadcast %shift_right_arithmetic3A_29 : i32 to vector<16xi32>
    %shift_right_arithmetic3A_31 = arith.shrsi %iota3A, %shift_right_arithmetic3A_30 : vector<16xi32>
    %and3A_32 = arith.constant 1 : i32
    %and3A_33 = vector.broadcast %and3A_32 : i32 to vector<16xi32>
    %and3A_34 = arith.andi %shift_right_arithmetic3A_31, %and3A_33 : vector<16xi32>
    %eq3A_35 = arith.constant 0 : i32
    %eq3A_36 = vector.broadcast %eq3A_35 : i32 to vector<16xi32>
    %eq3A_37 = arith.cmpi eq, %and3A_34, %eq3A_36 : vector<16xi32>
    %xor3A = arith.constant 1 : i32
    %xor3A_38 = vector.broadcast %xor3A : i32 to vector<16xi32>
    %xor3A_39 = arith.xori %iota3A, %xor3A_38 : vector<16xi32>
    %xor3A_40 = arith.constant 2 : i32
    %xor3A_41 = vector.broadcast %xor3A_40 : i32 to vector<16xi32>
    %xor3A_42 = arith.xori %iota3A, %xor3A_41 : vector<16xi32>
    %xor3A_43 = arith.constant 4 : i32
    %xor3A_44 = vector.broadcast %xor3A_43 : i32 to vector<16xi32>
    %xor3A_45 = arith.xori %iota3A, %xor3A_44 : vector<16xi32>
    %xor3A_46 = arith.constant 8 : i32
    %xor3A_47 = vector.broadcast %xor3A_46 : i32 to vector<16xi32>
    %xor3A_48 = arith.xori %iota3A, %xor3A_47 : vector<16xi32>
    %dma_start3A = arith.constant 0 : i32
    %dma_start3A_49 = tpu.memref_slice %arg6[%dma_start3A] : memref<10000xi32, #tpu.memory_space<vmem>> -> memref<400xi32, #tpu.memory_space<vmem>>
    %dma_start3A_50 = arith.constant 0 : i32
    %dma_start3A_51 = arith.constant 0 : i32
    %dma_start3A_52 = tpu.memref_slice %arg2[%dma_start3A_50, %dma_start3A_51] : memref<10000x64xf32, #tpu.memory_space<hbm>> -> memref<10000x64xf32, #tpu.memory_space<hbm>>
    tpu.enqueue_indirect_dma source(%dma_start3A_52 : memref<10000x64xf32, #tpu.memory_space<hbm>>) target(%arg8 : memref<400x64xf32, #tpu.memory_space<vmem>>) offsets(%dma_start3A_49 : memref<400xi32, #tpu.memory_space<vmem>>) semaphore(%arg13 : memref<!tpu.dma_semaphore, #tpu.memory_space<semaphore_mem>>)
    %dma_start3A_53 = arith.constant 0 : i32
    %dma_start3A_54 = tpu.memref_slice %arg7[%dma_start3A_53] : memref<10000xi32, #tpu.memory_space<vmem>> -> memref<400xi32, #tpu.memory_space<vmem>>
    %dma_start3A_55 = arith.constant 0 : i32
    %dma_start3A_56 = arith.constant 0 : i32
    %dma_start3A_57 = tpu.memref_slice %arg3[%dma_start3A_55, %dma_start3A_56] : memref<10000x64xf32, #tpu.memory_space<hbm>> -> memref<10000x64xf32, #tpu.memory_space<hbm>>
    tpu.enqueue_indirect_dma source(%dma_start3A_57 : memref<10000x64xf32, #tpu.memory_space<hbm>>) target(%arg9 : memref<400x64xf32, #tpu.memory_space<vmem>>) offsets(%dma_start3A_54 : memref<400xi32, #tpu.memory_space<vmem>>) semaphore(%arg14 : memref<!tpu.dma_semaphore, #tpu.memory_space<semaphore_mem>>)
    %scan3A = arith.constant 0 : i32
    %scan3A_58 = arith.constant 0 : i32
    %scan3A_59 = arith.constant 12 : i32
    %scan3A_60 = arith.addi %scan3A_58, %scan3A_59 : i32
    %scan3A_61 = arith.constant 1 : i32
    scf.for %scan3A_80 = %scan3A_58 to %scan3A_60 step %scan3A_61  : i32 {
      %mul3A_81 = arith.constant 2 : i32
      %mul3A_82 = arith.muli %mul3A_81, %scan3A_80 : i32
      %add3A_83 = arith.constant 1 : i32
      %add3A_84 = arith.addi %mul3A_82, %add3A_83 : i32
      %mul3A_85 = arith.constant 400 : i32
      %mul3A_86 = arith.muli %add3A_84, %mul3A_85 : i32
      %dma_start3A_87 = tpu.memref_slice %arg6[%mul3A_86] : memref<10000xi32, #tpu.memory_space<vmem>> -> memref<400xi32, #tpu.memory_space<vmem>>
      %dma_start3A_88 = arith.constant 0 : i32
      %dma_start3A_89 = arith.constant 0 : i32
      %dma_start3A_90 = tpu.memref_slice %arg2[%dma_start3A_88, %dma_start3A_89] : memref<10000x64xf32, #tpu.memory_space<hbm>> -> memref<10000x64xf32, #tpu.memory_space<hbm>>
      tpu.enqueue_indirect_dma source(%dma_start3A_90 : memref<10000x64xf32, #tpu.memory_space<hbm>>) target(%arg10 : memref<400x64xf32, #tpu.memory_space<vmem>>) offsets(%dma_start3A_87 : memref<400xi32, #tpu.memory_space<vmem>>) semaphore(%arg15 : memref<!tpu.dma_semaphore, #tpu.memory_space<semaphore_mem>>)
      %dma_start3A_91 = tpu.memref_slice %arg7[%mul3A_86] : memref<10000xi32, #tpu.memory_space<vmem>> -> memref<400xi32, #tpu.memory_space<vmem>>
      %dma_start3A_92 = arith.constant 0 : i32
      %dma_start3A_93 = arith.constant 0 : i32
      %dma_start3A_94 = tpu.memref_slice %arg3[%dma_start3A_92, %dma_start3A_93] : memref<10000x64xf32, #tpu.memory_space<hbm>> -> memref<10000x64xf32, #tpu.memory_space<hbm>>
      tpu.enqueue_indirect_dma source(%dma_start3A_94 : memref<10000x64xf32, #tpu.memory_space<hbm>>) target(%arg11 : memref<400x64xf32, #tpu.memory_space<vmem>>) offsets(%dma_start3A_91 : memref<400xi32, #tpu.memory_space<vmem>>) semaphore(%arg16 : memref<!tpu.dma_semaphore, #tpu.memory_space<semaphore_mem>>)
      %mul3A_95 = arith.constant 400 : i32
      %mul3A_96 = arith.muli %mul3A_82, %mul3A_95 : i32
      %dma_wait3A_97 = tpu.memref_slice %arg6[%mul3A_96] : memref<10000xi32, #tpu.memory_space<vmem>> -> memref<400xi32, #tpu.memory_space<vmem>>
      %dma_wait3A_98 = arith.constant 0 : i32
      %dma_wait3A_99 = arith.constant 0 : i32
      %dma_wait3A_100 = tpu.memref_slice %arg2[%dma_wait3A_98, %dma_wait3A_99] : memref<10000x64xf32, #tpu.memory_space<hbm>> -> memref<10000x64xf32, #tpu.memory_space<hbm>>
      tpu.wait_indirect_dma semaphore(%arg13 : memref<!tpu.dma_semaphore, #tpu.memory_space<semaphore_mem>>) src(%dma_wait3A_100 : memref<10000x64xf32, #tpu.memory_space<hbm>>) dst(%arg8 : memref<400x64xf32, #tpu.memory_space<vmem>>)
      %dma_wait3A_101 = tpu.memref_slice %arg7[%mul3A_96] : memref<10000xi32, #tpu.memory_space<vmem>> -> memref<400xi32, #tpu.memory_space<vmem>>
      %dma_wait3A_102 = arith.constant 0 : i32
      %dma_wait3A_103 = arith.constant 0 : i32
      %dma_wait3A_104 = tpu.memref_slice %arg3[%dma_wait3A_102, %dma_wait3A_103] : memref<10000x64xf32, #tpu.memory_space<hbm>> -> memref<10000x64xf32, #tpu.memory_space<hbm>>
      tpu.wait_indirect_dma semaphore(%arg14 : memref<!tpu.dma_semaphore, #tpu.memory_space<semaphore_mem>>) src(%dma_wait3A_104 : memref<10000x64xf32, #tpu.memory_space<hbm>>) dst(%arg9 : memref<400x64xf32, #tpu.memory_space<vmem>>)
      %scan3A_105 = arith.constant 0 : i32
      %scan3A_106 = arith.constant 0 : i32
      %scan3A_107 = arith.constant 25 : i32
      %scan3A_108 = arith.addi %scan3A_106, %scan3A_107 : i32
      %scan3A_109 = arith.constant 1 : i32
      scf.for %scan3A_139 = %scan3A_106 to %scan3A_108 step %scan3A_109  : i32 {
        %mul3A_140 = arith.constant 16 : i32
        %mul3A_141 = arith.muli %scan3A_139, %mul3A_140 : i32
        %add3A_142 = arith.constant 0 : i32
        %add3A_143 = arith.addi %mul3A_141, %add3A_142 : i32
        %get3A = arith.index_cast %add3A_143 : i32 to index
        %get3A_144 = arith.constant 0 : index
        %get3A_145 = tpu.vector_load %arg8[%get3A, %get3A_144] {strides = array<i32>} : memref<400x64xf32, #tpu.memory_space<vmem>>, vector<16xf32>,
        %bitcast3A = vector.bitcast %get3A_145 : vector<16xf32> to vector<32xbf16>
        %get3A_146 = arith.index_cast %add3A_143 : i32 to index
        %get3A_147 = arith.constant 0 : index
        %get3A_148 = tpu.vector_load %arg9[%get3A_146, %get3A_147] {strides = array<i32>} : memref<400x64xf32, #tpu.memory_space<vmem>>, vector<16xf32>,
        %bitcast3A_149 = vector.bitcast %get3A_148 : vector<16xf32> to vector<32xbf16>
        %mul3A_150 = arith.mulf %bitcast3A, %bitcast3A_149 : vector<32xbf16>
        %get3A_151 = arith.index_cast %add3A_143 : i32 to index
        %get3A_152 = arith.constant 16 : index
        %get3A_153 = tpu.vector_load %arg8[%get3A_151, %get3A_152] {strides = array<i32>} : memref<400x64xf32, #tpu.memory_space<vmem>>, vector<16xf32>,
        %bitcast3A_154 = vector.bitcast %get3A_153 : vector<16xf32> to vector<32xbf16>
        %get3A_155 = arith.index_cast %add3A_143 : i32 to index
        %get3A_156 = arith.constant 16 : index
        %get3A_157 = tpu.vector_load %arg9[%get3A_155, %get3A_156] {strides = array<i32>} : memref<400x64xf32, #tpu.memory_space<vmem>>, vector<16xf32>,
        %bitcast3A_158 = vector.bitcast %get3A_157 : vector<16xf32> to vector<32xbf16>
        %mul3A_159 = arith.mulf %bitcast3A_154, %bitcast3A_158 : vector<32xbf16>
        %get3A_160 = arith.index_cast %add3A_143 : i32 to index
        %get3A_161 = arith.constant 32 : index
        %get3A_162 = tpu.vector_load %arg8[%get3A_160, %get3A_161] {strides = array<i32>} : memref<400x64xf32, #tpu.memory_space<vmem>>, vector<16xf32>,
        %bitcast3A_163 = vector.bitcast %get3A_162 : vector<16xf32> to vector<32xbf16>
        %get3A_164 = arith.index_cast %add3A_143 : i32 to index
        %get3A_165 = arith.constant 32 : index
        %get3A_166 = tpu.vector_load %arg9[%get3A_164, %get3A_165] {strides = array<i32>} : memref<400x64xf32, #tpu.memory_space<vmem>>, vector<16xf32>,
        %bitcast3A_167 = vector.bitcast %get3A_166 : vector<16xf32> to vector<32xbf16>
        %mul3A_168 = arith.mulf %bitcast3A_163, %bitcast3A_167 : vector<32xbf16>
        %get3A_169 = arith.index_cast %add3A_143 : i32 to index
        %get3A_170 = arith.constant 48 : index
        %get3A_171 = tpu.vector_load %arg8[%get3A_169, %get3A_170] {strides = array<i32>} : memref<400x64xf32, #tpu.memory_space<vmem>>, vector<16xf32>,
        %bitcast3A_172 = vector.bitcast %get3A_171 : vector<16xf32> to vector<32xbf16>
        %get3A_173 = arith.index_cast %add3A_143 : i32 to index
        %get3A_174 = arith.constant 48 : index
        %get3A_175 = tpu.vector_load %arg9[%get3A_173, %get3A_174] {strides = array<i32>} : memref<400x64xf32, #tpu.memory_space<vmem>>, vector<16xf32>,
        %bitcast3A_176 = vector.bitcast %get3A_175 : vector<16xf32> to vector<32xbf16>
        %mul3A_177 = arith.mulf %bitcast3A_172, %bitcast3A_176 : vector<32xbf16>
        %add3A_178 = arith.addf %mul3A_150, %mul3A_159 : vector<32xbf16>
        %add3A_179 = arith.addf %mul3A_168, %mul3A_177 : vector<32xbf16>
        %add3A_180 = arith.addf %add3A_178, %add3A_179 : vector<32xbf16>
        %unpack3A = tpu.unpack_subelements %add3A_180, 0 {pack_format = #tpu.pack_format<interleaved>} : vector<32xbf16> -> vector<16xf32>
        %unpack3A_181 = tpu.unpack_subelements %add3A_180, 1 {pack_format = #tpu.pack_format<interleaved>} : vector<32xbf16> -> vector<16xf32>
        %add3A_182 = arith.addf %unpack3A, %unpack3A_181 : vector<16xf32>
        %mul3A_183 = arith.constant 16 : i32
        %mul3A_184 = arith.muli %scan3A_139, %mul3A_183 : i32
        %add3A_185 = arith.constant 1 : i32
        %add3A_186 = arith.addi %mul3A_184, %add3A_185 : i32
        %get3A_187 = arith.index_cast %add3A_186 : i32 to index
        %get3A_188 = arith.constant 0 : index
        %get3A_189 = tpu.vector_load %arg8[%get3A_187, %get3A_188] {strides = array<i32>} : memref<400x64xf32, #tpu.memory_space<vmem>>, vector<16xf32>,
        %bitcast3A_190 = vector.bitcast %get3A_189 : vector<16xf32> to vector<32xbf16>
        %get3A_191 = arith.index_cast %add3A_186 : i32 to index
        %get3A_192 = arith.constant 0 : index
        %get3A_193 = tpu.vector_load %arg9[%get3A_191, %get3A_192] {strides = array<i32>} : memref<400x64xf32, #tpu.memory_space<vmem>>, vector<16xf32>,
        %bitcast3A_194 = vector.bitcast %get3A_193 : vector<16xf32> to vector<32xbf16>
        %mul3A_195 = arith.mulf %bitcast3A_190, %bitcast3A_194 : vector<32xbf16>
        %get3A_196 = arith.index_cast %add3A_186 : i32 to index
        %get3A_197 = arith.constant 16 : index
        %get3A_198 = tpu.vector_load %arg8[%get3A_196, %get3A_197] {strides = array<i32>} : memref<400x64xf32, #tpu.memory_space<vmem>>, vector<16xf32>,
        %bitcast3A_199 = vector.bitcast %get3A_198 : vector<16xf32> to vector<32xbf16>
        %get3A_200 = arith.index_cast %add3A_186 : i32 to index
        %get3A_201 = arith.constant 16 : index
        %get3A_202 = tpu.vector_load %arg9[%get3A_200, %get3A_201] {strides = array<i32>} : memref<400x64xf32, #tpu.memory_space<vmem>>, vector<16xf32>,
        %bitcast3A_203 = vector.bitcast %get3A_202 : vector<16xf32> to vector<32xbf16>
        %mul3A_204 = arith.mulf %bitcast3A_199, %bitcast3A_203 : vector<32xbf16>
        %get3A_205 = arith.index_cast %add3A_186 : i32 to index
        %get3A_206 = arith.constant 32 : index
        %get3A_207 = tpu.vector_load %arg8[%get3A_205, %get3A_206] {strides = array<i32>} : memref<400x64xf32, #tpu.memory_space<vmem>>, vector<16xf32>,
        %bitcast3A_208 = vector.bitcast %get3A_207 : vector<16xf32> to vector<32xbf16>
        %get3A_209 = arith.index_cast %add3A_186 : i32 to index
        %get3A_210 = arith.constant 32 : index
        %get3A_211 = tpu.vector_load %arg9[%get3A_209, %get3A_210] {strides = array<i32>} : memref<400x64xf32, #tpu.memory_space<vmem>>, vector<16xf32>,
        %bitcast3A_212 = vector.bitcast %get3A_211 : vector<16xf32> to vector<32xbf16>
        %mul3A_213 = arith.mulf %bitcast3A_208, %bitcast3A_212 : vector<32xbf16>
        %get3A_214 = arith.index_cast %add3A_186 : i32 to index
        %get3A_215 = arith.constant 48 : index
        %get3A_216 = tpu.vector_load %arg8[%get3A_214, %get3A_215] {strides = array<i32>} : memref<400x64xf32, #tpu.memory_space<vmem>>, vector<16xf32>,
        %bitcast3A_217 = vector.bitcast %get3A_216 : vector<16xf32> to vector<32xbf16>
        %get3A_218 = arith.index_cast %add3A_186 : i32 to index
        %get3A_219 = arith.constant 48 : index
        %get3A_220 = tpu.vector_load %arg9[%get3A_218, %get3A_219] {strides = array<i32>} : memref<400x64xf32, #tpu.memory_space<vmem>>, vector<16xf32>,
        %bitcast3A_221 = vector.bitcast %get3A_220 : vector<16xf32> to vector<32xbf16>
        %mul3A_222 = arith.mulf %bitcast3A_217, %bitcast3A_221 : vector<32xbf16>
        %add3A_223 = arith.addf %mul3A_195, %mul3A_204 : vector<32xbf16>
        %add3A_224 = arith.addf %mul3A_213, %mul3A_222 : vector<32xbf16>
        %add3A_225 = arith.addf %add3A_223, %add3A_224 : vector<32xbf16>
        %unpack3A_226 = tpu.unpack_subelements %add3A_225, 0 {pack_format = #tpu.pack_format<interleaved>} : vector<32xbf16> -> vector<16xf32>
        %unpack3A_227 = tpu.unpack_subelements %add3A_225, 1 {pack_format = #tpu.pack_format<interleaved>} : vector<32xbf16> -> vector<16xf32>
        %add3A_228 = arith.addf %unpack3A_226, %unpack3A_227 : vector<16xf32>
        %mul3A_229 = arith.constant 16 : i32
        %mul3A_230 = arith.muli %scan3A_139, %mul3A_229 : i32
        %add3A_231 = arith.constant 2 : i32
        %add3A_232 = arith.addi %mul3A_230, %add3A_231 : i32
        %get3A_233 = arith.index_cast %add3A_232 : i32 to index
        %get3A_234 = arith.constant 0 : index
        %get3A_235 = tpu.vector_load %arg8[%get3A_233, %get3A_234] {strides = array<i32>} : memref<400x64xf32, #tpu.memory_space<vmem>>, vector<16xf32>,
        %bitcast3A_236 = vector.bitcast %get3A_235 : vector<16xf32> to vector<32xbf16>
        %get3A_237 = arith.index_cast %add3A_232 : i32 to index
        %get3A_238 = arith.constant 0 : index
        %get3A_239 = tpu.vector_load %arg9[%get3A_237, %get3A_238] {strides = array<i32>} : memref<400x64xf32, #tpu.memory_space<vmem>>, vector<16xf32>,
        %bitcast3A_240 = vector.bitcast %get3A_239 : vector<16xf32> to vector<32xbf16>
        %mul3A_241 = arith.mulf %bitcast3A_236, %bitcast3A_240 : vector<32xbf16>
        %get3A_242 = arith.index_cast %add3A_232 : i32 to index
        %get3A_243 = arith.constant 16 : index
        %get3A_244 = tpu.vector_load %arg8[%get3A_242, %get3A_243] {strides = array<i32>} : memref<400x64xf32, #tpu.memory_space<vmem>>, vector<16xf32>,
        %bitcast3A_245 = vector.bitcast %get3A_244 : vector<16xf32> to vector<32xbf16>
        %get3A_246 = arith.index_cast %add3A_232 : i32 to index
        %get3A_247 = arith.constant 16 : index
        %get3A_248 = tpu.vector_load %arg9[%get3A_246, %get3A_247] {strides = array<i32>} : memref<400x64xf32, #tpu.memory_space<vmem>>, vector<16xf32>,
        %bitcast3A_249 = vector.bitcast %get3A_248 : vector<16xf32> to vector<32xbf16>
        %mul3A_250 = arith.mulf %bitcast3A_245, %bitcast3A_249 : vector<32xbf16>
        %get3A_251 = arith.index_cast %add3A_232 : i32 to index
        %get3A_252 = arith.constant 32 : index
        %get3A_253 = tpu.vector_load %arg8[%get3A_251, %get3A_252] {strides = array<i32>} : memref<400x64xf32, #tpu.memory_space<vmem>>, vector<16xf32>,
        %bitcast3A_254 = vector.bitcast %get3A_253 : vector<16xf32> to vector<32xbf16>
        %get3A_255 = arith.index_cast %add3A_232 : i32 to index
        %get3A_256 = arith.constant 32 : index
        %get3A_257 = tpu.vector_load %arg9[%get3A_255, %get3A_256] {strides = array<i32>} : memref<400x64xf32, #tpu.memory_space<vmem>>, vector<16xf32>,
        %bitcast3A_258 = vector.bitcast %get3A_257 : vector<16xf32> to vector<32xbf16>
        %mul3A_259 = arith.mulf %bitcast3A_254, %bitcast3A_258 : vector<32xbf16>
        %get3A_260 = arith.index_cast %add3A_232 : i32 to index
        %get3A_261 = arith.constant 48 : index
        %get3A_262 = tpu.vector_load %arg8[%get3A_260, %get3A_261] {strides = array<i32>} : memref<400x64xf32, #tpu.memory_space<vmem>>, vector<16xf32>,
        %bitcast3A_263 = vector.bitcast %get3A_262 : vector<16xf32> to vector<32xbf16>
        %get3A_264 = arith.index_cast %add3A_232 : i32 to index
        %get3A_265 = arith.constant 48 : index
        %get3A_266 = tpu.vector_load %arg9[%get3A_264, %get3A_265] {strides = array<i32>} : memref<400x64xf32, #tpu.memory_space<vmem>>, vector<16xf32>,
        %bitcast3A_267 = vector.bitcast %get3A_266 : vector<16xf32> to vector<32xbf16>
        %mul3A_268 = arith.mulf %bitcast3A_263, %bitcast3A_267 : vector<32xbf16>
        %add3A_269 = arith.addf %mul3A_241, %mul3A_250 : vector<32xbf16>
        %add3A_270 = arith.addf %mul3A_259, %mul3A_268 : vector<32xbf16>
        %add3A_271 = arith.addf %add3A_269, %add3A_270 : vector<32xbf16>
        %unpack3A_272 = tpu.unpack_subelements %add3A_271, 0 {pack_format = #tpu.pack_format<interleaved>} : vector<32xbf16> -> vector<16xf32>
        %unpack3A_273 = tpu.unpack_subelements %add3A_271, 1 {pack_format = #tpu.pack_format<interleaved>} : vector<32xbf16> -> vector<16xf32>
        %add3A_274 = arith.addf %unpack3A_272, %unpack3A_273 : vector<16xf32>
        %mul3A_275 = arith.constant 16 : i32
        %mul3A_276 = arith.muli %scan3A_139, %mul3A_275 : i32
        %add3A_277 = arith.constant 3 : i32
        %add3A_278 = arith.addi %mul3A_276, %add3A_277 : i32
        %get3A_279 = arith.index_cast %add3A_278 : i32 to index
        %get3A_280 = arith.constant 0 : index
        %get3A_281 = tpu.vector_load %arg8[%get3A_279, %get3A_280] {strides = array<i32>} : memref<400x64xf32, #tpu.memory_space<vmem>>, vector<16xf32>,
        %bitcast3A_282 = vector.bitcast %get3A_281 : vector<16xf32> to vector<32xbf16>
        %get3A_283 = arith.index_cast %add3A_278 : i32 to index
        %get3A_284 = arith.constant 0 : index
        %get3A_285 = tpu.vector_load %arg9[%get3A_283, %get3A_284] {strides = array<i32>} : memref<400x64xf32, #tpu.memory_space<vmem>>, vector<16xf32>,
        %bitcast3A_286 = vector.bitcast %get3A_285 : vector<16xf32> to vector<32xbf16>
        %mul3A_287 = arith.mulf %bitcast3A_282, %bitcast3A_286 : vector<32xbf16>
        %get3A_288 = arith.index_cast %add3A_278 : i32 to index
        %get3A_289 = arith.constant 16 : index
        %get3A_290 = tpu.vector_load %arg8[%get3A_288, %get3A_289] {strides = array<i32>} : memref<400x64xf32, #tpu.memory_space<vmem>>, vector<16xf32>,
        %bitcast3A_291 = vector.bitcast %get3A_290 : vector<16xf32> to vector<32xbf16>
        %get3A_292 = arith.index_cast %add3A_278 : i32 to index
        %get3A_293 = arith.constant 16 : index
        %get3A_294 = tpu.vector_load %arg9[%get3A_292, %get3A_293] {strides = array<i32>} : memref<400x64xf32, #tpu.memory_space<vmem>>, vector<16xf32>,
        %bitcast3A_295 = vector.bitcast %get3A_294 : vector<16xf32> to vector<32xbf16>
        %mul3A_296 = arith.mulf %bitcast3A_291, %bitcast3A_295 : vector<32xbf16>
        %get3A_297 = arith.index_cast %add3A_278 : i32 to index
        %get3A_298 = arith.constant 32 : index
        %get3A_299 = tpu.vector_load %arg8[%get3A_297, %get3A_298] {strides = array<i32>} : memref<400x64xf32, #tpu.memory_space<vmem>>, vector<16xf32>,
        %bitcast3A_300 = vector.bitcast %get3A_299 : vector<16xf32> to vector<32xbf16>
        %get3A_301 = arith.index_cast %add3A_278 : i32 to index
        %get3A_302 = arith.constant 32 : index
        %get3A_303 = tpu.vector_load %arg9[%get3A_301, %get3A_302] {strides = array<i32>} : memref<400x64xf32, #tpu.memory_space<vmem>>, vector<16xf32>,
        %bitcast3A_304 = vector.bitcast %get3A_303 : vector<16xf32> to vector<32xbf16>
        %mul3A_305 = arith.mulf %bitcast3A_300, %bitcast3A_304 : vector<32xbf16>
        %get3A_306 = arith.index_cast %add3A_278 : i32 to index
        %get3A_307 = arith.constant 48 : index
        %get3A_308 = tpu.vector_load %arg8[%get3A_306, %get3A_307] {strides = array<i32>} : memref<400x64xf32, #tpu.memory_space<vmem>>, vector<16xf32>,
        %bitcast3A_309 = vector.bitcast %get3A_308 : vector<16xf32> to vector<32xbf16>
        %get3A_310 = arith.index_cast %add3A_278 : i32 to index
        %get3A_311 = arith.constant 48 : index
        %get3A_312 = tpu.vector_load %arg9[%get3A_310, %get3A_311] {strides = array<i32>} : memref<400x64xf32, #tpu.memory_space<vmem>>, vector<16xf32>,
        %bitcast3A_313 = vector.bitcast %get3A_312 : vector<16xf32> to vector<32xbf16>
        %mul3A_314 = arith.mulf %bitcast3A_309, %bitcast3A_313 : vector<32xbf16>
        %add3A_315 = arith.addf %mul3A_287, %mul3A_296 : vector<32xbf16>
        %add3A_316 = arith.addf %mul3A_305, %mul3A_314 : vector<32xbf16>
        %add3A_317 = arith.addf %add3A_315, %add3A_316 : vector<32xbf16>
        %unpack3A_318 = tpu.unpack_subelements %add3A_317, 0 {pack_format = #tpu.pack_format<interleaved>} : vector<32xbf16> -> vector<16xf32>
        %unpack3A_319 = tpu.unpack_subelements %add3A_317, 1 {pack_format = #tpu.pack_format<interleaved>} : vector<32xbf16> -> vector<16xf32>
        %add3A_320 = arith.addf %unpack3A_318, %unpack3A_319 : vector<16xf32>
        %mul3A_321 = arith.constant 16 : i32
        %mul3A_322 = arith.muli %scan3A_139, %mul3A_321 : i32
        %add3A_323 = arith.constant 4 : i32
        %add3A_324 = arith.addi %mul3A_322, %add3A_323 : i32
        %get3A_325 = arith.index_cast %add3A_324 : i32 to index
        %get3A_326 = arith.constant 0 : index
        %get3A_327 = tpu.vector_load %arg8[%get3A_325, %get3A_326] {strides = array<i32>} : memref<400x64xf32, #tpu.memory_space<vmem>>, vector<16xf32>,
        %bitcast3A_328 = vector.bitcast %get3A_327 : vector<16xf32> to vector<32xbf16>
        %get3A_329 = arith.index_cast %add3A_324 : i32 to index
        %get3A_330 = arith.constant 0 : index
        %get3A_331 = tpu.vector_load %arg9[%get3A_329, %get3A_330] {strides = array<i32>} : memref<400x64xf32, #tpu.memory_space<vmem>>, vector<16xf32>,
        %bitcast3A_332 = vector.bitcast %get3A_331 : vector<16xf32> to vector<32xbf16>
        %mul3A_333 = arith.mulf %bitcast3A_328, %bitcast3A_332 : vector<32xbf16>
        %get3A_334 = arith.index_cast %add3A_324 : i32 to index
        %get3A_335 = arith.constant 16 : index
        %get3A_336 = tpu.vector_load %arg8[%get3A_334, %get3A_335] {strides = array<i32>} : memref<400x64xf32, #tpu.memory_space<vmem>>, vector<16xf32>,
        %bitcast3A_337 = vector.bitcast %get3A_336 : vector<16xf32> to vector<32xbf16>
        %get3A_338 = arith.index_cast %add3A_324 : i32 to index
        %get3A_339 = arith.constant 16 : index
        %get3A_340 = tpu.vector_load %arg9[%get3A_338, %get3A_339] {strides = array<i32>} : memref<400x64xf32, #tpu.memory_space<vmem>>, vector<16xf32>,
        %bitcast3A_341 = vector.bitcast %get3A_340 : vector<16xf32> to vector<32xbf16>
        %mul3A_342 = arith.mulf %bitcast3A_337, %bitcast3A_341 : vector<32xbf16>
        %get3A_343 = arith.index_cast %add3A_324 : i32 to index
        %get3A_344 = arith.constant 32 : index
        %get3A_345 = tpu.vector_load %arg8[%get3A_343, %get3A_344] {strides = array<i32>} : memref<400x64xf32, #tpu.memory_space<vmem>>, vector<16xf32>,
        %bitcast3A_346 = vector.bitcast %get3A_345 : vector<16xf32> to vector<32xbf16>
        %get3A_347 = arith.index_cast %add3A_324 : i32 to index
        %get3A_348 = arith.constant 32 : index
        %get3A_349 = tpu.vector_load %arg9[%get3A_347, %get3A_348] {strides = array<i32>} : memref<400x64xf32, #tpu.memory_space<vmem>>, vector<16xf32>,
        %bitcast3A_350 = vector.bitcast %get3A_349 : vector<16xf32> to vector<32xbf16>
        %mul3A_351 = arith.mulf %bitcast3A_346, %bitcast3A_350 : vector<32xbf16>
        %get3A_352 = arith.index_cast %add3A_324 : i32 to index
        %get3A_353 = arith.constant 48 : index
        %get3A_354 = tpu.vector_load %arg8[%get3A_352, %get3A_353] {strides = array<i32>} : memref<400x64xf32, #tpu.memory_space<vmem>>, vector<16xf32>,
        %bitcast3A_355 = vector.bitcast %get3A_354 : vector<16xf32> to vector<32xbf16>
        %get3A_356 = arith.index_cast %add3A_324 : i32 to index
        %get3A_357 = arith.constant 48 : index
        %get3A_358 = tpu.vector_load %arg9[%get3A_356, %get3A_357] {strides = array<i32>} : memref<400x64xf32, #tpu.memory_space<vmem>>, vector<16xf32>,
        %bitcast3A_359 = vector.bitcast %get3A_358 : vector<16xf32> to vector<32xbf16>
        %mul3A_360 = arith.mulf %bitcast3A_355, %bitcast3A_359 : vector<32xbf16>
        %add3A_361 = arith.addf %mul3A_333, %mul3A_342 : vector<32xbf16>
        %add3A_362 = arith.addf %mul3A_351, %mul3A_360 : vector<32xbf16>
        %add3A_363 = arith.addf %add3A_361, %add3A_362 : vector<32xbf16>
        %unpack3A_364 = tpu.unpack_subelements %add3A_363, 0 {pack_format = #tpu.pack_format<interleaved>} : vector<32xbf16> -> vector<16xf32>
        %unpack3A_365 = tpu.unpack_subelements %add3A_363, 1 {pack_format = #tpu.pack_format<interleaved>} : vector<32xbf16> -> vector<16xf32>
        %add3A_366 = arith.addf %unpack3A_364, %unpack3A_365 : vector<16xf32>
        %mul3A_367 = arith.constant 16 : i32
        %mul3A_368 = arith.muli %scan3A_139, %mul3A_367 : i32
        %add3A_369 = arith.constant 5 : i32
        %add3A_370 = arith.addi %mul3A_368, %add3A_369 : i32
        %get3A_371 = arith.index_cast %add3A_370 : i32 to index
        %get3A_372 = arith.constant 0 : index
        %get3A_373 = tpu.vector_load %arg8[%get3A_371, %get3A_372] {strides = array<i32>} : memref<400x64xf32, #tpu.memory_space<vmem>>, vector<16xf32>,
        %bitcast3A_374 = vector.bitcast %get3A_373 : vector<16xf32> to vector<32xbf16>
        %get3A_375 = arith.index_cast %add3A_370 : i32 to index
        %get3A_376 = arith.constant 0 : index
        %get3A_377 = tpu.vector_load %arg9[%get3A_375, %get3A_376] {strides = array<i32>} : memref<400x64xf32, #tpu.memory_space<vmem>>, vector<16xf32>,
        %bitcast3A_378 = vector.bitcast %get3A_377 : vector<16xf32> to vector<32xbf16>
        %mul3A_379 = arith.mulf %bitcast3A_374, %bitcast3A_378 : vector<32xbf16>
        %get3A_380 = arith.index_cast %add3A_370 : i32 to index
        %get3A_381 = arith.constant 16 : index
        %get3A_382 = tpu.vector_load %arg8[%get3A_380, %get3A_381] {strides = array<i32>} : memref<400x64xf32, #tpu.memory_space<vmem>>, vector<16xf32>,
        %bitcast3A_383 = vector.bitcast %get3A_382 : vector<16xf32> to vector<32xbf16>
        %get3A_384 = arith.index_cast %add3A_370 : i32 to index
        %get3A_385 = arith.constant 16 : index
        %get3A_386 = tpu.vector_load %arg9[%get3A_384, %get3A_385] {strides = array<i32>} : memref<400x64xf32, #tpu.memory_space<vmem>>, vector<16xf32>,
        %bitcast3A_387 = vector.bitcast %get3A_386 : vector<16xf32> to vector<32xbf16>
        %mul3A_388 = arith.mulf %bitcast3A_383, %bitcast3A_387 : vector<32xbf16>
        %get3A_389 = arith.index_cast %add3A_370 : i32 to index
        %get3A_390 = arith.constant 32 : index
        %get3A_391 = tpu.vector_load %arg8[%get3A_389, %get3A_390] {strides = array<i32>} : memref<400x64xf32, #tpu.memory_space<vmem>>, vector<16xf32>,
        %bitcast3A_392 = vector.bitcast %get3A_391 : vector<16xf32> to vector<32xbf16>
        %get3A_393 = arith.index_cast %add3A_370 : i32 to index
        %get3A_394 = arith.constant 32 : index
        %get3A_395 = tpu.vector_load %arg9[%get3A_393, %get3A_394] {strides = array<i32>} : memref<400x64xf32, #tpu.memory_space<vmem>>, vector<16xf32>,
        %bitcast3A_396 = vector.bitcast %get3A_395 : vector<16xf32> to vector<32xbf16>
        %mul3A_397 = arith.mulf %bitcast3A_392, %bitcast3A_396 : vector<32xbf16>
        %get3A_398 = arith.index_cast %add3A_370 : i32 to index
        %get3A_399 = arith.constant 48 : index
        %get3A_400 = tpu.vector_load %arg8[%get3A_398, %get3A_399] {strides = array<i32>} : memref<400x64xf32, #tpu.memory_space<vmem>>, vector<16xf32>,
        %bitcast3A_401 = vector.bitcast %get3A_400 : vector<16xf32> to vector<32xbf16>
        %get3A_402 = arith.index_cast %add3A_370 : i32 to index
        %get3A_403 = arith.constant 48 : index
        %get3A_404 = tpu.vector_load %arg9[%get3A_402, %get3A_403] {strides = array<i32>} : memref<400x64xf32, #tpu.memory_space<vmem>>, vector<16xf32>,
        %bitcast3A_405 = vector.bitcast %get3A_404 : vector<16xf32> to vector<32xbf16>
        %mul3A_406 = arith.mulf %bitcast3A_401, %bitcast3A_405 : vector<32xbf16>
        %add3A_407 = arith.addf %mul3A_379, %mul3A_388 : vector<32xbf16>
        %add3A_408 = arith.addf %mul3A_397, %mul3A_406 : vector<32xbf16>
        %add3A_409 = arith.addf %add3A_407, %add3A_408 : vector<32xbf16>
        %unpack3A_410 = tpu.unpack_subelements %add3A_409, 0 {pack_format = #tpu.pack_format<interleaved>} : vector<32xbf16> -> vector<16xf32>
        %unpack3A_411 = tpu.unpack_subelements %add3A_409, 1 {pack_format = #tpu.pack_format<interleaved>} : vector<32xbf16> -> vector<16xf32>
        %add3A_412 = arith.addf %unpack3A_410, %unpack3A_411 : vector<16xf32>
        %mul3A_413 = arith.constant 16 : i32
        %mul3A_414 = arith.muli %scan3A_139, %mul3A_413 : i32
        %add3A_415 = arith.constant 6 : i32
        %add3A_416 = arith.addi %mul3A_414, %add3A_415 : i32
        %get3A_417 = arith.index_cast %add3A_416 : i32 to index
        %get3A_418 = arith.constant 0 : index
        %get3A_419 = tpu.vector_load %arg8[%get3A_417, %get3A_418] {strides = array<i32>} : memref<400x64xf32, #tpu.memory_space<vmem>>, vector<16xf32>,
        %bitcast3A_420 = vector.bitcast %get3A_419 : vector<16xf32> to vector<32xbf16>
        %get3A_421 = arith.index_cast %add3A_416 : i32 to index
        %get3A_422 = arith.constant 0 : index
        %get3A_423 = tpu.vector_load %arg9[%get3A_421, %get3A_422] {strides = array<i32>} : memref<400x64xf32, #tpu.memory_space<vmem>>, vector<16xf32>,
        %bitcast3A_424 = vector.bitcast %get3A_423 : vector<16xf32> to vector<32xbf16>
        %mul3A_425 = arith.mulf %bitcast3A_420, %bitcast3A_424 : vector<32xbf16>
        %get3A_426 = arith.index_cast %add3A_416 : i32 to index
        %get3A_427 = arith.constant 16 : index
        %get3A_428 = tpu.vector_load %arg8[%get3A_426, %get3A_427] {strides = array<i32>} : memref<400x64xf32, #tpu.memory_space<vmem>>, vector<16xf32>,
        %bitcast3A_429 = vector.bitcast %get3A_428 : vector<16xf32> to vector<32xbf16>
        %get3A_430 = arith.index_cast %add3A_416 : i32 to index
        %get3A_431 = arith.constant 16 : index
        %get3A_432 = tpu.vector_load %arg9[%get3A_430, %get3A_431] {strides = array<i32>} : memref<400x64xf32, #tpu.memory_space<vmem>>, vector<16xf32>,
        %bitcast3A_433 = vector.bitcast %get3A_432 : vector<16xf32> to vector<32xbf16>
        %mul3A_434 = arith.mulf %bitcast3A_429, %bitcast3A_433 : vector<32xbf16>
        %get3A_435 = arith.index_cast %add3A_416 : i32 to index
        %get3A_436 = arith.constant 32 : index
        %get3A_437 = tpu.vector_load %arg8[%get3A_435, %get3A_436] {strides = array<i32>} : memref<400x64xf32, #tpu.memory_space<vmem>>, vector<16xf32>,
        %bitcast3A_438 = vector.bitcast %get3A_437 : vector<16xf32> to vector<32xbf16>
        %get3A_439 = arith.index_cast %add3A_416 : i32 to index
        %get3A_440 = arith.constant 32 : index
        %get3A_441 = tpu.vector_load %arg9[%get3A_439, %get3A_440] {strides = array<i32>} : memref<400x64xf32, #tpu.memory_space<vmem>>, vector<16xf32>,
        %bitcast3A_442 = vector.bitcast %get3A_441 : vector<16xf32> to vector<32xbf16>
        %mul3A_443 = arith.mulf %bitcast3A_438, %bitcast3A_442 : vector<32xbf16>
        %get3A_444 = arith.index_cast %add3A_416 : i32 to index
        %get3A_445 = arith.constant 48 : index
        %get3A_446 = tpu.vector_load %arg8[%get3A_444, %get3A_445] {strides = array<i32>} : memref<400x64xf32, #tpu.memory_space<vmem>>, vector<16xf32>,
        %bitcast3A_447 = vector.bitcast %get3A_446 : vector<16xf32> to vector<32xbf16>
        %get3A_448 = arith.index_cast %add3A_416 : i32 to index
        %get3A_449 = arith.constant 48 : index
        %get3A_450 = tpu.vector_load %arg9[%get3A_448, %get3A_449] {strides = array<i32>} : memref<400x64xf32, #tpu.memory_space<vmem>>, vector<16xf32>,
        %bitcast3A_451 = vector.bitcast %get3A_450 : vector<16xf32> to vector<32xbf16>
        %mul3A_452 = arith.mulf %bitcast3A_447, %bitcast3A_451 : vector<32xbf16>
        %add3A_453 = arith.addf %mul3A_425, %mul3A_434 : vector<32xbf16>
        %add3A_454 = arith.addf %mul3A_443, %mul3A_452 : vector<32xbf16>
        %add3A_455 = arith.addf %add3A_453, %add3A_454 : vector<32xbf16>
        %unpack3A_456 = tpu.unpack_subelements %add3A_455, 0 {pack_format = #tpu.pack_format<interleaved>} : vector<32xbf16> -> vector<16xf32>
        %unpack3A_457 = tpu.unpack_subelements %add3A_455, 1 {pack_format = #tpu.pack_format<interleaved>} : vector<32xbf16> -> vector<16xf32>
        %add3A_458 = arith.addf %unpack3A_456, %unpack3A_457 : vector<16xf32>
        %mul3A_459 = arith.constant 16 : i32
        %mul3A_460 = arith.muli %scan3A_139, %mul3A_459 : i32
        %add3A_461 = arith.constant 7 : i32
        %add3A_462 = arith.addi %mul3A_460, %add3A_461 : i32
        %get3A_463 = arith.index_cast %add3A_462 : i32 to index
        %get3A_464 = arith.constant 0 : index
        %get3A_465 = tpu.vector_load %arg8[%get3A_463, %get3A_464] {strides = array<i32>} : memref<400x64xf32, #tpu.memory_space<vmem>>, vector<16xf32>,
        %bitcast3A_466 = vector.bitcast %get3A_465 : vector<16xf32> to vector<32xbf16>
        %get3A_467 = arith.index_cast %add3A_462 : i32 to index
        %get3A_468 = arith.constant 0 : index
        %get3A_469 = tpu.vector_load %arg9[%get3A_467, %get3A_468] {strides = array<i32>} : memref<400x64xf32, #tpu.memory_space<vmem>>, vector<16xf32>,
        %bitcast3A_470 = vector.bitcast %get3A_469 : vector<16xf32> to vector<32xbf16>
        %mul3A_471 = arith.mulf %bitcast3A_466, %bitcast3A_470 : vector<32xbf16>
        %get3A_472 = arith.index_cast %add3A_462 : i32 to index
        %get3A_473 = arith.constant 16 : index
        %get3A_474 = tpu.vector_load %arg8[%get3A_472, %get3A_473] {strides = array<i32>} : memref<400x64xf32, #tpu.memory_space<vmem>>, vector<16xf32>,
        %bitcast3A_475 = vector.bitcast %get3A_474 : vector<16xf32> to vector<32xbf16>
        %get3A_476 = arith.index_cast %add3A_462 : i32 to index
        %get3A_477 = arith.constant 16 : index
        %get3A_478 = tpu.vector_load %arg9[%get3A_476, %get3A_477] {strides = array<i32>} : memref<400x64xf32, #tpu.memory_space<vmem>>, vector<16xf32>,
        %bitcast3A_479 = vector.bitcast %get3A_478 : vector<16xf32> to vector<32xbf16>
        %mul3A_480 = arith.mulf %bitcast3A_475, %bitcast3A_479 : vector<32xbf16>
        %get3A_481 = arith.index_cast %add3A_462 : i32 to index
        %get3A_482 = arith.constant 32 : index
        %get3A_483 = tpu.vector_load %arg8[%get3A_481, %get3A_482] {strides = array<i32>} : memref<400x64xf32, #tpu.memory_space<vmem>>, vector<16xf32>,
        %bitcast3A_484 = vector.bitcast %get3A_483 : vector<16xf32> to vector<32xbf16>
        %get3A_485 = arith.index_cast %add3A_462 : i32 to index
        %get3A_486 = arith.constant 32 : index
        %get3A_487 = tpu.vector_load %arg9[%get3A_485, %get3A_486] {strides = array<i32>} : memref<400x64xf32, #tpu.memory_space<vmem>>, vector<16xf32>,
        %bitcast3A_488 = vector.bitcast %get3A_487 : vector<16xf32> to vector<32xbf16>
        %mul3A_489 = arith.mulf %bitcast3A_484, %bitcast3A_488 : vector<32xbf16>
        %get3A_490 = arith.index_cast %add3A_462 : i32 to index
        %get3A_491 = arith.constant 48 : index
        %get3A_492 = tpu.vector_load %arg8[%get3A_490, %get3A_491] {strides = array<i32>} : memref<400x64xf32, #tpu.memory_space<vmem>>, vector<16xf32>,
        %bitcast3A_493 = vector.bitcast %get3A_492 : vector<16xf32> to vector<32xbf16>
        %get3A_494 = arith.index_cast %add3A_462 : i32 to index
        %get3A_495 = arith.constant 48 : index
        %get3A_496 = tpu.vector_load %arg9[%get3A_494, %get3A_495] {strides = array<i32>} : memref<400x64xf32, #tpu.memory_space<vmem>>, vector<16xf32>,
        %bitcast3A_497 = vector.bitcast %get3A_496 : vector<16xf32> to vector<32xbf16>
        %mul3A_498 = arith.mulf %bitcast3A_493, %bitcast3A_497 : vector<32xbf16>
        %add3A_499 = arith.addf %mul3A_471, %mul3A_480 : vector<32xbf16>
        %add3A_500 = arith.addf %mul3A_489, %mul3A_498 : vector<32xbf16>
        %add3A_501 = arith.addf %add3A_499, %add3A_500 : vector<32xbf16>
        %unpack3A_502 = tpu.unpack_subelements %add3A_501, 0 {pack_format = #tpu.pack_format<interleaved>} : vector<32xbf16> -> vector<16xf32>
        %unpack3A_503 = tpu.unpack_subelements %add3A_501, 1 {pack_format = #tpu.pack_format<interleaved>} : vector<32xbf16> -> vector<16xf32>
        %add3A_504 = arith.addf %unpack3A_502, %unpack3A_503 : vector<16xf32>
        %mul3A_505 = arith.constant 16 : i32
        %mul3A_506 = arith.muli %scan3A_139, %mul3A_505 : i32
        %add3A_507 = arith.constant 8 : i32
        %add3A_508 = arith.addi %mul3A_506, %add3A_507 : i32
        %get3A_509 = arith.index_cast %add3A_508 : i32 to index
        %get3A_510 = arith.constant 0 : index
        %get3A_511 = tpu.vector_load %arg8[%get3A_509, %get3A_510] {strides = array<i32>} : memref<400x64xf32, #tpu.memory_space<vmem>>, vector<16xf32>,
        %bitcast3A_512 = vector.bitcast %get3A_511 : vector<16xf32> to vector<32xbf16>
        %get3A_513 = arith.index_cast %add3A_508 : i32 to index
        %get3A_514 = arith.constant 0 : index
        %get3A_515 = tpu.vector_load %arg9[%get3A_513, %get3A_514] {strides = array<i32>} : memref<400x64xf32, #tpu.memory_space<vmem>>, vector<16xf32>,
        %bitcast3A_516 = vector.bitcast %get3A_515 : vector<16xf32> to vector<32xbf16>
        %mul3A_517 = arith.mulf %bitcast3A_512, %bitcast3A_516 : vector<32xbf16>
        %get3A_518 = arith.index_cast %add3A_508 : i32 to index
        %get3A_519 = arith.constant 16 : index
        %get3A_520 = tpu.vector_load %arg8[%get3A_518, %get3A_519] {strides = array<i32>} : memref<400x64xf32, #tpu.memory_space<vmem>>, vector<16xf32>,
        %bitcast3A_521 = vector.bitcast %get3A_520 : vector<16xf32> to vector<32xbf16>
        %get3A_522 = arith.index_cast %add3A_508 : i32 to index
        %get3A_523 = arith.constant 16 : index
        %get3A_524 = tpu.vector_load %arg9[%get3A_522, %get3A_523] {strides = array<i32>} : memref<400x64xf32, #tpu.memory_space<vmem>>, vector<16xf32>,
        %bitcast3A_525 = vector.bitcast %get3A_524 : vector<16xf32> to vector<32xbf16>
        %mul3A_526 = arith.mulf %bitcast3A_521, %bitcast3A_525 : vector<32xbf16>
        %get3A_527 = arith.index_cast %add3A_508 : i32 to index
        %get3A_528 = arith.constant 32 : index
        %get3A_529 = tpu.vector_load %arg8[%get3A_527, %get3A_528] {strides = array<i32>} : memref<400x64xf32, #tpu.memory_space<vmem>>, vector<16xf32>,
        %bitcast3A_530 = vector.bitcast %get3A_529 : vector<16xf32> to vector<32xbf16>
        %get3A_531 = arith.index_cast %add3A_508 : i32 to index
        %get3A_532 = arith.constant 32 : index
        %get3A_533 = tpu.vector_load %arg9[%get3A_531, %get3A_532] {strides = array<i32>} : memref<400x64xf32, #tpu.memory_space<vmem>>, vector<16xf32>,
        %bitcast3A_534 = vector.bitcast %get3A_533 : vector<16xf32> to vector<32xbf16>
        %mul3A_535 = arith.mulf %bitcast3A_530, %bitcast3A_534 : vector<32xbf16>
        %get3A_536 = arith.index_cast %add3A_508 : i32 to index
        %get3A_537 = arith.constant 48 : index
        %get3A_538 = tpu.vector_load %arg8[%get3A_536, %get3A_537] {strides = array<i32>} : memref<400x64xf32, #tpu.memory_space<vmem>>, vector<16xf32>,
        %bitcast3A_539 = vector.bitcast %get3A_538 : vector<16xf32> to vector<32xbf16>
        %get3A_540 = arith.index_cast %add3A_508 : i32 to index
        %get3A_541 = arith.constant 48 : index
        %get3A_542 = tpu.vector_load %arg9[%get3A_540, %get3A_541] {strides = array<i32>} : memref<400x64xf32, #tpu.memory_space<vmem>>, vector<16xf32>,
        %bitcast3A_543 = vector.bitcast %get3A_542 : vector<16xf32> to vector<32xbf16>
        %mul3A_544 = arith.mulf %bitcast3A_539, %bitcast3A_543 : vector<32xbf16>
        %add3A_545 = arith.addf %mul3A_517, %mul3A_526 : vector<32xbf16>
        %add3A_546 = arith.addf %mul3A_535, %mul3A_544 : vector<32xbf16>
        %add3A_547 = arith.addf %add3A_545, %add3A_546 : vector<32xbf16>
        %unpack3A_548 = tpu.unpack_subelements %add3A_547, 0 {pack_format = #tpu.pack_format<interleaved>} : vector<32xbf16> -> vector<16xf32>
        %unpack3A_549 = tpu.unpack_subelements %add3A_547, 1 {pack_format = #tpu.pack_format<interleaved>} : vector<32xbf16> -> vector<16xf32>
        %add3A_550 = arith.addf %unpack3A_548, %unpack3A_549 : vector<16xf32>
        %mul3A_551 = arith.constant 16 : i32
        %mul3A_552 = arith.muli %scan3A_139, %mul3A_551 : i32
        %add3A_553 = arith.constant 9 : i32
        %add3A_554 = arith.addi %mul3A_552, %add3A_553 : i32
        %get3A_555 = arith.index_cast %add3A_554 : i32 to index
        %get3A_556 = arith.constant 0 : index
        %get3A_557 = tpu.vector_load %arg8[%get3A_555, %get3A_556] {strides = array<i32>} : memref<400x64xf32, #tpu.memory_space<vmem>>, vector<16xf32>,
        %bitcast3A_558 = vector.bitcast %get3A_557 : vector<16xf32> to vector<32xbf16>
        %get3A_559 = arith.index_cast %add3A_554 : i32 to index
        %get3A_560 = arith.constant 0 : index
        %get3A_561 = tpu.vector_load %arg9[%get3A_559, %get3A_560] {strides = array<i32>} : memref<400x64xf32, #tpu.memory_space<vmem>>, vector<16xf32>,
        %bitcast3A_562 = vector.bitcast %get3A_561 : vector<16xf32> to vector<32xbf16>
        %mul3A_563 = arith.mulf %bitcast3A_558, %bitcast3A_562 : vector<32xbf16>
        %get3A_564 = arith.index_cast %add3A_554 : i32 to index
        %get3A_565 = arith.constant 16 : index
        %get3A_566 = tpu.vector_load %arg8[%get3A_564, %get3A_565] {strides = array<i32>} : memref<400x64xf32, #tpu.memory_space<vmem>>, vector<16xf32>,
        %bitcast3A_567 = vector.bitcast %get3A_566 : vector<16xf32> to vector<32xbf16>
        %get3A_568 = arith.index_cast %add3A_554 : i32 to index
        %get3A_569 = arith.constant 16 : index
        %get3A_570 = tpu.vector_load %arg9[%get3A_568, %get3A_569] {strides = array<i32>} : memref<400x64xf32, #tpu.memory_space<vmem>>, vector<16xf32>,
        %bitcast3A_571 = vector.bitcast %get3A_570 : vector<16xf32> to vector<32xbf16>
        %mul3A_572 = arith.mulf %bitcast3A_567, %bitcast3A_571 : vector<32xbf16>
        %get3A_573 = arith.index_cast %add3A_554 : i32 to index
        %get3A_574 = arith.constant 32 : index
        %get3A_575 = tpu.vector_load %arg8[%get3A_573, %get3A_574] {strides = array<i32>} : memref<400x64xf32, #tpu.memory_space<vmem>>, vector<16xf32>,
        %bitcast3A_576 = vector.bitcast %get3A_575 : vector<16xf32> to vector<32xbf16>
        %get3A_577 = arith.index_cast %add3A_554 : i32 to index
        %get3A_578 = arith.constant 32 : index
        %get3A_579 = tpu.vector_load %arg9[%get3A_577, %get3A_578] {strides = array<i32>} : memref<400x64xf32, #tpu.memory_space<vmem>>, vector<16xf32>,
        %bitcast3A_580 = vector.bitcast %get3A_579 : vector<16xf32> to vector<32xbf16>
        %mul3A_581 = arith.mulf %bitcast3A_576, %bitcast3A_580 : vector<32xbf16>
        %get3A_582 = arith.index_cast %add3A_554 : i32 to index
        %get3A_583 = arith.constant 48 : index
        %get3A_584 = tpu.vector_load %arg8[%get3A_582, %get3A_583] {strides = array<i32>} : memref<400x64xf32, #tpu.memory_space<vmem>>, vector<16xf32>,
        %bitcast3A_585 = vector.bitcast %get3A_584 : vector<16xf32> to vector<32xbf16>
        %get3A_586 = arith.index_cast %add3A_554 : i32 to index
        %get3A_587 = arith.constant 48 : index
        %get3A_588 = tpu.vector_load %arg9[%get3A_586, %get3A_587] {strides = array<i32>} : memref<400x64xf32, #tpu.memory_space<vmem>>, vector<16xf32>,
        %bitcast3A_589 = vector.bitcast %get3A_588 : vector<16xf32> to vector<32xbf16>
        %mul3A_590 = arith.mulf %bitcast3A_585, %bitcast3A_589 : vector<32xbf16>
        %add3A_591 = arith.addf %mul3A_563, %mul3A_572 : vector<32xbf16>
        %add3A_592 = arith.addf %mul3A_581, %mul3A_590 : vector<32xbf16>
        %add3A_593 = arith.addf %add3A_591, %add3A_592 : vector<32xbf16>
        %unpack3A_594 = tpu.unpack_subelements %add3A_593, 0 {pack_format = #tpu.pack_format<interleaved>} : vector<32xbf16> -> vector<16xf32>
        %unpack3A_595 = tpu.unpack_subelements %add3A_593, 1 {pack_format = #tpu.pack_format<interleaved>} : vector<32xbf16> -> vector<16xf32>
        %add3A_596 = arith.addf %unpack3A_594, %unpack3A_595 : vector<16xf32>
        %mul3A_597 = arith.constant 16 : i32
        %mul3A_598 = arith.muli %scan3A_139, %mul3A_597 : i32
        %add3A_599 = arith.constant 10 : i32
        %add3A_600 = arith.addi %mul3A_598, %add3A_599 : i32
        %get3A_601 = arith.index_cast %add3A_600 : i32 to index
        %get3A_602 = arith.constant 0 : index
        %get3A_603 = tpu.vector_load %arg8[%get3A_601, %get3A_602] {strides = array<i32>} : memref<400x64xf32, #tpu.memory_space<vmem>>, vector<16xf32>,
        %bitcast3A_604 = vector.bitcast %get3A_603 : vector<16xf32> to vector<32xbf16>
        %get3A_605 = arith.index_cast %add3A_600 : i32 to index
        %get3A_606 = arith.constant 0 : index
        %get3A_607 = tpu.vector_load %arg9[%get3A_605, %get3A_606] {strides = array<i32>} : memref<400x64xf32, #tpu.memory_space<vmem>>, vector<16xf32>,
        %bitcast3A_608 = vector.bitcast %get3A_607 : vector<16xf32> to vector<32xbf16>
        %mul3A_609 = arith.mulf %bitcast3A_604, %bitcast3A_608 : vector<32xbf16>
        %get3A_610 = arith.index_cast %add3A_600 : i32 to index
        %get3A_611 = arith.constant 16 : index
        %get3A_612 = tpu.vector_load %arg8[%get3A_610, %get3A_611] {strides = array<i32>} : memref<400x64xf32, #tpu.memory_space<vmem>>, vector<16xf32>,
        %bitcast3A_613 = vector.bitcast %get3A_612 : vector<16xf32> to vector<32xbf16>
        %get3A_614 = arith.index_cast %add3A_600 : i32 to index
        %get3A_615 = arith.constant 16 : index
        %get3A_616 = tpu.vector_load %arg9[%get3A_614, %get3A_615] {strides = array<i32>} : memref<400x64xf32, #tpu.memory_space<vmem>>, vector<16xf32>,
        %bitcast3A_617 = vector.bitcast %get3A_616 : vector<16xf32> to vector<32xbf16>
        %mul3A_618 = arith.mulf %bitcast3A_613, %bitcast3A_617 : vector<32xbf16>
        %get3A_619 = arith.index_cast %add3A_600 : i32 to index
        %get3A_620 = arith.constant 32 : index
        %get3A_621 = tpu.vector_load %arg8[%get3A_619, %get3A_620] {strides = array<i32>} : memref<400x64xf32, #tpu.memory_space<vmem>>, vector<16xf32>,
        %bitcast3A_622 = vector.bitcast %get3A_621 : vector<16xf32> to vector<32xbf16>
        %get3A_623 = arith.index_cast %add3A_600 : i32 to index
        %get3A_624 = arith.constant 32 : index
        %get3A_625 = tpu.vector_load %arg9[%get3A_623, %get3A_624] {strides = array<i32>} : memref<400x64xf32, #tpu.memory_space<vmem>>, vector<16xf32>,
        %bitcast3A_626 = vector.bitcast %get3A_625 : vector<16xf32> to vector<32xbf16>
        %mul3A_627 = arith.mulf %bitcast3A_622, %bitcast3A_626 : vector<32xbf16>
        %get3A_628 = arith.index_cast %add3A_600 : i32 to index
        %get3A_629 = arith.constant 48 : index
        %get3A_630 = tpu.vector_load %arg8[%get3A_628, %get3A_629] {strides = array<i32>} : memref<400x64xf32, #tpu.memory_space<vmem>>, vector<16xf32>,
        %bitcast3A_631 = vector.bitcast %get3A_630 : vector<16xf32> to vector<32xbf16>
        %get3A_632 = arith.index_cast %add3A_600 : i32 to index
        %get3A_633 = arith.constant 48 : index
        %get3A_634 = tpu.vector_load %arg9[%get3A_632, %get3A_633] {strides = array<i32>} : memref<400x64xf32, #tpu.memory_space<vmem>>, vector<16xf32>,
        %bitcast3A_635 = vector.bitcast %get3A_634 : vector<16xf32> to vector<32xbf16>
        %mul3A_636 = arith.mulf %bitcast3A_631, %bitcast3A_635 : vector<32xbf16>
        %add3A_637 = arith.addf %mul3A_609, %mul3A_618 : vector<32xbf16>
        %add3A_638 = arith.addf %mul3A_627, %mul3A_636 : vector<32xbf16>
        %add3A_639 = arith.addf %add3A_637, %add3A_638 : vector<32xbf16>
        %unpack3A_640 = tpu.unpack_subelements %add3A_639, 0 {pack_format = #tpu.pack_format<interleaved>} : vector<32xbf16> -> vector<16xf32>
        %unpack3A_641 = tpu.unpack_subelements %add3A_639, 1 {pack_format = #tpu.pack_format<interleaved>} : vector<32xbf16> -> vector<16xf32>
        %add3A_642 = arith.addf %unpack3A_640, %unpack3A_641 : vector<16xf32>
        %mul3A_643 = arith.constant 16 : i32
        %mul3A_644 = arith.muli %scan3A_139, %mul3A_643 : i32
        %add3A_645 = arith.constant 11 : i32
        %add3A_646 = arith.addi %mul3A_644, %add3A_645 : i32
        %get3A_647 = arith.index_cast %add3A_646 : i32 to index
        %get3A_648 = arith.constant 0 : index
        %get3A_649 = tpu.vector_load %arg8[%get3A_647, %get3A_648] {strides = array<i32>} : memref<400x64xf32, #tpu.memory_space<vmem>>, vector<16xf32>,
        %bitcast3A_650 = vector.bitcast %get3A_649 : vector<16xf32> to vector<32xbf16>
        %get3A_651 = arith.index_cast %add3A_646 : i32 to index
        %get3A_652 = arith.constant 0 : index
        %get3A_653 = tpu.vector_load %arg9[%get3A_651, %get3A_652] {strides = array<i32>} : memref<400x64xf32, #tpu.memory_space<vmem>>, vector<16xf32>,
        %bitcast3A_654 = vector.bitcast %get3A_653 : vector<16xf32> to vector<32xbf16>
        %mul3A_655 = arith.mulf %bitcast3A_650, %bitcast3A_654 : vector<32xbf16>
        %get3A_656 = arith.index_cast %add3A_646 : i32 to index
        %get3A_657 = arith.constant 16 : index
        %get3A_658 = tpu.vector_load %arg8[%get3A_656, %get3A_657] {strides = array<i32>} : memref<400x64xf32, #tpu.memory_space<vmem>>, vector<16xf32>,
        %bitcast3A_659 = vector.bitcast %get3A_658 : vector<16xf32> to vector<32xbf16>
        %get3A_660 = arith.index_cast %add3A_646 : i32 to index
        %get3A_661 = arith.constant 16 : index
        %get3A_662 = tpu.vector_load %arg9[%get3A_660, %get3A_661] {strides = array<i32>} : memref<400x64xf32, #tpu.memory_space<vmem>>, vector<16xf32>,
        %bitcast3A_663 = vector.bitcast %get3A_662 : vector<16xf32> to vector<32xbf16>
        %mul3A_664 = arith.mulf %bitcast3A_659, %bitcast3A_663 : vector<32xbf16>
        %get3A_665 = arith.index_cast %add3A_646 : i32 to index
        %get3A_666 = arith.constant 32 : index
        %get3A_667 = tpu.vector_load %arg8[%get3A_665, %get3A_666] {strides = array<i32>} : memref<400x64xf32, #tpu.memory_space<vmem>>, vector<16xf32>,
        %bitcast3A_668 = vector.bitcast %get3A_667 : vector<16xf32> to vector<32xbf16>
        %get3A_669 = arith.index_cast %add3A_646 : i32 to index
        %get3A_670 = arith.constant 32 : index
        %get3A_671 = tpu.vector_load %arg9[%get3A_669, %get3A_670] {strides = array<i32>} : memref<400x64xf32, #tpu.memory_space<vmem>>, vector<16xf32>,
        %bitcast3A_672 = vector.bitcast %get3A_671 : vector<16xf32> to vector<32xbf16>
        %mul3A_673 = arith.mulf %bitcast3A_668, %bitcast3A_672 : vector<32xbf16>
        %get3A_674 = arith.index_cast %add3A_646 : i32 to index
        %get3A_675 = arith.constant 48 : index
        %get3A_676 = tpu.vector_load %arg8[%get3A_674, %get3A_675] {strides = array<i32>} : memref<400x64xf32, #tpu.memory_space<vmem>>, vector<16xf32>,
        %bitcast3A_677 = vector.bitcast %get3A_676 : vector<16xf32> to vector<32xbf16>
        %get3A_678 = arith.index_cast %add3A_646 : i32 to index
        %get3A_679 = arith.constant 48 : index
        %get3A_680 = tpu.vector_load %arg9[%get3A_678, %get3A_679] {strides = array<i32>} : memref<400x64xf32, #tpu.memory_space<vmem>>, vector<16xf32>,
        %bitcast3A_681 = vector.bitcast %get3A_680 : vector<16xf32> to vector<32xbf16>
        %mul3A_682 = arith.mulf %bitcast3A_677, %bitcast3A_681 : vector<32xbf16>
        %add3A_683 = arith.addf %mul3A_655, %mul3A_664 : vector<32xbf16>
        %add3A_684 = arith.addf %mul3A_673, %mul3A_682 : vector<32xbf16>
        %add3A_685 = arith.addf %add3A_683, %add3A_684 : vector<32xbf16>
        %unpack3A_686 = tpu.unpack_subelements %add3A_685, 0 {pack_format = #tpu.pack_format<interleaved>} : vector<32xbf16> -> vector<16xf32>
        %unpack3A_687 = tpu.unpack_subelements %add3A_685, 1 {pack_format = #tpu.pack_format<interleaved>} : vector<32xbf16> -> vector<16xf32>
        %add3A_688 = arith.addf %unpack3A_686, %unpack3A_687 : vector<16xf32>
        %mul3A_689 = arith.constant 16 : i32
        %mul3A_690 = arith.muli %scan3A_139, %mul3A_689 : i32
        %add3A_691 = arith.constant 12 : i32
        %add3A_692 = arith.addi %mul3A_690, %add3A_691 : i32
        %get3A_693 = arith.index_cast %add3A_692 : i32 to index
        %get3A_694 = arith.constant 0 : index
        %get3A_695 = tpu.vector_load %arg8[%get3A_693, %get3A_694] {strides = array<i32>} : memref<400x64xf32, #tpu.memory_space<vmem>>, vector<16xf32>,
        %bitcast3A_696 = vector.bitcast %get3A_695 : vector<16xf32> to vector<32xbf16>
        %get3A_697 = arith.index_cast %add3A_692 : i32 to index
        %get3A_698 = arith.constant 0 : index
        %get3A_699 = tpu.vector_load %arg9[%get3A_697, %get3A_698] {strides = array<i32>} : memref<400x64xf32, #tpu.memory_space<vmem>>, vector<16xf32>,
        %bitcast3A_700 = vector.bitcast %get3A_699 : vector<16xf32> to vector<32xbf16>
        %mul3A_701 = arith.mulf %bitcast3A_696, %bitcast3A_700 : vector<32xbf16>
        %get3A_702 = arith.index_cast %add3A_692 : i32 to index
        %get3A_703 = arith.constant 16 : index
        %get3A_704 = tpu.vector_load %arg8[%get3A_702, %get3A_703] {strides = array<i32>} : memref<400x64xf32, #tpu.memory_space<vmem>>, vector<16xf32>,
        %bitcast3A_705 = vector.bitcast %get3A_704 : vector<16xf32> to vector<32xbf16>
        %get3A_706 = arith.index_cast %add3A_692 : i32 to index
        %get3A_707 = arith.constant 16 : index
        %get3A_708 = tpu.vector_load %arg9[%get3A_706, %get3A_707] {strides = array<i32>} : memref<400x64xf32, #tpu.memory_space<vmem>>, vector<16xf32>,
        %bitcast3A_709 = vector.bitcast %get3A_708 : vector<16xf32> to vector<32xbf16>
        %mul3A_710 = arith.mulf %bitcast3A_705, %bitcast3A_709 : vector<32xbf16>
        %get3A_711 = arith.index_cast %add3A_692 : i32 to index
        %get3A_712 = arith.constant 32 : index
        %get3A_713 = tpu.vector_load %arg8[%get3A_711, %get3A_712] {strides = array<i32>} : memref<400x64xf32, #tpu.memory_space<vmem>>, vector<16xf32>,
        %bitcast3A_714 = vector.bitcast %get3A_713 : vector<16xf32> to vector<32xbf16>
        %get3A_715 = arith.index_cast %add3A_692 : i32 to index
        %get3A_716 = arith.constant 32 : index
        %get3A_717 = tpu.vector_load %arg9[%get3A_715, %get3A_716] {strides = array<i32>} : memref<400x64xf32, #tpu.memory_space<vmem>>, vector<16xf32>,
        %bitcast3A_718 = vector.bitcast %get3A_717 : vector<16xf32> to vector<32xbf16>
        %mul3A_719 = arith.mulf %bitcast3A_714, %bitcast3A_718 : vector<32xbf16>
        %get3A_720 = arith.index_cast %add3A_692 : i32 to index
        %get3A_721 = arith.constant 48 : index
        %get3A_722 = tpu.vector_load %arg8[%get3A_720, %get3A_721] {strides = array<i32>} : memref<400x64xf32, #tpu.memory_space<vmem>>, vector<16xf32>,
        %bitcast3A_723 = vector.bitcast %get3A_722 : vector<16xf32> to vector<32xbf16>
        %get3A_724 = arith.index_cast %add3A_692 : i32 to index
        %get3A_725 = arith.constant 48 : index
        %get3A_726 = tpu.vector_load %arg9[%get3A_724, %get3A_725] {strides = array<i32>} : memref<400x64xf32, #tpu.memory_space<vmem>>, vector<16xf32>,
        %bitcast3A_727 = vector.bitcast %get3A_726 : vector<16xf32> to vector<32xbf16>
        %mul3A_728 = arith.mulf %bitcast3A_723, %bitcast3A_727 : vector<32xbf16>
        %add3A_729 = arith.addf %mul3A_701, %mul3A_710 : vector<32xbf16>
        %add3A_730 = arith.addf %mul3A_719, %mul3A_728 : vector<32xbf16>
        %add3A_731 = arith.addf %add3A_729, %add3A_730 : vector<32xbf16>
        %unpack3A_732 = tpu.unpack_subelements %add3A_731, 0 {pack_format = #tpu.pack_format<interleaved>} : vector<32xbf16> -> vector<16xf32>
        %unpack3A_733 = tpu.unpack_subelements %add3A_731, 1 {pack_format = #tpu.pack_format<interleaved>} : vector<32xbf16> -> vector<16xf32>
        %add3A_734 = arith.addf %unpack3A_732, %unpack3A_733 : vector<16xf32>
        %mul3A_735 = arith.constant 16 : i32
        %mul3A_736 = arith.muli %scan3A_139, %mul3A_735 : i32
        %add3A_737 = arith.constant 13 : i32
        %add3A_738 = arith.addi %mul3A_736, %add3A_737 : i32
        %get3A_739 = arith.index_cast %add3A_738 : i32 to index
        %get3A_740 = arith.constant 0 : index
        %get3A_741 = tpu.vector_load %arg8[%get3A_739, %get3A_740] {strides = array<i32>} : memref<400x64xf32, #tpu.memory_space<vmem>>, vector<16xf32>,
        %bitcast3A_742 = vector.bitcast %get3A_741 : vector<16xf32> to vector<32xbf16>
        %get3A_743 = arith.index_cast %add3A_738 : i32 to index
        %get3A_744 = arith.constant 0 : index
        %get3A_745 = tpu.vector_load %arg9[%get3A_743, %get3A_744] {strides = array<i32>} : memref<400x64xf32, #tpu.memory_space<vmem>>, vector<16xf32>,
        %bitcast3A_746 = vector.bitcast %get3A_745 : vector<16xf32> to vector<32xbf16>
        %mul3A_747 = arith.mulf %bitcast3A_742, %bitcast3A_746 : vector<32xbf16>
        %get3A_748 = arith.index_cast %add3A_738 : i32 to index
        %get3A_749 = arith.constant 16 : index
        %get3A_750 = tpu.vector_load %arg8[%get3A_748, %get3A_749] {strides = array<i32>} : memref<400x64xf32, #tpu.memory_space<vmem>>, vector<16xf32>,
        %bitcast3A_751 = vector.bitcast %get3A_750 : vector<16xf32> to vector<32xbf16>
        %get3A_752 = arith.index_cast %add3A_738 : i32 to index
        %get3A_753 = arith.constant 16 : index
        %get3A_754 = tpu.vector_load %arg9[%get3A_752, %get3A_753] {strides = array<i32>} : memref<400x64xf32, #tpu.memory_space<vmem>>, vector<16xf32>,
        %bitcast3A_755 = vector.bitcast %get3A_754 : vector<16xf32> to vector<32xbf16>
        %mul3A_756 = arith.mulf %bitcast3A_751, %bitcast3A_755 : vector<32xbf16>
        %get3A_757 = arith.index_cast %add3A_738 : i32 to index
        %get3A_758 = arith.constant 32 : index
        %get3A_759 = tpu.vector_load %arg8[%get3A_757, %get3A_758] {strides = array<i32>} : memref<400x64xf32, #tpu.memory_space<vmem>>, vector<16xf32>,
        %bitcast3A_760 = vector.bitcast %get3A_759 : vector<16xf32> to vector<32xbf16>
        %get3A_761 = arith.index_cast %add3A_738 : i32 to index
        %get3A_762 = arith.constant 32 : index
        %get3A_763 = tpu.vector_load %arg9[%get3A_761, %get3A_762] {strides = array<i32>} : memref<400x64xf32, #tpu.memory_space<vmem>>, vector<16xf32>,
        %bitcast3A_764 = vector.bitcast %get3A_763 : vector<16xf32> to vector<32xbf16>
        %mul3A_765 = arith.mulf %bitcast3A_760, %bitcast3A_764 : vector<32xbf16>
        %get3A_766 = arith.index_cast %add3A_738 : i32 to index
        %get3A_767 = arith.constant 48 : index
        %get3A_768 = tpu.vector_load %arg8[%get3A_766, %get3A_767] {strides = array<i32>} : memref<400x64xf32, #tpu.memory_space<vmem>>, vector<16xf32>,
        %bitcast3A_769 = vector.bitcast %get3A_768 : vector<16xf32> to vector<32xbf16>
        %get3A_770 = arith.index_cast %add3A_738 : i32 to index
        %get3A_771 = arith.constant 48 : index
        %get3A_772 = tpu.vector_load %arg9[%get3A_770, %get3A_771] {strides = array<i32>} : memref<400x64xf32, #tpu.memory_space<vmem>>, vector<16xf32>,
        %bitcast3A_773 = vector.bitcast %get3A_772 : vector<16xf32> to vector<32xbf16>
        %mul3A_774 = arith.mulf %bitcast3A_769, %bitcast3A_773 : vector<32xbf16>
        %add3A_775 = arith.addf %mul3A_747, %mul3A_756 : vector<32xbf16>
        %add3A_776 = arith.addf %mul3A_765, %mul3A_774 : vector<32xbf16>
        %add3A_777 = arith.addf %add3A_775, %add3A_776 : vector<32xbf16>
        %unpack3A_778 = tpu.unpack_subelements %add3A_777, 0 {pack_format = #tpu.pack_format<interleaved>} : vector<32xbf16> -> vector<16xf32>
        %unpack3A_779 = tpu.unpack_subelements %add3A_777, 1 {pack_format = #tpu.pack_format<interleaved>} : vector<32xbf16> -> vector<16xf32>
        %add3A_780 = arith.addf %unpack3A_778, %unpack3A_779 : vector<16xf32>
        %mul3A_781 = arith.constant 16 : i32
        %mul3A_782 = arith.muli %scan3A_139, %mul3A_781 : i32
        %add3A_783 = arith.constant 14 : i32
        %add3A_784 = arith.addi %mul3A_782, %add3A_783 : i32
        %get3A_785 = arith.index_cast %add3A_784 : i32 to index
        %get3A_786 = arith.constant 0 : index
        %get3A_787 = tpu.vector_load %arg8[%get3A_785, %get3A_786] {strides = array<i32>} : memref<400x64xf32, #tpu.memory_space<vmem>>, vector<16xf32>,
        %bitcast3A_788 = vector.bitcast %get3A_787 : vector<16xf32> to vector<32xbf16>
        %get3A_789 = arith.index_cast %add3A_784 : i32 to index
        %get3A_790 = arith.constant 0 : index
        %get3A_791 = tpu.vector_load %arg9[%get3A_789, %get3A_790] {strides = array<i32>} : memref<400x64xf32, #tpu.memory_space<vmem>>, vector<16xf32>,
        %bitcast3A_792 = vector.bitcast %get3A_791 : vector<16xf32> to vector<32xbf16>
        %mul3A_793 = arith.mulf %bitcast3A_788, %bitcast3A_792 : vector<32xbf16>
        %get3A_794 = arith.index_cast %add3A_784 : i32 to index
        %get3A_795 = arith.constant 16 : index
        %get3A_796 = tpu.vector_load %arg8[%get3A_794, %get3A_795] {strides = array<i32>} : memref<400x64xf32, #tpu.memory_space<vmem>>, vector<16xf32>,
        %bitcast3A_797 = vector.bitcast %get3A_796 : vector<16xf32> to vector<32xbf16>
        %get3A_798 = arith.index_cast %add3A_784 : i32 to index
        %get3A_799 = arith.constant 16 : index
        %get3A_800 = tpu.vector_load %arg9[%get3A_798, %get3A_799] {strides = array<i32>} : memref<400x64xf32, #tpu.memory_space<vmem>>, vector<16xf32>,
        %bitcast3A_801 = vector.bitcast %get3A_800 : vector<16xf32> to vector<32xbf16>
        %mul3A_802 = arith.mulf %bitcast3A_797, %bitcast3A_801 : vector<32xbf16>
        %get3A_803 = arith.index_cast %add3A_784 : i32 to index
        %get3A_804 = arith.constant 32 : index
        %get3A_805 = tpu.vector_load %arg8[%get3A_803, %get3A_804] {strides = array<i32>} : memref<400x64xf32, #tpu.memory_space<vmem>>, vector<16xf32>,
        %bitcast3A_806 = vector.bitcast %get3A_805 : vector<16xf32> to vector<32xbf16>
        %get3A_807 = arith.index_cast %add3A_784 : i32 to index
        %get3A_808 = arith.constant 32 : index
        %get3A_809 = tpu.vector_load %arg9[%get3A_807, %get3A_808] {strides = array<i32>} : memref<400x64xf32, #tpu.memory_space<vmem>>, vector<16xf32>,
        %bitcast3A_810 = vector.bitcast %get3A_809 : vector<16xf32> to vector<32xbf16>
        %mul3A_811 = arith.mulf %bitcast3A_806, %bitcast3A_810 : vector<32xbf16>
        %get3A_812 = arith.index_cast %add3A_784 : i32 to index
        %get3A_813 = arith.constant 48 : index
        %get3A_814 = tpu.vector_load %arg8[%get3A_812, %get3A_813] {strides = array<i32>} : memref<400x64xf32, #tpu.memory_space<vmem>>, vector<16xf32>,
        %bitcast3A_815 = vector.bitcast %get3A_814 : vector<16xf32> to vector<32xbf16>
        %get3A_816 = arith.index_cast %add3A_784 : i32 to index
        %get3A_817 = arith.constant 48 : index
        %get3A_818 = tpu.vector_load %arg9[%get3A_816, %get3A_817] {strides = array<i32>} : memref<400x64xf32, #tpu.memory_space<vmem>>, vector<16xf32>,
        %bitcast3A_819 = vector.bitcast %get3A_818 : vector<16xf32> to vector<32xbf16>
        %mul3A_820 = arith.mulf %bitcast3A_815, %bitcast3A_819 : vector<32xbf16>
        %add3A_821 = arith.addf %mul3A_793, %mul3A_802 : vector<32xbf16>
        %add3A_822 = arith.addf %mul3A_811, %mul3A_820 : vector<32xbf16>
        %add3A_823 = arith.addf %add3A_821, %add3A_822 : vector<32xbf16>
        %unpack3A_824 = tpu.unpack_subelements %add3A_823, 0 {pack_format = #tpu.pack_format<interleaved>} : vector<32xbf16> -> vector<16xf32>
        %unpack3A_825 = tpu.unpack_subelements %add3A_823, 1 {pack_format = #tpu.pack_format<interleaved>} : vector<32xbf16> -> vector<16xf32>
        %add3A_826 = arith.addf %unpack3A_824, %unpack3A_825 : vector<16xf32>
        %mul3A_827 = arith.constant 16 : i32
        %mul3A_828 = arith.muli %scan3A_139, %mul3A_827 : i32
        %add3A_829 = arith.constant 15 : i32
        %add3A_830 = arith.addi %mul3A_828, %add3A_829 : i32
        %get3A_831 = arith.index_cast %add3A_830 : i32 to index
        %get3A_832 = arith.constant 0 : index
        %get3A_833 = tpu.vector_load %arg8[%get3A_831, %get3A_832] {strides = array<i32>} : memref<400x64xf32, #tpu.memory_space<vmem>>, vector<16xf32>,
        %bitcast3A_834 = vector.bitcast %get3A_833 : vector<16xf32> to vector<32xbf16>
        %get3A_835 = arith.index_cast %add3A_830 : i32 to index
        %get3A_836 = arith.constant 0 : index
        %get3A_837 = tpu.vector_load %arg9[%get3A_835, %get3A_836] {strides = array<i32>} : memref<400x64xf32, #tpu.memory_space<vmem>>, vector<16xf32>,
        %bitcast3A_838 = vector.bitcast %get3A_837 : vector<16xf32> to vector<32xbf16>
        %mul3A_839 = arith.mulf %bitcast3A_834, %bitcast3A_838 : vector<32xbf16>
        %get3A_840 = arith.index_cast %add3A_830 : i32 to index
        %get3A_841 = arith.constant 16 : index
        %get3A_842 = tpu.vector_load %arg8[%get3A_840, %get3A_841] {strides = array<i32>} : memref<400x64xf32, #tpu.memory_space<vmem>>, vector<16xf32>,
        %bitcast3A_843 = vector.bitcast %get3A_842 : vector<16xf32> to vector<32xbf16>
        %get3A_844 = arith.index_cast %add3A_830 : i32 to index
        %get3A_845 = arith.constant 16 : index
        %get3A_846 = tpu.vector_load %arg9[%get3A_844, %get3A_845] {strides = array<i32>} : memref<400x64xf32, #tpu.memory_space<vmem>>, vector<16xf32>,
        %bitcast3A_847 = vector.bitcast %get3A_846 : vector<16xf32> to vector<32xbf16>
        %mul3A_848 = arith.mulf %bitcast3A_843, %bitcast3A_847 : vector<32xbf16>
        %get3A_849 = arith.index_cast %add3A_830 : i32 to index
        %get3A_850 = arith.constant 32 : index
        %get3A_851 = tpu.vector_load %arg8[%get3A_849, %get3A_850] {strides = array<i32>} : memref<400x64xf32, #tpu.memory_space<vmem>>, vector<16xf32>,
        %bitcast3A_852 = vector.bitcast %get3A_851 : vector<16xf32> to vector<32xbf16>
        %get3A_853 = arith.index_cast %add3A_830 : i32 to index
        %get3A_854 = arith.constant 32 : index
        %get3A_855 = tpu.vector_load %arg9[%get3A_853, %get3A_854] {strides = array<i32>} : memref<400x64xf32, #tpu.memory_space<vmem>>, vector<16xf32>,
        %bitcast3A_856 = vector.bitcast %get3A_855 : vector<16xf32> to vector<32xbf16>
        %mul3A_857 = arith.mulf %bitcast3A_852, %bitcast3A_856 : vector<32xbf16>
        %get3A_858 = arith.index_cast %add3A_830 : i32 to index
        %get3A_859 = arith.constant 48 : index
        %get3A_860 = tpu.vector_load %arg8[%get3A_858, %get3A_859] {strides = array<i32>} : memref<400x64xf32, #tpu.memory_space<vmem>>, vector<16xf32>,
        %bitcast3A_861 = vector.bitcast %get3A_860 : vector<16xf32> to vector<32xbf16>
        %get3A_862 = arith.index_cast %add3A_830 : i32 to index
        %get3A_863 = arith.constant 48 : index
        %get3A_864 = tpu.vector_load %arg9[%get3A_862, %get3A_863] {strides = array<i32>} : memref<400x64xf32, #tpu.memory_space<vmem>>, vector<16xf32>,
        %bitcast3A_865 = vector.bitcast %get3A_864 : vector<16xf32> to vector<32xbf16>
        %mul3A_866 = arith.mulf %bitcast3A_861, %bitcast3A_865 : vector<32xbf16>
        %add3A_867 = arith.addf %mul3A_839, %mul3A_848 : vector<32xbf16>
        %add3A_868 = arith.addf %mul3A_857, %mul3A_866 : vector<32xbf16>
        %add3A_869 = arith.addf %add3A_867, %add3A_868 : vector<32xbf16>
        %unpack3A_870 = tpu.unpack_subelements %add3A_869, 0 {pack_format = #tpu.pack_format<interleaved>} : vector<32xbf16> -> vector<16xf32>
        %unpack3A_871 = tpu.unpack_subelements %add3A_869, 1 {pack_format = #tpu.pack_format<interleaved>} : vector<32xbf16> -> vector<16xf32>
        %add3A_872 = arith.addf %unpack3A_870, %unpack3A_871 : vector<16xf32>
        %select_n3A = arith.select %eq3A_10, %add3A_182, %add3A_228 : vector<16xi1>, vector<16xf32>
        %select_n3A_873 = arith.select %eq3A_10, %add3A_228, %add3A_182 : vector<16xi1>, vector<16xf32>
        %broadcast_in_dim3A = vector.shape_cast %xor3A_39 : vector<16xi32> to vector<16x1xi32>
        %gather3A = vector.shape_cast %broadcast_in_dim3A : vector<16x1xi32> to vector<16xi32>
        %gather3A_874 = tpu.dynamic_gather %select_n3A_873[%gather3A] in [0] : vector<16xf32>, vector<16xi32> -> vector<16xf32>
        %add3A_875 = arith.addf %select_n3A, %gather3A_874 : vector<16xf32>
        %select_n3A_876 = arith.select %eq3A_10, %add3A_274, %add3A_320 : vector<16xi1>, vector<16xf32>
        %select_n3A_877 = arith.select %eq3A_10, %add3A_320, %add3A_274 : vector<16xi1>, vector<16xf32>
        %broadcast_in_dim3A_878 = vector.shape_cast %xor3A_39 : vector<16xi32> to vector<16x1xi32>
        %gather3A_879 = vector.shape_cast %broadcast_in_dim3A_878 : vector<16x1xi32> to vector<16xi32>
        %gather3A_880 = tpu.dynamic_gather %select_n3A_877[%gather3A_879] in [0] : vector<16xf32>, vector<16xi32> -> vector<16xf32>
        %add3A_881 = arith.addf %select_n3A_876, %gather3A_880 : vector<16xf32>
        %select_n3A_882 = arith.select %eq3A_10, %add3A_366, %add3A_412 : vector<16xi1>, vector<16xf32>
        %select_n3A_883 = arith.select %eq3A_10, %add3A_412, %add3A_366 : vector<16xi1>, vector<16xf32>
        %broadcast_in_dim3A_884 = vector.shape_cast %xor3A_39 : vector<16xi32> to vector<16x1xi32>
        %gather3A_885 = vector.shape_cast %broadcast_in_dim3A_884 : vector<16x1xi32> to vector<16xi32>
        %gather3A_886 = tpu.dynamic_gather %select_n3A_883[%gather3A_885] in [0] : vector<16xf32>, vector<16xi32> -> vector<16xf32>
        %add3A_887 = arith.addf %select_n3A_882, %gather3A_886 : vector<16xf32>
        %select_n3A_888 = arith.select %eq3A_10, %add3A_458, %add3A_504 : vector<16xi1>, vector<16xf32>
        %select_n3A_889 = arith.select %eq3A_10, %add3A_504, %add3A_458 : vector<16xi1>, vector<16xf32>
        %broadcast_in_dim3A_890 = vector.shape_cast %xor3A_39 : vector<16xi32> to vector<16x1xi32>
        %gather3A_891 = vector.shape_cast %broadcast_in_dim3A_890 : vector<16x1xi32> to vector<16xi32>
        %gather3A_892 = tpu.dynamic_gather %select_n3A_889[%gather3A_891] in [0] : vector<16xf32>, vector<16xi32> -> vector<16xf32>
        %add3A_893 = arith.addf %select_n3A_888, %gather3A_892 : vector<16xf32>
        %select_n3A_894 = arith.select %eq3A_10, %add3A_550, %add3A_596 : vector<16xi1>, vector<16xf32>
        %select_n3A_895 = arith.select %eq3A_10, %add3A_596, %add3A_550 : vector<16xi1>, vector<16xf32>
        %broadcast_in_dim3A_896 = vector.shape_cast %xor3A_39 : vector<16xi32> to vector<16x1xi32>
        %gather3A_897 = vector.shape_cast %broadcast_in_dim3A_896 : vector<16x1xi32> to vector<16xi32>
        %gather3A_898 = tpu.dynamic_gather %select_n3A_895[%gather3A_897] in [0] : vector<16xf32>, vector<16xi32> -> vector<16xf32>
        %add3A_899 = arith.addf %select_n3A_894, %gather3A_898 : vector<16xf32>
        %select_n3A_900 = arith.select %eq3A_10, %add3A_642, %add3A_688 : vector<16xi1>, vector<16xf32>
        %select_n3A_901 = arith.select %eq3A_10, %add3A_688, %add3A_642 : vector<16xi1>, vector<16xf32>
        %broadcast_in_dim3A_902 = vector.shape_cast %xor3A_39 : vector<16xi32> to vector<16x1xi32>
        %gather3A_903 = vector.shape_cast %broadcast_in_dim3A_902 : vector<16x1xi32> to vector<16xi32>
        %gather3A_904 = tpu.dynamic_gather %select_n3A_901[%gather3A_903] in [0] : vector<16xf32>, vector<16xi32> -> vector<16xf32>
        %add3A_905 = arith.addf %select_n3A_900, %gather3A_904 : vector<16xf32>
        %select_n3A_906 = arith.select %eq3A_10, %add3A_734, %add3A_780 : vector<16xi1>, vector<16xf32>
        %select_n3A_907 = arith.select %eq3A_10, %add3A_780, %add3A_734 : vector<16xi1>, vector<16xf32>
        %broadcast_in_dim3A_908 = vector.shape_cast %xor3A_39 : vector<16xi32> to vector<16x1xi32>
        %gather3A_909 = vector.shape_cast %broadcast_in_dim3A_908 : vector<16x1xi32> to vector<16xi32>
        %gather3A_910 = tpu.dynamic_gather %select_n3A_907[%gather3A_909] in [0] : vector<16xf32>, vector<16xi32> -> vector<16xf32>
        %add3A_911 = arith.addf %select_n3A_906, %gather3A_910 : vector<16xf32>
        %select_n3A_912 = arith.select %eq3A_10, %add3A_826, %add3A_872 : vector<16xi1>, vector<16xf32>
        %select_n3A_913 = arith.select %eq3A_10, %add3A_872, %add3A_826 : vector<16xi1>, vector<16xf32>
        %broadcast_in_dim3A_914 = vector.shape_cast %xor3A_39 : vector<16xi32> to vector<16x1xi32>
        %gather3A_915 = vector.shape_cast %broadcast_in_dim3A_914 : vector<16x1xi32> to vector<16xi32>
        %gather3A_916 = tpu.dynamic_gather %select_n3A_913[%gather3A_915] in [0] : vector<16xf32>, vector<16xi32> -> vector<16xf32>
        %add3A_917 = arith.addf %select_n3A_912, %gather3A_916 : vector<16xf32>
        %select_n3A_918 = arith.select %eq3A_19, %add3A_875, %add3A_881 : vector<16xi1>, vector<16xf32>
        %select_n3A_919 = arith.select %eq3A_19, %add3A_881, %add3A_875 : vector<16xi1>, vector<16xf32>
        %broadcast_in_dim3A_920 = vector.shape_cast %xor3A_42 : vector<16xi32> to vector<16x1xi32>
        %gather3A_921 = vector.shape_cast %broadcast_in_dim3A_920 : vector<16x1xi32> to vector<16xi32>
        %gather3A_922 = tpu.dynamic_gather %select_n3A_919[%gather3A_921] in [0] : vector<16xf32>, vector<16xi32> -> vector<16xf32>
        %add3A_923 = arith.addf %select_n3A_918, %gather3A_922 : vector<16xf32>
        %select_n3A_924 = arith.select %eq3A_19, %add3A_887, %add3A_893 : vector<16xi1>, vector<16xf32>
        %select_n3A_925 = arith.select %eq3A_19, %add3A_893, %add3A_887 : vector<16xi1>, vector<16xf32>
        %broadcast_in_dim3A_926 = vector.shape_cast %xor3A_42 : vector<16xi32> to vector<16x1xi32>
        %gather3A_927 = vector.shape_cast %broadcast_in_dim3A_926 : vector<16x1xi32> to vector<16xi32>
        %gather3A_928 = tpu.dynamic_gather %select_n3A_925[%gather3A_927] in [0] : vector<16xf32>, vector<16xi32> -> vector<16xf32>
        %add3A_929 = arith.addf %select_n3A_924, %gather3A_928 : vector<16xf32>
        %select_n3A_930 = arith.select %eq3A_19, %add3A_899, %add3A_905 : vector<16xi1>, vector<16xf32>
        %select_n3A_931 = arith.select %eq3A_19, %add3A_905, %add3A_899 : vector<16xi1>, vector<16xf32>
        %broadcast_in_dim3A_932 = vector.shape_cast %xor3A_42 : vector<16xi32> to vector<16x1xi32>
        %gather3A_933 = vector.shape_cast %broadcast_in_dim3A_932 : vector<16x1xi32> to vector<16xi32>
        %gather3A_934 = tpu.dynamic_gather %select_n3A_931[%gather3A_933] in [0] : vector<16xf32>, vector<16xi32> -> vector<16xf32>
        %add3A_935 = arith.addf %select_n3A_930, %gather3A_934 : vector<16xf32>
        %select_n3A_936 = arith.select %eq3A_19, %add3A_911, %add3A_917 : vector<16xi1>, vector<16xf32>
        %select_n3A_937 = arith.select %eq3A_19, %add3A_917, %add3A_911 : vector<16xi1>, vector<16xf32>
        %broadcast_in_dim3A_938 = vector.shape_cast %xor3A_42 : vector<16xi32> to vector<16x1xi32>
        %gather3A_939 = vector.shape_cast %broadcast_in_dim3A_938 : vector<16x1xi32> to vector<16xi32>
        %gather3A_940 = tpu.dynamic_gather %select_n3A_937[%gather3A_939] in [0] : vector<16xf32>, vector<16xi32> -> vector<16xf32>
        %add3A_941 = arith.addf %select_n3A_936, %gather3A_940 : vector<16xf32>
        %select_n3A_942 = arith.select %eq3A_28, %add3A_923, %add3A_929 : vector<16xi1>, vector<16xf32>
        %select_n3A_943 = arith.select %eq3A_28, %add3A_929, %add3A_923 : vector<16xi1>, vector<16xf32>
        %broadcast_in_dim3A_944 = vector.shape_cast %xor3A_45 : vector<16xi32> to vector<16x1xi32>
        %gather3A_945 = vector.shape_cast %broadcast_in_dim3A_944 : vector<16x1xi32> to vector<16xi32>
        %gather3A_946 = tpu.dynamic_gather %select_n3A_943[%gather3A_945] in [0] : vector<16xf32>, vector<16xi32> -> vector<16xf32>
        %add3A_947 = arith.addf %select_n3A_942, %gather3A_946 : vector<16xf32>
        %select_n3A_948 = arith.select %eq3A_28, %add3A_935, %add3A_941 : vector<16xi1>, vector<16xf32>
        %select_n3A_949 = arith.select %eq3A_28, %add3A_941, %add3A_935 : vector<16xi1>, vector<16xf32>
        %broadcast_in_dim3A_950 = vector.shape_cast %xor3A_45 : vector<16xi32> to vector<16x1xi32>
        %gather3A_951 = vector.shape_cast %broadcast_in_dim3A_950 : vector<16x1xi32> to vector<16xi32>
        %gather3A_952 = tpu.dynamic_gather %select_n3A_949[%gather3A_951] in [0] : vector<16xf32>, vector<16xi32> -> vector<16xf32>
        %add3A_953 = arith.addf %select_n3A_948, %gather3A_952 : vector<16xf32>
        %select_n3A_954 = arith.select %eq3A_37, %add3A_947, %add3A_953 : vector<16xi1>, vector<16xf32>
        %select_n3A_955 = arith.select %eq3A_37, %add3A_953, %add3A_947 : vector<16xi1>, vector<16xf32>
        %broadcast_in_dim3A_956 = vector.shape_cast %xor3A_48 : vector<16xi32> to vector<16x1xi32>
        %gather3A_957 = vector.shape_cast %broadcast_in_dim3A_956 : vector<16x1xi32> to vector<16xi32>
        %gather3A_958 = tpu.dynamic_gather %select_n3A_955[%gather3A_957] in [0] : vector<16xf32>, vector<16xi32> -> vector<16xf32>
        %add3A_959 = arith.addf %select_n3A_954, %gather3A_958 : vector<16xf32>
        %mul3A_960 = arith.constant 16 : i32
        %mul3A_961 = arith.muli %scan3A_139, %mul3A_960 : i32
        %swap3A = arith.index_cast %mul3A_961 : i32 to index
        %swap3A_962 = tpu.vector_load %arg12[%swap3A] {strides = array<i32>} : memref<400xf32, #tpu.memory_space<vmem>>, vector<16xf32>,
        tpu.vector_store %arg12[%swap3A], %add3A_959 {strides = array<i32>} : memref<400xf32, #tpu.memory_space<vmem>>, vector<16xf32>,
      }
      %scan3A_110 = arith.constant 25 : i32
      %mul3A_111 = arith.constant 400 : i32
      %mul3A_112 = arith.muli %mul3A_82, %mul3A_111 : i32
      %add3A_113 = arith.addi %mul3A_2, %mul3A_112 : i32
      "tpu.region"() ({
        %run_scoped3A = tpu.sem_alloc : memref<!tpu.dma_semaphore, #tpu.memory_space<semaphore_mem>>
        %dma_start3A_139 = tpu.memref_slice %arg5[%add3A_113] : memref<320000xf32, #tpu.memory_space<hbm>> -> memref<400xf32, #tpu.memory_space<hbm>>
        %dma_start3A_140 = tpu.memref_slice %arg5[%add3A_113] : memref<320000xf32, #tpu.memory_space<hbm>> -> memref<400xf32, #tpu.memory_space<hbm>>
        tpu.enqueue_dma source(%arg12 : memref<400xf32, #tpu.memory_space<vmem>>) target(%dma_start3A_140 : memref<400xf32, #tpu.memory_space<hbm>>) target_semaphore(%run_scoped3A : memref<!tpu.dma_semaphore, #tpu.memory_space<semaphore_mem>>)
        %dma_wait3A_141 = tpu.memref_slice %arg5[%add3A_113] : memref<320000xf32, #tpu.memory_space<hbm>> -> memref<400xf32, #tpu.memory_space<hbm>>
        %dma_wait3A_142 = tpu.memref_slice %arg5[%add3A_113] : memref<320000xf32, #tpu.memory_space<hbm>> -> memref<400xf32, #tpu.memory_space<hbm>>
        tpu.wait_dma2 semaphore(%run_scoped3A : memref<!tpu.dma_semaphore, #tpu.memory_space<semaphore_mem>>) src(%arg12 : memref<400xf32, #tpu.memory_space<vmem>>) dst(%dma_wait3A_142 : memref<400xf32, #tpu.memory_space<hbm>>)
        tpu.yield
      }) : () -> ()
      %add3A_114 = arith.constant 2 : i32
      %add3A_115 = arith.addi %mul3A_82, %add3A_114 : i32
      %lt3A = arith.constant 25 : i32
      %lt3A_116 = arith.cmpi slt, %add3A_115, %lt3A : i32
      %convert_element_type3A = arith.extui %lt3A_116 : i1 to i32
      %cond3A = arith.constant 0 : i32
      %cond3A_117 = arith.cmpi ne, %convert_element_type3A, %cond3A : i32
      scf.if %cond3A_117 {
        %add3A_139 = arith.constant 2 : i32
        %add3A_140 = arith.addi %mul3A_82, %add3A_139 : i32
        %mul3A_141 = arith.constant 400 : i32
        %mul3A_142 = arith.muli %add3A_140, %mul3A_141 : i32
        %dma_start3A_143 = tpu.memref_slice %arg6[%mul3A_142] : memref<10000xi32, #tpu.memory_space<vmem>> -> memref<400xi32, #tpu.memory_space<vmem>>
        %dma_start3A_144 = arith.constant 0 : i32
        %dma_start3A_145 = arith.constant 0 : i32
        %dma_start3A_146 = tpu.memref_slice %arg2[%dma_start3A_144, %dma_start3A_145] : memref<10000x64xf32, #tpu.memory_space<hbm>> -> memref<10000x64xf32, #tpu.memory_space<hbm>>
        tpu.enqueue_indirect_dma source(%dma_start3A_146 : memref<10000x64xf32, #tpu.memory_space<hbm>>) target(%arg8 : memref<400x64xf32, #tpu.memory_space<vmem>>) offsets(%dma_start3A_143 : memref<400xi32, #tpu.memory_space<vmem>>) semaphore(%arg13 : memref<!tpu.dma_semaphore, #tpu.memory_space<semaphore_mem>>)
        %dma_start3A_147 = tpu.memref_slice %arg7[%mul3A_142] : memref<10000xi32, #tpu.memory_space<vmem>> -> memref<400xi32, #tpu.memory_space<vmem>>
        %dma_start3A_148 = arith.constant 0 : i32
        %dma_start3A_149 = arith.constant 0 : i32
        %dma_start3A_150 = tpu.memref_slice %arg3[%dma_start3A_148, %dma_start3A_149] : memref<10000x64xf32, #tpu.memory_space<hbm>> -> memref<10000x64xf32, #tpu.memory_space<hbm>>
        tpu.enqueue_indirect_dma source(%dma_start3A_150 : memref<10000x64xf32, #tpu.memory_space<hbm>>) target(%arg9 : memref<400x64xf32, #tpu.memory_space<vmem>>) offsets(%dma_start3A_147 : memref<400xi32, #tpu.memory_space<vmem>>) semaphore(%arg14 : memref<!tpu.dma_semaphore, #tpu.memory_space<semaphore_mem>>)
      } else {
      }
      %add3A_118 = arith.constant 1 : i32
      %add3A_119 = arith.addi %mul3A_82, %add3A_118 : i32
      %mul3A_120 = arith.constant 400 : i32
      %mul3A_121 = arith.muli %add3A_119, %mul3A_120 : i32
      %dma_wait3A_122 = tpu.memref_slice %arg6[%mul3A_121] : memref<10000xi32, #tpu.memory_space<vmem>> -> memref<400xi32, #tpu.memory_space<vmem>>
      %dma_wait3A_123 = arith.constant 0 : i32
      %dma_wait3A_124 = arith.constant 0 : i32
      %dma_wait3A_125 = tpu.memref_slice %arg2[%dma_wait3A_123, %dma_wait3A_124] : memref<10000x64xf32, #tpu.memory_space<hbm>> -> memref<10000x64xf32, #tpu.memory_space<hbm>>
      tpu.wait_indirect_dma semaphore(%arg15 : memref<!tpu.dma_semaphore, #tpu.memory_space<semaphore_mem>>) src(%dma_wait3A_125 : memref<10000x64xf32, #tpu.memory_space<hbm>>) dst(%arg10 : memref<400x64xf32, #tpu.memory_space<vmem>>)
      %dma_wait3A_126 = tpu.memref_slice %arg7[%mul3A_121] : memref<10000xi32, #tpu.memory_space<vmem>> -> memref<400xi32, #tpu.memory_space<vmem>>
      %dma_wait3A_127 = arith.constant 0 : i32
      %dma_wait3A_128 = arith.constant 0 : i32
      %dma_wait3A_129 = tpu.memref_slice %arg3[%dma_wait3A_127, %dma_wait3A_128] : memref<10000x64xf32, #tpu.memory_space<hbm>> -> memref<10000x64xf32, #tpu.memory_space<hbm>>
      tpu.wait_indirect_dma semaphore(%arg16 : memref<!tpu.dma_semaphore, #tpu.memory_space<semaphore_mem>>) src(%dma_wait3A_129 : memref<10000x64xf32, #tpu.memory_space<hbm>>) dst(%arg11 : memref<400x64xf32, #tpu.memory_space<vmem>>)
      %scan3A_130 = arith.constant 0 : i32
      %scan3A_131 = arith.constant 0 : i32
      %scan3A_132 = arith.constant 25 : i32
      %scan3A_133 = arith.addi %scan3A_131, %scan3A_132 : i32
      %scan3A_134 = arith.constant 1 : i32
      scf.for %scan3A_139 = %scan3A_131 to %scan3A_133 step %scan3A_134  : i32 {
        %mul3A_140 = arith.constant 16 : i32
        %mul3A_141 = arith.muli %scan3A_139, %mul3A_140 : i32
        %add3A_142 = arith.constant 0 : i32
        %add3A_143 = arith.addi %mul3A_141, %add3A_142 : i32
        %get3A = arith.index_cast %add3A_143 : i32 to index
        %get3A_144 = arith.constant 0 : index
        %get3A_145 = tpu.vector_load %arg10[%get3A, %get3A_144] {strides = array<i32>} : memref<400x64xf32, #tpu.memory_space<vmem>>, vector<16xf32>,
        %bitcast3A = vector.bitcast %get3A_145 : vector<16xf32> to vector<32xbf16>
        %get3A_146 = arith.index_cast %add3A_143 : i32 to index
        %get3A_147 = arith.constant 0 : index
        %get3A_148 = tpu.vector_load %arg11[%get3A_146, %get3A_147] {strides = array<i32>} : memref<400x64xf32, #tpu.memory_space<vmem>>, vector<16xf32>,
        %bitcast3A_149 = vector.bitcast %get3A_148 : vector<16xf32> to vector<32xbf16>
        %mul3A_150 = arith.mulf %bitcast3A, %bitcast3A_149 : vector<32xbf16>
        %get3A_151 = arith.index_cast %add3A_143 : i32 to index
        %get3A_152 = arith.constant 16 : index
        %get3A_153 = tpu.vector_load %arg10[%get3A_151, %get3A_152] {strides = array<i32>} : memref<400x64xf32, #tpu.memory_space<vmem>>, vector<16xf32>,
        %bitcast3A_154 = vector.bitcast %get3A_153 : vector<16xf32> to vector<32xbf16>
        %get3A_155 = arith.index_cast %add3A_143 : i32 to index
        %get3A_156 = arith.constant 16 : index
        %get3A_157 = tpu.vector_load %arg11[%get3A_155, %get3A_156] {strides = array<i32>} : memref<400x64xf32, #tpu.memory_space<vmem>>, vector<16xf32>,
        %bitcast3A_158 = vector.bitcast %get3A_157 : vector<16xf32> to vector<32xbf16>
        %mul3A_159 = arith.mulf %bitcast3A_154, %bitcast3A_158 : vector<32xbf16>
        %get3A_160 = arith.index_cast %add3A_143 : i32 to index
        %get3A_161 = arith.constant 32 : index
        %get3A_162 = tpu.vector_load %arg10[%get3A_160, %get3A_161] {strides = array<i32>} : memref<400x64xf32, #tpu.memory_space<vmem>>, vector<16xf32>,
        %bitcast3A_163 = vector.bitcast %get3A_162 : vector<16xf32> to vector<32xbf16>
        %get3A_164 = arith.index_cast %add3A_143 : i32 to index
        %get3A_165 = arith.constant 32 : index
        %get3A_166 = tpu.vector_load %arg11[%get3A_164, %get3A_165] {strides = array<i32>} : memref<400x64xf32, #tpu.memory_space<vmem>>, vector<16xf32>,
        %bitcast3A_167 = vector.bitcast %get3A_166 : vector<16xf32> to vector<32xbf16>
        %mul3A_168 = arith.mulf %bitcast3A_163, %bitcast3A_167 : vector<32xbf16>
        %get3A_169 = arith.index_cast %add3A_143 : i32 to index
        %get3A_170 = arith.constant 48 : index
        %get3A_171 = tpu.vector_load %arg10[%get3A_169, %get3A_170] {strides = array<i32>} : memref<400x64xf32, #tpu.memory_space<vmem>>, vector<16xf32>,
        %bitcast3A_172 = vector.bitcast %get3A_171 : vector<16xf32> to vector<32xbf16>
        %get3A_173 = arith.index_cast %add3A_143 : i32 to index
        %get3A_174 = arith.constant 48 : index
        %get3A_175 = tpu.vector_load %arg11[%get3A_173, %get3A_174] {strides = array<i32>} : memref<400x64xf32, #tpu.memory_space<vmem>>, vector<16xf32>,
        %bitcast3A_176 = vector.bitcast %get3A_175 : vector<16xf32> to vector<32xbf16>
        %mul3A_177 = arith.mulf %bitcast3A_172, %bitcast3A_176 : vector<32xbf16>
        %add3A_178 = arith.addf %mul3A_150, %mul3A_159 : vector<32xbf16>
        %add3A_179 = arith.addf %mul3A_168, %mul3A_177 : vector<32xbf16>
        %add3A_180 = arith.addf %add3A_178, %add3A_179 : vector<32xbf16>
        %unpack3A = tpu.unpack_subelements %add3A_180, 0 {pack_format = #tpu.pack_format<interleaved>} : vector<32xbf16> -> vector<16xf32>
        %unpack3A_181 = tpu.unpack_subelements %add3A_180, 1 {pack_format = #tpu.pack_format<interleaved>} : vector<32xbf16> -> vector<16xf32>
        %add3A_182 = arith.addf %unpack3A, %unpack3A_181 : vector<16xf32>
        %mul3A_183 = arith.constant 16 : i32
        %mul3A_184 = arith.muli %scan3A_139, %mul3A_183 : i32
        %add3A_185 = arith.constant 1 : i32
        %add3A_186 = arith.addi %mul3A_184, %add3A_185 : i32
        %get3A_187 = arith.index_cast %add3A_186 : i32 to index
        %get3A_188 = arith.constant 0 : index
        %get3A_189 = tpu.vector_load %arg10[%get3A_187, %get3A_188] {strides = array<i32>} : memref<400x64xf32, #tpu.memory_space<vmem>>, vector<16xf32>,
        %bitcast3A_190 = vector.bitcast %get3A_189 : vector<16xf32> to vector<32xbf16>
        %get3A_191 = arith.index_cast %add3A_186 : i32 to index
        %get3A_192 = arith.constant 0 : index
        %get3A_193 = tpu.vector_load %arg11[%get3A_191, %get3A_192] {strides = array<i32>} : memref<400x64xf32, #tpu.memory_space<vmem>>, vector<16xf32>,
        %bitcast3A_194 = vector.bitcast %get3A_193 : vector<16xf32> to vector<32xbf16>
        %mul3A_195 = arith.mulf %bitcast3A_190, %bitcast3A_194 : vector<32xbf16>
        %get3A_196 = arith.index_cast %add3A_186 : i32 to index
        %get3A_197 = arith.constant 16 : index
        %get3A_198 = tpu.vector_load %arg10[%get3A_196, %get3A_197] {strides = array<i32>} : memref<400x64xf32, #tpu.memory_space<vmem>>, vector<16xf32>,
        %bitcast3A_199 = vector.bitcast %get3A_198 : vector<16xf32> to vector<32xbf16>
        %get3A_200 = arith.index_cast %add3A_186 : i32 to index
        %get3A_201 = arith.constant 16 : index
        %get3A_202 = tpu.vector_load %arg11[%get3A_200, %get3A_201] {strides = array<i32>} : memref<400x64xf32, #tpu.memory_space<vmem>>, vector<16xf32>,
        %bitcast3A_203 = vector.bitcast %get3A_202 : vector<16xf32> to vector<32xbf16>
        %mul3A_204 = arith.mulf %bitcast3A_199, %bitcast3A_203 : vector<32xbf16>
        %get3A_205 = arith.index_cast %add3A_186 : i32 to index
        %get3A_206 = arith.constant 32 : index
        %get3A_207 = tpu.vector_load %arg10[%get3A_205, %get3A_206] {strides = array<i32>} : memref<400x64xf32, #tpu.memory_space<vmem>>, vector<16xf32>,
        %bitcast3A_208 = vector.bitcast %get3A_207 : vector<16xf32> to vector<32xbf16>
        %get3A_209 = arith.index_cast %add3A_186 : i32 to index
        %get3A_210 = arith.constant 32 : index
        %get3A_211 = tpu.vector_load %arg11[%get3A_209, %get3A_210] {strides = array<i32>} : memref<400x64xf32, #tpu.memory_space<vmem>>, vector<16xf32>,
        %bitcast3A_212 = vector.bitcast %get3A_211 : vector<16xf32> to vector<32xbf16>
        %mul3A_213 = arith.mulf %bitcast3A_208, %bitcast3A_212 : vector<32xbf16>
        %get3A_214 = arith.index_cast %add3A_186 : i32 to index
        %get3A_215 = arith.constant 48 : index
        %get3A_216 = tpu.vector_load %arg10[%get3A_214, %get3A_215] {strides = array<i32>} : memref<400x64xf32, #tpu.memory_space<vmem>>, vector<16xf32>,
        %bitcast3A_217 = vector.bitcast %get3A_216 : vector<16xf32> to vector<32xbf16>
        %get3A_218 = arith.index_cast %add3A_186 : i32 to index
        %get3A_219 = arith.constant 48 : index
        %get3A_220 = tpu.vector_load %arg11[%get3A_218, %get3A_219] {strides = array<i32>} : memref<400x64xf32, #tpu.memory_space<vmem>>, vector<16xf32>,
        %bitcast3A_221 = vector.bitcast %get3A_220 : vector<16xf32> to vector<32xbf16>
        %mul3A_222 = arith.mulf %bitcast3A_217, %bitcast3A_221 : vector<32xbf16>
        %add3A_223 = arith.addf %mul3A_195, %mul3A_204 : vector<32xbf16>
        %add3A_224 = arith.addf %mul3A_213, %mul3A_222 : vector<32xbf16>
        %add3A_225 = arith.addf %add3A_223, %add3A_224 : vector<32xbf16>
        %unpack3A_226 = tpu.unpack_subelements %add3A_225, 0 {pack_format = #tpu.pack_format<interleaved>} : vector<32xbf16> -> vector<16xf32>
        %unpack3A_227 = tpu.unpack_subelements %add3A_225, 1 {pack_format = #tpu.pack_format<interleaved>} : vector<32xbf16> -> vector<16xf32>
        %add3A_228 = arith.addf %unpack3A_226, %unpack3A_227 : vector<16xf32>
        %mul3A_229 = arith.constant 16 : i32
        %mul3A_230 = arith.muli %scan3A_139, %mul3A_229 : i32
        %add3A_231 = arith.constant 2 : i32
        %add3A_232 = arith.addi %mul3A_230, %add3A_231 : i32
        %get3A_233 = arith.index_cast %add3A_232 : i32 to index
        %get3A_234 = arith.constant 0 : index
        %get3A_235 = tpu.vector_load %arg10[%get3A_233, %get3A_234] {strides = array<i32>} : memref<400x64xf32, #tpu.memory_space<vmem>>, vector<16xf32>,
        %bitcast3A_236 = vector.bitcast %get3A_235 : vector<16xf32> to vector<32xbf16>
        %get3A_237 = arith.index_cast %add3A_232 : i32 to index
        %get3A_238 = arith.constant 0 : index
        %get3A_239 = tpu.vector_load %arg11[%get3A_237, %get3A_238] {strides = array<i32>} : memref<400x64xf32, #tpu.memory_space<vmem>>, vector<16xf32>,
        %bitcast3A_240 = vector.bitcast %get3A_239 : vector<16xf32> to vector<32xbf16>
        %mul3A_241 = arith.mulf %bitcast3A_236, %bitcast3A_240 : vector<32xbf16>
        %get3A_242 = arith.index_cast %add3A_232 : i32 to index
        %get3A_243 = arith.constant 16 : index
        %get3A_244 = tpu.vector_load %arg10[%get3A_242, %get3A_243] {strides = array<i32>} : memref<400x64xf32, #tpu.memory_space<vmem>>, vector<16xf32>,
        %bitcast3A_245 = vector.bitcast %get3A_244 : vector<16xf32> to vector<32xbf16>
        %get3A_246 = arith.index_cast %add3A_232 : i32 to index
        %get3A_247 = arith.constant 16 : index
        %get3A_248 = tpu.vector_load %arg11[%get3A_246, %get3A_247] {strides = array<i32>} : memref<400x64xf32, #tpu.memory_space<vmem>>, vector<16xf32>,
        %bitcast3A_249 = vector.bitcast %get3A_248 : vector<16xf32> to vector<32xbf16>
        %mul3A_250 = arith.mulf %bitcast3A_245, %bitcast3A_249 : vector<32xbf16>
        %get3A_251 = arith.index_cast %add3A_232 : i32 to index
        %get3A_252 = arith.constant 32 : index
        %get3A_253 = tpu.vector_load %arg10[%get3A_251, %get3A_252] {strides = array<i32>} : memref<400x64xf32, #tpu.memory_space<vmem>>, vector<16xf32>,
        %bitcast3A_254 = vector.bitcast %get3A_253 : vector<16xf32> to vector<32xbf16>
        %get3A_255 = arith.index_cast %add3A_232 : i32 to index
        %get3A_256 = arith.constant 32 : index
        %get3A_257 = tpu.vector_load %arg11[%get3A_255, %get3A_256] {strides = array<i32>} : memref<400x64xf32, #tpu.memory_space<vmem>>, vector<16xf32>,
        %bitcast3A_258 = vector.bitcast %get3A_257 : vector<16xf32> to vector<32xbf16>
        %mul3A_259 = arith.mulf %bitcast3A_254, %bitcast3A_258 : vector<32xbf16>
        %get3A_260 = arith.index_cast %add3A_232 : i32 to index
        %get3A_261 = arith.constant 48 : index
        %get3A_262 = tpu.vector_load %arg10[%get3A_260, %get3A_261] {strides = array<i32>} : memref<400x64xf32, #tpu.memory_space<vmem>>, vector<16xf32>,
        %bitcast3A_263 = vector.bitcast %get3A_262 : vector<16xf32> to vector<32xbf16>
        %get3A_264 = arith.index_cast %add3A_232 : i32 to index
        %get3A_265 = arith.constant 48 : index
        %get3A_266 = tpu.vector_load %arg11[%get3A_264, %get3A_265] {strides = array<i32>} : memref<400x64xf32, #tpu.memory_space<vmem>>, vector<16xf32>,
        %bitcast3A_267 = vector.bitcast %get3A_266 : vector<16xf32> to vector<32xbf16>
        %mul3A_268 = arith.mulf %bitcast3A_263, %bitcast3A_267 : vector<32xbf16>
        %add3A_269 = arith.addf %mul3A_241, %mul3A_250 : vector<32xbf16>
        %add3A_270 = arith.addf %mul3A_259, %mul3A_268 : vector<32xbf16>
        %add3A_271 = arith.addf %add3A_269, %add3A_270 : vector<32xbf16>
        %unpack3A_272 = tpu.unpack_subelements %add3A_271, 0 {pack_format = #tpu.pack_format<interleaved>} : vector<32xbf16> -> vector<16xf32>
        %unpack3A_273 = tpu.unpack_subelements %add3A_271, 1 {pack_format = #tpu.pack_format<interleaved>} : vector<32xbf16> -> vector<16xf32>
        %add3A_274 = arith.addf %unpack3A_272, %unpack3A_273 : vector<16xf32>
        %mul3A_275 = arith.constant 16 : i32
        %mul3A_276 = arith.muli %scan3A_139, %mul3A_275 : i32
        %add3A_277 = arith.constant 3 : i32
        %add3A_278 = arith.addi %mul3A_276, %add3A_277 : i32
        %get3A_279 = arith.index_cast %add3A_278 : i32 to index
        %get3A_280 = arith.constant 0 : index
        %get3A_281 = tpu.vector_load %arg10[%get3A_279, %get3A_280] {strides = array<i32>} : memref<400x64xf32, #tpu.memory_space<vmem>>, vector<16xf32>,
        %bitcast3A_282 = vector.bitcast %get3A_281 : vector<16xf32> to vector<32xbf16>
        %get3A_283 = arith.index_cast %add3A_278 : i32 to index
        %get3A_284 = arith.constant 0 : index
        %get3A_285 = tpu.vector_load %arg11[%get3A_283, %get3A_284] {strides = array<i32>} : memref<400x64xf32, #tpu.memory_space<vmem>>, vector<16xf32>,
        %bitcast3A_286 = vector.bitcast %get3A_285 : vector<16xf32> to vector<32xbf16>
        %mul3A_287 = arith.mulf %bitcast3A_282, %bitcast3A_286 : vector<32xbf16>
        %get3A_288 = arith.index_cast %add3A_278 : i32 to index
        %get3A_289 = arith.constant 16 : index
        %get3A_290 = tpu.vector_load %arg10[%get3A_288, %get3A_289] {strides = array<i32>} : memref<400x64xf32, #tpu.memory_space<vmem>>, vector<16xf32>,
        %bitcast3A_291 = vector.bitcast %get3A_290 : vector<16xf32> to vector<32xbf16>
        %get3A_292 = arith.index_cast %add3A_278 : i32 to index
        %get3A_293 = arith.constant 16 : index
        %get3A_294 = tpu.vector_load %arg11[%get3A_292, %get3A_293] {strides = array<i32>} : memref<400x64xf32, #tpu.memory_space<vmem>>, vector<16xf32>,
        %bitcast3A_295 = vector.bitcast %get3A_294 : vector<16xf32> to vector<32xbf16>
        %mul3A_296 = arith.mulf %bitcast3A_291, %bitcast3A_295 : vector<32xbf16>
        %get3A_297 = arith.index_cast %add3A_278 : i32 to index
        %get3A_298 = arith.constant 32 : index
        %get3A_299 = tpu.vector_load %arg10[%get3A_297, %get3A_298] {strides = array<i32>} : memref<400x64xf32, #tpu.memory_space<vmem>>, vector<16xf32>,
        %bitcast3A_300 = vector.bitcast %get3A_299 : vector<16xf32> to vector<32xbf16>
        %get3A_301 = arith.index_cast %add3A_278 : i32 to index
        %get3A_302 = arith.constant 32 : index
        %get3A_303 = tpu.vector_load %arg11[%get3A_301, %get3A_302] {strides = array<i32>} : memref<400x64xf32, #tpu.memory_space<vmem>>, vector<16xf32>,
        %bitcast3A_304 = vector.bitcast %get3A_303 : vector<16xf32> to vector<32xbf16>
        %mul3A_305 = arith.mulf %bitcast3A_300, %bitcast3A_304 : vector<32xbf16>
        %get3A_306 = arith.index_cast %add3A_278 : i32 to index
        %get3A_307 = arith.constant 48 : index
        %get3A_308 = tpu.vector_load %arg10[%get3A_306, %get3A_307] {strides = array<i32>} : memref<400x64xf32, #tpu.memory_space<vmem>>, vector<16xf32>,
        %bitcast3A_309 = vector.bitcast %get3A_308 : vector<16xf32> to vector<32xbf16>
        %get3A_310 = arith.index_cast %add3A_278 : i32 to index
        %get3A_311 = arith.constant 48 : index
        %get3A_312 = tpu.vector_load %arg11[%get3A_310, %get3A_311] {strides = array<i32>} : memref<400x64xf32, #tpu.memory_space<vmem>>, vector<16xf32>,
        %bitcast3A_313 = vector.bitcast %get3A_312 : vector<16xf32> to vector<32xbf16>
        %mul3A_314 = arith.mulf %bitcast3A_309, %bitcast3A_313 : vector<32xbf16>
        %add3A_315 = arith.addf %mul3A_287, %mul3A_296 : vector<32xbf16>
        %add3A_316 = arith.addf %mul3A_305, %mul3A_314 : vector<32xbf16>
        %add3A_317 = arith.addf %add3A_315, %add3A_316 : vector<32xbf16>
        %unpack3A_318 = tpu.unpack_subelements %add3A_317, 0 {pack_format = #tpu.pack_format<interleaved>} : vector<32xbf16> -> vector<16xf32>
        %unpack3A_319 = tpu.unpack_subelements %add3A_317, 1 {pack_format = #tpu.pack_format<interleaved>} : vector<32xbf16> -> vector<16xf32>
        %add3A_320 = arith.addf %unpack3A_318, %unpack3A_319 : vector<16xf32>
        %mul3A_321 = arith.constant 16 : i32
        %mul3A_322 = arith.muli %scan3A_139, %mul3A_321 : i32
        %add3A_323 = arith.constant 4 : i32
        %add3A_324 = arith.addi %mul3A_322, %add3A_323 : i32
        %get3A_325 = arith.index_cast %add3A_324 : i32 to index
        %get3A_326 = arith.constant 0 : index
        %get3A_327 = tpu.vector_load %arg10[%get3A_325, %get3A_326] {strides = array<i32>} : memref<400x64xf32, #tpu.memory_space<vmem>>, vector<16xf32>,
        %bitcast3A_328 = vector.bitcast %get3A_327 : vector<16xf32> to vector<32xbf16>
        %get3A_329 = arith.index_cast %add3A_324 : i32 to index
        %get3A_330 = arith.constant 0 : index
        %get3A_331 = tpu.vector_load %arg11[%get3A_329, %get3A_330] {strides = array<i32>} : memref<400x64xf32, #tpu.memory_space<vmem>>, vector<16xf32>,
        %bitcast3A_332 = vector.bitcast %get3A_331 : vector<16xf32> to vector<32xbf16>
        %mul3A_333 = arith.mulf %bitcast3A_328, %bitcast3A_332 : vector<32xbf16>
        %get3A_334 = arith.index_cast %add3A_324 : i32 to index
        %get3A_335 = arith.constant 16 : index
        %get3A_336 = tpu.vector_load %arg10[%get3A_334, %get3A_335] {strides = array<i32>} : memref<400x64xf32, #tpu.memory_space<vmem>>, vector<16xf32>,
        %bitcast3A_337 = vector.bitcast %get3A_336 : vector<16xf32> to vector<32xbf16>
        %get3A_338 = arith.index_cast %add3A_324 : i32 to index
        %get3A_339 = arith.constant 16 : index
        %get3A_340 = tpu.vector_load %arg11[%get3A_338, %get3A_339] {strides = array<i32>} : memref<400x64xf32, #tpu.memory_space<vmem>>, vector<16xf32>,
        %bitcast3A_341 = vector.bitcast %get3A_340 : vector<16xf32> to vector<32xbf16>
        %mul3A_342 = arith.mulf %bitcast3A_337, %bitcast3A_341 : vector<32xbf16>
        %get3A_343 = arith.index_cast %add3A_324 : i32 to index
        %get3A_344 = arith.constant 32 : index
        %get3A_345 = tpu.vector_load %arg10[%get3A_343, %get3A_344] {strides = array<i32>} : memref<400x64xf32, #tpu.memory_space<vmem>>, vector<16xf32>,
        %bitcast3A_346 = vector.bitcast %get3A_345 : vector<16xf32> to vector<32xbf16>
        %get3A_347 = arith.index_cast %add3A_324 : i32 to index
        %get3A_348 = arith.constant 32 : index
        %get3A_349 = tpu.vector_load %arg11[%get3A_347, %get3A_348] {strides = array<i32>} : memref<400x64xf32, #tpu.memory_space<vmem>>, vector<16xf32>,
        %bitcast3A_350 = vector.bitcast %get3A_349 : vector<16xf32> to vector<32xbf16>
        %mul3A_351 = arith.mulf %bitcast3A_346, %bitcast3A_350 : vector<32xbf16>
        %get3A_352 = arith.index_cast %add3A_324 : i32 to index
        %get3A_353 = arith.constant 48 : index
        %get3A_354 = tpu.vector_load %arg10[%get3A_352, %get3A_353] {strides = array<i32>} : memref<400x64xf32, #tpu.memory_space<vmem>>, vector<16xf32>,
        %bitcast3A_355 = vector.bitcast %get3A_354 : vector<16xf32> to vector<32xbf16>
        %get3A_356 = arith.index_cast %add3A_324 : i32 to index
        %get3A_357 = arith.constant 48 : index
        %get3A_358 = tpu.vector_load %arg11[%get3A_356, %get3A_357] {strides = array<i32>} : memref<400x64xf32, #tpu.memory_space<vmem>>, vector<16xf32>,
        %bitcast3A_359 = vector.bitcast %get3A_358 : vector<16xf32> to vector<32xbf16>
        %mul3A_360 = arith.mulf %bitcast3A_355, %bitcast3A_359 : vector<32xbf16>
        %add3A_361 = arith.addf %mul3A_333, %mul3A_342 : vector<32xbf16>
        %add3A_362 = arith.addf %mul3A_351, %mul3A_360 : vector<32xbf16>
        %add3A_363 = arith.addf %add3A_361, %add3A_362 : vector<32xbf16>
        %unpack3A_364 = tpu.unpack_subelements %add3A_363, 0 {pack_format = #tpu.pack_format<interleaved>} : vector<32xbf16> -> vector<16xf32>
        %unpack3A_365 = tpu.unpack_subelements %add3A_363, 1 {pack_format = #tpu.pack_format<interleaved>} : vector<32xbf16> -> vector<16xf32>
        %add3A_366 = arith.addf %unpack3A_364, %unpack3A_365 : vector<16xf32>
        %mul3A_367 = arith.constant 16 : i32
        %mul3A_368 = arith.muli %scan3A_139, %mul3A_367 : i32
        %add3A_369 = arith.constant 5 : i32
        %add3A_370 = arith.addi %mul3A_368, %add3A_369 : i32
        %get3A_371 = arith.index_cast %add3A_370 : i32 to index
        %get3A_372 = arith.constant 0 : index
        %get3A_373 = tpu.vector_load %arg10[%get3A_371, %get3A_372] {strides = array<i32>} : memref<400x64xf32, #tpu.memory_space<vmem>>, vector<16xf32>,
        %bitcast3A_374 = vector.bitcast %get3A_373 : vector<16xf32> to vector<32xbf16>
        %get3A_375 = arith.index_cast %add3A_370 : i32 to index
        %get3A_376 = arith.constant 0 : index
        %get3A_377 = tpu.vector_load %arg11[%get3A_375, %get3A_376] {strides = array<i32>} : memref<400x64xf32, #tpu.memory_space<vmem>>, vector<16xf32>,
        %bitcast3A_378 = vector.bitcast %get3A_377 : vector<16xf32> to vector<32xbf16>
        %mul3A_379 = arith.mulf %bitcast3A_374, %bitcast3A_378 : vector<32xbf16>
        %get3A_380 = arith.index_cast %add3A_370 : i32 to index
        %get3A_381 = arith.constant 16 : index
        %get3A_382 = tpu.vector_load %arg10[%get3A_380, %get3A_381] {strides = array<i32>} : memref<400x64xf32, #tpu.memory_space<vmem>>, vector<16xf32>,
        %bitcast3A_383 = vector.bitcast %get3A_382 : vector<16xf32> to vector<32xbf16>
        %get3A_384 = arith.index_cast %add3A_370 : i32 to index
        %get3A_385 = arith.constant 16 : index
        %get3A_386 = tpu.vector_load %arg11[%get3A_384, %get3A_385] {strides = array<i32>} : memref<400x64xf32, #tpu.memory_space<vmem>>, vector<16xf32>,
        %bitcast3A_387 = vector.bitcast %get3A_386 : vector<16xf32> to vector<32xbf16>
        %mul3A_388 = arith.mulf %bitcast3A_383, %bitcast3A_387 : vector<32xbf16>
        %get3A_389 = arith.index_cast %add3A_370 : i32 to index
        %get3A_390 = arith.constant 32 : index
        %get3A_391 = tpu.vector_load %arg10[%get3A_389, %get3A_390] {strides = array<i32>} : memref<400x64xf32, #tpu.memory_space<vmem>>, vector<16xf32>,
        %bitcast3A_392 = vector.bitcast %get3A_391 : vector<16xf32> to vector<32xbf16>
        %get3A_393 = arith.index_cast %add3A_370 : i32 to index
        %get3A_394 = arith.constant 32 : index
        %get3A_395 = tpu.vector_load %arg11[%get3A_393, %get3A_394] {strides = array<i32>} : memref<400x64xf32, #tpu.memory_space<vmem>>, vector<16xf32>,
        %bitcast3A_396 = vector.bitcast %get3A_395 : vector<16xf32> to vector<32xbf16>
        %mul3A_397 = arith.mulf %bitcast3A_392, %bitcast3A_396 : vector<32xbf16>
        %get3A_398 = arith.index_cast %add3A_370 : i32 to index
        %get3A_399 = arith.constant 48 : index
        %get3A_400 = tpu.vector_load %arg10[%get3A_398, %get3A_399] {strides = array<i32>} : memref<400x64xf32, #tpu.memory_space<vmem>>, vector<16xf32>,
        %bitcast3A_401 = vector.bitcast %get3A_400 : vector<16xf32> to vector<32xbf16>
        %get3A_402 = arith.index_cast %add3A_370 : i32 to index
        %get3A_403 = arith.constant 48 : index
        %get3A_404 = tpu.vector_load %arg11[%get3A_402, %get3A_403] {strides = array<i32>} : memref<400x64xf32, #tpu.memory_space<vmem>>, vector<16xf32>,
        %bitcast3A_405 = vector.bitcast %get3A_404 : vector<16xf32> to vector<32xbf16>
        %mul3A_406 = arith.mulf %bitcast3A_401, %bitcast3A_405 : vector<32xbf16>
        %add3A_407 = arith.addf %mul3A_379, %mul3A_388 : vector<32xbf16>
        %add3A_408 = arith.addf %mul3A_397, %mul3A_406 : vector<32xbf16>
        %add3A_409 = arith.addf %add3A_407, %add3A_408 : vector<32xbf16>
        %unpack3A_410 = tpu.unpack_subelements %add3A_409, 0 {pack_format = #tpu.pack_format<interleaved>} : vector<32xbf16> -> vector<16xf32>
        %unpack3A_411 = tpu.unpack_subelements %add3A_409, 1 {pack_format = #tpu.pack_format<interleaved>} : vector<32xbf16> -> vector<16xf32>
        %add3A_412 = arith.addf %unpack3A_410, %unpack3A_411 : vector<16xf32>
        %mul3A_413 = arith.constant 16 : i32
        %mul3A_414 = arith.muli %scan3A_139, %mul3A_413 : i32
        %add3A_415 = arith.constant 6 : i32
        %add3A_416 = arith.addi %mul3A_414, %add3A_415 : i32
        %get3A_417 = arith.index_cast %add3A_416 : i32 to index
        %get3A_418 = arith.constant 0 : index
        %get3A_419 = tpu.vector_load %arg10[%get3A_417, %get3A_418] {strides = array<i32>} : memref<400x64xf32, #tpu.memory_space<vmem>>, vector<16xf32>,
        %bitcast3A_420 = vector.bitcast %get3A_419 : vector<16xf32> to vector<32xbf16>
        %get3A_421 = arith.index_cast %add3A_416 : i32 to index
        %get3A_422 = arith.constant 0 : index
        %get3A_423 = tpu.vector_load %arg11[%get3A_421, %get3A_422] {strides = array<i32>} : memref<400x64xf32, #tpu.memory_space<vmem>>, vector<16xf32>,
        %bitcast3A_424 = vector.bitcast %get3A_423 : vector<16xf32> to vector<32xbf16>
        %mul3A_425 = arith.mulf %bitcast3A_420, %bitcast3A_424 : vector<32xbf16>
        %get3A_426 = arith.index_cast %add3A_416 : i32 to index
        %get3A_427 = arith.constant 16 : index
        %get3A_428 = tpu.vector_load %arg10[%get3A_426, %get3A_427] {strides = array<i32>} : memref<400x64xf32, #tpu.memory_space<vmem>>, vector<16xf32>,
        %bitcast3A_429 = vector.bitcast %get3A_428 : vector<16xf32> to vector<32xbf16>
        %get3A_430 = arith.index_cast %add3A_416 : i32 to index
        %get3A_431 = arith.constant 16 : index
        %get3A_432 = tpu.vector_load %arg11[%get3A_430, %get3A_431] {strides = array<i32>} : memref<400x64xf32, #tpu.memory_space<vmem>>, vector<16xf32>,
        %bitcast3A_433 = vector.bitcast %get3A_432 : vector<16xf32> to vector<32xbf16>
        %mul3A_434 = arith.mulf %bitcast3A_429, %bitcast3A_433 : vector<32xbf16>
        %get3A_435 = arith.index_cast %add3A_416 : i32 to index
        %get3A_436 = arith.constant 32 : index
        %get3A_437 = tpu.vector_load %arg10[%get3A_435, %get3A_436] {strides = array<i32>} : memref<400x64xf32, #tpu.memory_space<vmem>>, vector<16xf32>,
        %bitcast3A_438 = vector.bitcast %get3A_437 : vector<16xf32> to vector<32xbf16>
        %get3A_439 = arith.index_cast %add3A_416 : i32 to index
        %get3A_440 = arith.constant 32 : index
        %get3A_441 = tpu.vector_load %arg11[%get3A_439, %get3A_440] {strides = array<i32>} : memref<400x64xf32, #tpu.memory_space<vmem>>, vector<16xf32>,
        %bitcast3A_442 = vector.bitcast %get3A_441 : vector<16xf32> to vector<32xbf16>
        %mul3A_443 = arith.mulf %bitcast3A_438, %bitcast3A_442 : vector<32xbf16>
        %get3A_444 = arith.index_cast %add3A_416 : i32 to index
        %get3A_445 = arith.constant 48 : index
        %get3A_446 = tpu.vector_load %arg10[%get3A_444, %get3A_445] {strides = array<i32>} : memref<400x64xf32, #tpu.memory_space<vmem>>, vector<16xf32>,
        %bitcast3A_447 = vector.bitcast %get3A_446 : vector<16xf32> to vector<32xbf16>
        %get3A_448 = arith.index_cast %add3A_416 : i32 to index
        %get3A_449 = arith.constant 48 : index
        %get3A_450 = tpu.vector_load %arg11[%get3A_448, %get3A_449] {strides = array<i32>} : memref<400x64xf32, #tpu.memory_space<vmem>>, vector<16xf32>,
        %bitcast3A_451 = vector.bitcast %get3A_450 : vector<16xf32> to vector<32xbf16>
        %mul3A_452 = arith.mulf %bitcast3A_447, %bitcast3A_451 : vector<32xbf16>
        %add3A_453 = arith.addf %mul3A_425, %mul3A_434 : vector<32xbf16>
        %add3A_454 = arith.addf %mul3A_443, %mul3A_452 : vector<32xbf16>
        %add3A_455 = arith.addf %add3A_453, %add3A_454 : vector<32xbf16>
        %unpack3A_456 = tpu.unpack_subelements %add3A_455, 0 {pack_format = #tpu.pack_format<interleaved>} : vector<32xbf16> -> vector<16xf32>
        %unpack3A_457 = tpu.unpack_subelements %add3A_455, 1 {pack_format = #tpu.pack_format<interleaved>} : vector<32xbf16> -> vector<16xf32>
        %add3A_458 = arith.addf %unpack3A_456, %unpack3A_457 : vector<16xf32>
        %mul3A_459 = arith.constant 16 : i32
        %mul3A_460 = arith.muli %scan3A_139, %mul3A_459 : i32
        %add3A_461 = arith.constant 7 : i32
        %add3A_462 = arith.addi %mul3A_460, %add3A_461 : i32
        %get3A_463 = arith.index_cast %add3A_462 : i32 to index
        %get3A_464 = arith.constant 0 : index
        %get3A_465 = tpu.vector_load %arg10[%get3A_463, %get3A_464] {strides = array<i32>} : memref<400x64xf32, #tpu.memory_space<vmem>>, vector<16xf32>,
        %bitcast3A_466 = vector.bitcast %get3A_465 : vector<16xf32> to vector<32xbf16>
        %get3A_467 = arith.index_cast %add3A_462 : i32 to index
        %get3A_468 = arith.constant 0 : index
        %get3A_469 = tpu.vector_load %arg11[%get3A_467, %get3A_468] {strides = array<i32>} : memref<400x64xf32, #tpu.memory_space<vmem>>, vector<16xf32>,
        %bitcast3A_470 = vector.bitcast %get3A_469 : vector<16xf32> to vector<32xbf16>
        %mul3A_471 = arith.mulf %bitcast3A_466, %bitcast3A_470 : vector<32xbf16>
        %get3A_472 = arith.index_cast %add3A_462 : i32 to index
        %get3A_473 = arith.constant 16 : index
        %get3A_474 = tpu.vector_load %arg10[%get3A_472, %get3A_473] {strides = array<i32>} : memref<400x64xf32, #tpu.memory_space<vmem>>, vector<16xf32>,
        %bitcast3A_475 = vector.bitcast %get3A_474 : vector<16xf32> to vector<32xbf16>
        %get3A_476 = arith.index_cast %add3A_462 : i32 to index
        %get3A_477 = arith.constant 16 : index
        %get3A_478 = tpu.vector_load %arg11[%get3A_476, %get3A_477] {strides = array<i32>} : memref<400x64xf32, #tpu.memory_space<vmem>>, vector<16xf32>,
        %bitcast3A_479 = vector.bitcast %get3A_478 : vector<16xf32> to vector<32xbf16>
        %mul3A_480 = arith.mulf %bitcast3A_475, %bitcast3A_479 : vector<32xbf16>
        %get3A_481 = arith.index_cast %add3A_462 : i32 to index
        %get3A_482 = arith.constant 32 : index
        %get3A_483 = tpu.vector_load %arg10[%get3A_481, %get3A_482] {strides = array<i32>} : memref<400x64xf32, #tpu.memory_space<vmem>>, vector<16xf32>,
        %bitcast3A_484 = vector.bitcast %get3A_483 : vector<16xf32> to vector<32xbf16>
        %get3A_485 = arith.index_cast %add3A_462 : i32 to index
        %get3A_486 = arith.constant 32 : index
        %get3A_487 = tpu.vector_load %arg11[%get3A_485, %get3A_486] {strides = array<i32>} : memref<400x64xf32, #tpu.memory_space<vmem>>, vector<16xf32>,
        %bitcast3A_488 = vector.bitcast %get3A_487 : vector<16xf32> to vector<32xbf16>
        %mul3A_489 = arith.mulf %bitcast3A_484, %bitcast3A_488 : vector<32xbf16>
        %get3A_490 = arith.index_cast %add3A_462 : i32 to index
        %get3A_491 = arith.constant 48 : index
        %get3A_492 = tpu.vector_load %arg10[%get3A_490, %get3A_491] {strides = array<i32>} : memref<400x64xf32, #tpu.memory_space<vmem>>, vector<16xf32>,
        %bitcast3A_493 = vector.bitcast %get3A_492 : vector<16xf32> to vector<32xbf16>
        %get3A_494 = arith.index_cast %add3A_462 : i32 to index
        %get3A_495 = arith.constant 48 : index
        %get3A_496 = tpu.vector_load %arg11[%get3A_494, %get3A_495] {strides = array<i32>} : memref<400x64xf32, #tpu.memory_space<vmem>>, vector<16xf32>,
        %bitcast3A_497 = vector.bitcast %get3A_496 : vector<16xf32> to vector<32xbf16>
        %mul3A_498 = arith.mulf %bitcast3A_493, %bitcast3A_497 : vector<32xbf16>
        %add3A_499 = arith.addf %mul3A_471, %mul3A_480 : vector<32xbf16>
        %add3A_500 = arith.addf %mul3A_489, %mul3A_498 : vector<32xbf16>
        %add3A_501 = arith.addf %add3A_499, %add3A_500 : vector<32xbf16>
        %unpack3A_502 = tpu.unpack_subelements %add3A_501, 0 {pack_format = #tpu.pack_format<interleaved>} : vector<32xbf16> -> vector<16xf32>
        %unpack3A_503 = tpu.unpack_subelements %add3A_501, 1 {pack_format = #tpu.pack_format<interleaved>} : vector<32xbf16> -> vector<16xf32>
        %add3A_504 = arith.addf %unpack3A_502, %unpack3A_503 : vector<16xf32>
        %mul3A_505 = arith.constant 16 : i32
        %mul3A_506 = arith.muli %scan3A_139, %mul3A_505 : i32
        %add3A_507 = arith.constant 8 : i32
        %add3A_508 = arith.addi %mul3A_506, %add3A_507 : i32
        %get3A_509 = arith.index_cast %add3A_508 : i32 to index
        %get3A_510 = arith.constant 0 : index
        %get3A_511 = tpu.vector_load %arg10[%get3A_509, %get3A_510] {strides = array<i32>} : memref<400x64xf32, #tpu.memory_space<vmem>>, vector<16xf32>,
        %bitcast3A_512 = vector.bitcast %get3A_511 : vector<16xf32> to vector<32xbf16>
        %get3A_513 = arith.index_cast %add3A_508 : i32 to index
        %get3A_514 = arith.constant 0 : index
        %get3A_515 = tpu.vector_load %arg11[%get3A_513, %get3A_514] {strides = array<i32>} : memref<400x64xf32, #tpu.memory_space<vmem>>, vector<16xf32>,
        %bitcast3A_516 = vector.bitcast %get3A_515 : vector<16xf32> to vector<32xbf16>
        %mul3A_517 = arith.mulf %bitcast3A_512, %bitcast3A_516 : vector<32xbf16>
        %get3A_518 = arith.index_cast %add3A_508 : i32 to index
        %get3A_519 = arith.constant 16 : index
        %get3A_520 = tpu.vector_load %arg10[%get3A_518, %get3A_519] {strides = array<i32>} : memref<400x64xf32, #tpu.memory_space<vmem>>, vector<16xf32>,
        %bitcast3A_521 = vector.bitcast %get3A_520 : vector<16xf32> to vector<32xbf16>
        %get3A_522 = arith.index_cast %add3A_508 : i32 to index
        %get3A_523 = arith.constant 16 : index
        %get3A_524 = tpu.vector_load %arg11[%get3A_522, %get3A_523] {strides = array<i32>} : memref<400x64xf32, #tpu.memory_space<vmem>>, vector<16xf32>,
        %bitcast3A_525 = vector.bitcast %get3A_524 : vector<16xf32> to vector<32xbf16>
        %mul3A_526 = arith.mulf %bitcast3A_521, %bitcast3A_525 : vector<32xbf16>
        %get3A_527 = arith.index_cast %add3A_508 : i32 to index
        %get3A_528 = arith.constant 32 : index
        %get3A_529 = tpu.vector_load %arg10[%get3A_527, %get3A_528] {strides = array<i32>} : memref<400x64xf32, #tpu.memory_space<vmem>>, vector<16xf32>,
        %bitcast3A_530 = vector.bitcast %get3A_529 : vector<16xf32> to vector<32xbf16>
        %get3A_531 = arith.index_cast %add3A_508 : i32 to index
        %get3A_532 = arith.constant 32 : index
        %get3A_533 = tpu.vector_load %arg11[%get3A_531, %get3A_532] {strides = array<i32>} : memref<400x64xf32, #tpu.memory_space<vmem>>, vector<16xf32>,
        %bitcast3A_534 = vector.bitcast %get3A_533 : vector<16xf32> to vector<32xbf16>
        %mul3A_535 = arith.mulf %bitcast3A_530, %bitcast3A_534 : vector<32xbf16>
        %get3A_536 = arith.index_cast %add3A_508 : i32 to index
        %get3A_537 = arith.constant 48 : index
        %get3A_538 = tpu.vector_load %arg10[%get3A_536, %get3A_537] {strides = array<i32>} : memref<400x64xf32, #tpu.memory_space<vmem>>, vector<16xf32>,
        %bitcast3A_539 = vector.bitcast %get3A_538 : vector<16xf32> to vector<32xbf16>
        %get3A_540 = arith.index_cast %add3A_508 : i32 to index
        %get3A_541 = arith.constant 48 : index
        %get3A_542 = tpu.vector_load %arg11[%get3A_540, %get3A_541] {strides = array<i32>} : memref<400x64xf32, #tpu.memory_space<vmem>>, vector<16xf32>,
        %bitcast3A_543 = vector.bitcast %get3A_542 : vector<16xf32> to vector<32xbf16>
        %mul3A_544 = arith.mulf %bitcast3A_539, %bitcast3A_543 : vector<32xbf16>
        %add3A_545 = arith.addf %mul3A_517, %mul3A_526 : vector<32xbf16>
        %add3A_546 = arith.addf %mul3A_535, %mul3A_544 : vector<32xbf16>
        %add3A_547 = arith.addf %add3A_545, %add3A_546 : vector<32xbf16>
        %unpack3A_548 = tpu.unpack_subelements %add3A_547, 0 {pack_format = #tpu.pack_format<interleaved>} : vector<32xbf16> -> vector<16xf32>
        %unpack3A_549 = tpu.unpack_subelements %add3A_547, 1 {pack_format = #tpu.pack_format<interleaved>} : vector<32xbf16> -> vector<16xf32>
        %add3A_550 = arith.addf %unpack3A_548, %unpack3A_549 : vector<16xf32>
        %mul3A_551 = arith.constant 16 : i32
        %mul3A_552 = arith.muli %scan3A_139, %mul3A_551 : i32
        %add3A_553 = arith.constant 9 : i32
        %add3A_554 = arith.addi %mul3A_552, %add3A_553 : i32
        %get3A_555 = arith.index_cast %add3A_554 : i32 to index
        %get3A_556 = arith.constant 0 : index
        %get3A_557 = tpu.vector_load %arg10[%get3A_555, %get3A_556] {strides = array<i32>} : memref<400x64xf32, #tpu.memory_space<vmem>>, vector<16xf32>,
        %bitcast3A_558 = vector.bitcast %get3A_557 : vector<16xf32> to vector<32xbf16>
        %get3A_559 = arith.index_cast %add3A_554 : i32 to index
        %get3A_560 = arith.constant 0 : index
        %get3A_561 = tpu.vector_load %arg11[%get3A_559, %get3A_560] {strides = array<i32>} : memref<400x64xf32, #tpu.memory_space<vmem>>, vector<16xf32>,
        %bitcast3A_562 = vector.bitcast %get3A_561 : vector<16xf32> to vector<32xbf16>
        %mul3A_563 = arith.mulf %bitcast3A_558, %bitcast3A_562 : vector<32xbf16>
        %get3A_564 = arith.index_cast %add3A_554 : i32 to index
        %get3A_565 = arith.constant 16 : index
        %get3A_566 = tpu.vector_load %arg10[%get3A_564, %get3A_565] {strides = array<i32>} : memref<400x64xf32, #tpu.memory_space<vmem>>, vector<16xf32>,
        %bitcast3A_567 = vector.bitcast %get3A_566 : vector<16xf32> to vector<32xbf16>
        %get3A_568 = arith.index_cast %add3A_554 : i32 to index
        %get3A_569 = arith.constant 16 : index
        %get3A_570 = tpu.vector_load %arg11[%get3A_568, %get3A_569] {strides = array<i32>} : memref<400x64xf32, #tpu.memory_space<vmem>>, vector<16xf32>,
        %bitcast3A_571 = vector.bitcast %get3A_570 : vector<16xf32> to vector<32xbf16>
        %mul3A_572 = arith.mulf %bitcast3A_567, %bitcast3A_571 : vector<32xbf16>
        %get3A_573 = arith.index_cast %add3A_554 : i32 to index
        %get3A_574 = arith.constant 32 : index
        %get3A_575 = tpu.vector_load %arg10[%get3A_573, %get3A_574] {strides = array<i32>} : memref<400x64xf32, #tpu.memory_space<vmem>>, vector<16xf32>,
        %bitcast3A_576 = vector.bitcast %get3A_575 : vector<16xf32> to vector<32xbf16>
        %get3A_577 = arith.index_cast %add3A_554 : i32 to index
        %get3A_578 = arith.constant 32 : index
        %get3A_579 = tpu.vector_load %arg11[%get3A_577, %get3A_578] {strides = array<i32>} : memref<400x64xf32, #tpu.memory_space<vmem>>, vector<16xf32>,
        %bitcast3A_580 = vector.bitcast %get3A_579 : vector<16xf32> to vector<32xbf16>
        %mul3A_581 = arith.mulf %bitcast3A_576, %bitcast3A_580 : vector<32xbf16>
        %get3A_582 = arith.index_cast %add3A_554 : i32 to index
        %get3A_583 = arith.constant 48 : index
        %get3A_584 = tpu.vector_load %arg10[%get3A_582, %get3A_583] {strides = array<i32>} : memref<400x64xf32, #tpu.memory_space<vmem>>, vector<16xf32>,
        %bitcast3A_585 = vector.bitcast %get3A_584 : vector<16xf32> to vector<32xbf16>
        %get3A_586 = arith.index_cast %add3A_554 : i32 to index
        %get3A_587 = arith.constant 48 : index
        %get3A_588 = tpu.vector_load %arg11[%get3A_586, %get3A_587] {strides = array<i32>} : memref<400x64xf32, #tpu.memory_space<vmem>>, vector<16xf32>,
        %bitcast3A_589 = vector.bitcast %get3A_588 : vector<16xf32> to vector<32xbf16>
        %mul3A_590 = arith.mulf %bitcast3A_585, %bitcast3A_589 : vector<32xbf16>
        %add3A_591 = arith.addf %mul3A_563, %mul3A_572 : vector<32xbf16>
        %add3A_592 = arith.addf %mul3A_581, %mul3A_590 : vector<32xbf16>
        %add3A_593 = arith.addf %add3A_591, %add3A_592 : vector<32xbf16>
        %unpack3A_594 = tpu.unpack_subelements %add3A_593, 0 {pack_format = #tpu.pack_format<interleaved>} : vector<32xbf16> -> vector<16xf32>
        %unpack3A_595 = tpu.unpack_subelements %add3A_593, 1 {pack_format = #tpu.pack_format<interleaved>} : vector<32xbf16> -> vector<16xf32>
        %add3A_596 = arith.addf %unpack3A_594, %unpack3A_595 : vector<16xf32>
        %mul3A_597 = arith.constant 16 : i32
        %mul3A_598 = arith.muli %scan3A_139, %mul3A_597 : i32
        %add3A_599 = arith.constant 10 : i32
        %add3A_600 = arith.addi %mul3A_598, %add3A_599 : i32
        %get3A_601 = arith.index_cast %add3A_600 : i32 to index
        %get3A_602 = arith.constant 0 : index
        %get3A_603 = tpu.vector_load %arg10[%get3A_601, %get3A_602] {strides = array<i32>} : memref<400x64xf32, #tpu.memory_space<vmem>>, vector<16xf32>,
        %bitcast3A_604 = vector.bitcast %get3A_603 : vector<16xf32> to vector<32xbf16>
        %get3A_605 = arith.index_cast %add3A_600 : i32 to index
        %get3A_606 = arith.constant 0 : index
        %get3A_607 = tpu.vector_load %arg11[%get3A_605, %get3A_606] {strides = array<i32>} : memref<400x64xf32, #tpu.memory_space<vmem>>, vector<16xf32>,
        %bitcast3A_608 = vector.bitcast %get3A_607 : vector<16xf32> to vector<32xbf16>
        %mul3A_609 = arith.mulf %bitcast3A_604, %bitcast3A_608 : vector<32xbf16>
        %get3A_610 = arith.index_cast %add3A_600 : i32 to index
        %get3A_611 = arith.constant 16 : index
        %get3A_612 = tpu.vector_load %arg10[%get3A_610, %get3A_611] {strides = array<i32>} : memref<400x64xf32, #tpu.memory_space<vmem>>, vector<16xf32>,
        %bitcast3A_613 = vector.bitcast %get3A_612 : vector<16xf32> to vector<32xbf16>
        %get3A_614 = arith.index_cast %add3A_600 : i32 to index
        %get3A_615 = arith.constant 16 : index
        %get3A_616 = tpu.vector_load %arg11[%get3A_614, %get3A_615] {strides = array<i32>} : memref<400x64xf32, #tpu.memory_space<vmem>>, vector<16xf32>,
        %bitcast3A_617 = vector.bitcast %get3A_616 : vector<16xf32> to vector<32xbf16>
        %mul3A_618 = arith.mulf %bitcast3A_613, %bitcast3A_617 : vector<32xbf16>
        %get3A_619 = arith.index_cast %add3A_600 : i32 to index
        %get3A_620 = arith.constant 32 : index
        %get3A_621 = tpu.vector_load %arg10[%get3A_619, %get3A_620] {strides = array<i32>} : memref<400x64xf32, #tpu.memory_space<vmem>>, vector<16xf32>,
        %bitcast3A_622 = vector.bitcast %get3A_621 : vector<16xf32> to vector<32xbf16>
        %get3A_623 = arith.index_cast %add3A_600 : i32 to index
        %get3A_624 = arith.constant 32 : index
        %get3A_625 = tpu.vector_load %arg11[%get3A_623, %get3A_624] {strides = array<i32>} : memref<400x64xf32, #tpu.memory_space<vmem>>, vector<16xf32>,
        %bitcast3A_626 = vector.bitcast %get3A_625 : vector<16xf32> to vector<32xbf16>
        %mul3A_627 = arith.mulf %bitcast3A_622, %bitcast3A_626 : vector<32xbf16>
        %get3A_628 = arith.index_cast %add3A_600 : i32 to index
        %get3A_629 = arith.constant 48 : index
        %get3A_630 = tpu.vector_load %arg10[%get3A_628, %get3A_629] {strides = array<i32>} : memref<400x64xf32, #tpu.memory_space<vmem>>, vector<16xf32>,
        %bitcast3A_631 = vector.bitcast %get3A_630 : vector<16xf32> to vector<32xbf16>
        %get3A_632 = arith.index_cast %add3A_600 : i32 to index
        %get3A_633 = arith.constant 48 : index
        %get3A_634 = tpu.vector_load %arg11[%get3A_632, %get3A_633] {strides = array<i32>} : memref<400x64xf32, #tpu.memory_space<vmem>>, vector<16xf32>,
        %bitcast3A_635 = vector.bitcast %get3A_634 : vector<16xf32> to vector<32xbf16>
        %mul3A_636 = arith.mulf %bitcast3A_631, %bitcast3A_635 : vector<32xbf16>
        %add3A_637 = arith.addf %mul3A_609, %mul3A_618 : vector<32xbf16>
        %add3A_638 = arith.addf %mul3A_627, %mul3A_636 : vector<32xbf16>
        %add3A_639 = arith.addf %add3A_637, %add3A_638 : vector<32xbf16>
        %unpack3A_640 = tpu.unpack_subelements %add3A_639, 0 {pack_format = #tpu.pack_format<interleaved>} : vector<32xbf16> -> vector<16xf32>
        %unpack3A_641 = tpu.unpack_subelements %add3A_639, 1 {pack_format = #tpu.pack_format<interleaved>} : vector<32xbf16> -> vector<16xf32>
        %add3A_642 = arith.addf %unpack3A_640, %unpack3A_641 : vector<16xf32>
        %mul3A_643 = arith.constant 16 : i32
        %mul3A_644 = arith.muli %scan3A_139, %mul3A_643 : i32
        %add3A_645 = arith.constant 11 : i32
        %add3A_646 = arith.addi %mul3A_644, %add3A_645 : i32
        %get3A_647 = arith.index_cast %add3A_646 : i32 to index
        %get3A_648 = arith.constant 0 : index
        %get3A_649 = tpu.vector_load %arg10[%get3A_647, %get3A_648] {strides = array<i32>} : memref<400x64xf32, #tpu.memory_space<vmem>>, vector<16xf32>,
        %bitcast3A_650 = vector.bitcast %get3A_649 : vector<16xf32> to vector<32xbf16>
        %get3A_651 = arith.index_cast %add3A_646 : i32 to index
        %get3A_652 = arith.constant 0 : index
        %get3A_653 = tpu.vector_load %arg11[%get3A_651, %get3A_652] {strides = array<i32>} : memref<400x64xf32, #tpu.memory_space<vmem>>, vector<16xf32>,
        %bitcast3A_654 = vector.bitcast %get3A_653 : vector<16xf32> to vector<32xbf16>
        %mul3A_655 = arith.mulf %bitcast3A_650, %bitcast3A_654 : vector<32xbf16>
        %get3A_656 = arith.index_cast %add3A_646 : i32 to index
        %get3A_657 = arith.constant 16 : index
        %get3A_658 = tpu.vector_load %arg10[%get3A_656, %get3A_657] {strides = array<i32>} : memref<400x64xf32, #tpu.memory_space<vmem>>, vector<16xf32>,
        %bitcast3A_659 = vector.bitcast %get3A_658 : vector<16xf32> to vector<32xbf16>
        %get3A_660 = arith.index_cast %add3A_646 : i32 to index
        %get3A_661 = arith.constant 16 : index
        %get3A_662 = tpu.vector_load %arg11[%get3A_660, %get3A_661] {strides = array<i32>} : memref<400x64xf32, #tpu.memory_space<vmem>>, vector<16xf32>,
        %bitcast3A_663 = vector.bitcast %get3A_662 : vector<16xf32> to vector<32xbf16>
        %mul3A_664 = arith.mulf %bitcast3A_659, %bitcast3A_663 : vector<32xbf16>
        %get3A_665 = arith.index_cast %add3A_646 : i32 to index
        %get3A_666 = arith.constant 32 : index
        %get3A_667 = tpu.vector_load %arg10[%get3A_665, %get3A_666] {strides = array<i32>} : memref<400x64xf32, #tpu.memory_space<vmem>>, vector<16xf32>,
        %bitcast3A_668 = vector.bitcast %get3A_667 : vector<16xf32> to vector<32xbf16>
        %get3A_669 = arith.index_cast %add3A_646 : i32 to index
        %get3A_670 = arith.constant 32 : index
        %get3A_671 = tpu.vector_load %arg11[%get3A_669, %get3A_670] {strides = array<i32>} : memref<400x64xf32, #tpu.memory_space<vmem>>, vector<16xf32>,
        %bitcast3A_672 = vector.bitcast %get3A_671 : vector<16xf32> to vector<32xbf16>
        %mul3A_673 = arith.mulf %bitcast3A_668, %bitcast3A_672 : vector<32xbf16>
        %get3A_674 = arith.index_cast %add3A_646 : i32 to index
        %get3A_675 = arith.constant 48 : index
        %get3A_676 = tpu.vector_load %arg10[%get3A_674, %get3A_675] {strides = array<i32>} : memref<400x64xf32, #tpu.memory_space<vmem>>, vector<16xf32>,
        %bitcast3A_677 = vector.bitcast %get3A_676 : vector<16xf32> to vector<32xbf16>
        %get3A_678 = arith.index_cast %add3A_646 : i32 to index
        %get3A_679 = arith.constant 48 : index
        %get3A_680 = tpu.vector_load %arg11[%get3A_678, %get3A_679] {strides = array<i32>} : memref<400x64xf32, #tpu.memory_space<vmem>>, vector<16xf32>,
        %bitcast3A_681 = vector.bitcast %get3A_680 : vector<16xf32> to vector<32xbf16>
        %mul3A_682 = arith.mulf %bitcast3A_677, %bitcast3A_681 : vector<32xbf16>
        %add3A_683 = arith.addf %mul3A_655, %mul3A_664 : vector<32xbf16>
        %add3A_684 = arith.addf %mul3A_673, %mul3A_682 : vector<32xbf16>
        %add3A_685 = arith.addf %add3A_683, %add3A_684 : vector<32xbf16>
        %unpack3A_686 = tpu.unpack_subelements %add3A_685, 0 {pack_format = #tpu.pack_format<interleaved>} : vector<32xbf16> -> vector<16xf32>
        %unpack3A_687 = tpu.unpack_subelements %add3A_685, 1 {pack_format = #tpu.pack_format<interleaved>} : vector<32xbf16> -> vector<16xf32>
        %add3A_688 = arith.addf %unpack3A_686, %unpack3A_687 : vector<16xf32>
        %mul3A_689 = arith.constant 16 : i32
        %mul3A_690 = arith.muli %scan3A_139, %mul3A_689 : i32
        %add3A_691 = arith.constant 12 : i32
        %add3A_692 = arith.addi %mul3A_690, %add3A_691 : i32
        %get3A_693 = arith.index_cast %add3A_692 : i32 to index
        %get3A_694 = arith.constant 0 : index
        %get3A_695 = tpu.vector_load %arg10[%get3A_693, %get3A_694] {strides = array<i32>} : memref<400x64xf32, #tpu.memory_space<vmem>>, vector<16xf32>,
        %bitcast3A_696 = vector.bitcast %get3A_695 : vector<16xf32> to vector<32xbf16>
        %get3A_697 = arith.index_cast %add3A_692 : i32 to index
        %get3A_698 = arith.constant 0 : index
        %get3A_699 = tpu.vector_load %arg11[%get3A_697, %get3A_698] {strides = array<i32>} : memref<400x64xf32, #tpu.memory_space<vmem>>, vector<16xf32>,
        %bitcast3A_700 = vector.bitcast %get3A_699 : vector<16xf32> to vector<32xbf16>
        %mul3A_701 = arith.mulf %bitcast3A_696, %bitcast3A_700 : vector<32xbf16>
        %get3A_702 = arith.index_cast %add3A_692 : i32 to index
        %get3A_703 = arith.constant 16 : index
        %get3A_704 = tpu.vector_load %arg10[%get3A_702, %get3A_703] {strides = array<i32>} : memref<400x64xf32, #tpu.memory_space<vmem>>, vector<16xf32>,
        %bitcast3A_705 = vector.bitcast %get3A_704 : vector<16xf32> to vector<32xbf16>
        %get3A_706 = arith.index_cast %add3A_692 : i32 to index
        %get3A_707 = arith.constant 16 : index
        %get3A_708 = tpu.vector_load %arg11[%get3A_706, %get3A_707] {strides = array<i32>} : memref<400x64xf32, #tpu.memory_space<vmem>>, vector<16xf32>,
        %bitcast3A_709 = vector.bitcast %get3A_708 : vector<16xf32> to vector<32xbf16>
        %mul3A_710 = arith.mulf %bitcast3A_705, %bitcast3A_709 : vector<32xbf16>
        %get3A_711 = arith.index_cast %add3A_692 : i32 to index
        %get3A_712 = arith.constant 32 : index
        %get3A_713 = tpu.vector_load %arg10[%get3A_711, %get3A_712] {strides = array<i32>} : memref<400x64xf32, #tpu.memory_space<vmem>>, vector<16xf32>,
        %bitcast3A_714 = vector.bitcast %get3A_713 : vector<16xf32> to vector<32xbf16>
        %get3A_715 = arith.index_cast %add3A_692 : i32 to index
        %get3A_716 = arith.constant 32 : index
        %get3A_717 = tpu.vector_load %arg11[%get3A_715, %get3A_716] {strides = array<i32>} : memref<400x64xf32, #tpu.memory_space<vmem>>, vector<16xf32>,
        %bitcast3A_718 = vector.bitcast %get3A_717 : vector<16xf32> to vector<32xbf16>
        %mul3A_719 = arith.mulf %bitcast3A_714, %bitcast3A_718 : vector<32xbf16>
        %get3A_720 = arith.index_cast %add3A_692 : i32 to index
        %get3A_721 = arith.constant 48 : index
        %get3A_722 = tpu.vector_load %arg10[%get3A_720, %get3A_721] {strides = array<i32>} : memref<400x64xf32, #tpu.memory_space<vmem>>, vector<16xf32>,
        %bitcast3A_723 = vector.bitcast %get3A_722 : vector<16xf32> to vector<32xbf16>
        %get3A_724 = arith.index_cast %add3A_692 : i32 to index
        %get3A_725 = arith.constant 48 : index
        %get3A_726 = tpu.vector_load %arg11[%get3A_724, %get3A_725] {strides = array<i32>} : memref<400x64xf32, #tpu.memory_space<vmem>>, vector<16xf32>,
        %bitcast3A_727 = vector.bitcast %get3A_726 : vector<16xf32> to vector<32xbf16>
        %mul3A_728 = arith.mulf %bitcast3A_723, %bitcast3A_727 : vector<32xbf16>
        %add3A_729 = arith.addf %mul3A_701, %mul3A_710 : vector<32xbf16>
        %add3A_730 = arith.addf %mul3A_719, %mul3A_728 : vector<32xbf16>
        %add3A_731 = arith.addf %add3A_729, %add3A_730 : vector<32xbf16>
        %unpack3A_732 = tpu.unpack_subelements %add3A_731, 0 {pack_format = #tpu.pack_format<interleaved>} : vector<32xbf16> -> vector<16xf32>
        %unpack3A_733 = tpu.unpack_subelements %add3A_731, 1 {pack_format = #tpu.pack_format<interleaved>} : vector<32xbf16> -> vector<16xf32>
        %add3A_734 = arith.addf %unpack3A_732, %unpack3A_733 : vector<16xf32>
        %mul3A_735 = arith.constant 16 : i32
        %mul3A_736 = arith.muli %scan3A_139, %mul3A_735 : i32
        %add3A_737 = arith.constant 13 : i32
        %add3A_738 = arith.addi %mul3A_736, %add3A_737 : i32
        %get3A_739 = arith.index_cast %add3A_738 : i32 to index
        %get3A_740 = arith.constant 0 : index
        %get3A_741 = tpu.vector_load %arg10[%get3A_739, %get3A_740] {strides = array<i32>} : memref<400x64xf32, #tpu.memory_space<vmem>>, vector<16xf32>,
        %bitcast3A_742 = vector.bitcast %get3A_741 : vector<16xf32> to vector<32xbf16>
        %get3A_743 = arith.index_cast %add3A_738 : i32 to index
        %get3A_744 = arith.constant 0 : index
        %get3A_745 = tpu.vector_load %arg11[%get3A_743, %get3A_744] {strides = array<i32>} : memref<400x64xf32, #tpu.memory_space<vmem>>, vector<16xf32>,
        %bitcast3A_746 = vector.bitcast %get3A_745 : vector<16xf32> to vector<32xbf16>
        %mul3A_747 = arith.mulf %bitcast3A_742, %bitcast3A_746 : vector<32xbf16>
        %get3A_748 = arith.index_cast %add3A_738 : i32 to index
        %get3A_749 = arith.constant 16 : index
        %get3A_750 = tpu.vector_load %arg10[%get3A_748, %get3A_749] {strides = array<i32>} : memref<400x64xf32, #tpu.memory_space<vmem>>, vector<16xf32>,
        %bitcast3A_751 = vector.bitcast %get3A_750 : vector<16xf32> to vector<32xbf16>
        %get3A_752 = arith.index_cast %add3A_738 : i32 to index
        %get3A_753 = arith.constant 16 : index
        %get3A_754 = tpu.vector_load %arg11[%get3A_752, %get3A_753] {strides = array<i32>} : memref<400x64xf32, #tpu.memory_space<vmem>>, vector<16xf32>,
        %bitcast3A_755 = vector.bitcast %get3A_754 : vector<16xf32> to vector<32xbf16>
        %mul3A_756 = arith.mulf %bitcast3A_751, %bitcast3A_755 : vector<32xbf16>
        %get3A_757 = arith.index_cast %add3A_738 : i32 to index
        %get3A_758 = arith.constant 32 : index
        %get3A_759 = tpu.vector_load %arg10[%get3A_757, %get3A_758] {strides = array<i32>} : memref<400x64xf32, #tpu.memory_space<vmem>>, vector<16xf32>,
        %bitcast3A_760 = vector.bitcast %get3A_759 : vector<16xf32> to vector<32xbf16>
        %get3A_761 = arith.index_cast %add3A_738 : i32 to index
        %get3A_762 = arith.constant 32 : index
        %get3A_763 = tpu.vector_load %arg11[%get3A_761, %get3A_762] {strides = array<i32>} : memref<400x64xf32, #tpu.memory_space<vmem>>, vector<16xf32>,
        %bitcast3A_764 = vector.bitcast %get3A_763 : vector<16xf32> to vector<32xbf16>
        %mul3A_765 = arith.mulf %bitcast3A_760, %bitcast3A_764 : vector<32xbf16>
        %get3A_766 = arith.index_cast %add3A_738 : i32 to index
        %get3A_767 = arith.constant 48 : index
        %get3A_768 = tpu.vector_load %arg10[%get3A_766, %get3A_767] {strides = array<i32>} : memref<400x64xf32, #tpu.memory_space<vmem>>, vector<16xf32>,
        %bitcast3A_769 = vector.bitcast %get3A_768 : vector<16xf32> to vector<32xbf16>
        %get3A_770 = arith.index_cast %add3A_738 : i32 to index
        %get3A_771 = arith.constant 48 : index
        %get3A_772 = tpu.vector_load %arg11[%get3A_770, %get3A_771] {strides = array<i32>} : memref<400x64xf32, #tpu.memory_space<vmem>>, vector<16xf32>,
        %bitcast3A_773 = vector.bitcast %get3A_772 : vector<16xf32> to vector<32xbf16>
        %mul3A_774 = arith.mulf %bitcast3A_769, %bitcast3A_773 : vector<32xbf16>
        %add3A_775 = arith.addf %mul3A_747, %mul3A_756 : vector<32xbf16>
        %add3A_776 = arith.addf %mul3A_765, %mul3A_774 : vector<32xbf16>
        %add3A_777 = arith.addf %add3A_775, %add3A_776 : vector<32xbf16>
        %unpack3A_778 = tpu.unpack_subelements %add3A_777, 0 {pack_format = #tpu.pack_format<interleaved>} : vector<32xbf16> -> vector<16xf32>
        %unpack3A_779 = tpu.unpack_subelements %add3A_777, 1 {pack_format = #tpu.pack_format<interleaved>} : vector<32xbf16> -> vector<16xf32>
        %add3A_780 = arith.addf %unpack3A_778, %unpack3A_779 : vector<16xf32>
        %mul3A_781 = arith.constant 16 : i32
        %mul3A_782 = arith.muli %scan3A_139, %mul3A_781 : i32
        %add3A_783 = arith.constant 14 : i32
        %add3A_784 = arith.addi %mul3A_782, %add3A_783 : i32
        %get3A_785 = arith.index_cast %add3A_784 : i32 to index
        %get3A_786 = arith.constant 0 : index
        %get3A_787 = tpu.vector_load %arg10[%get3A_785, %get3A_786] {strides = array<i32>} : memref<400x64xf32, #tpu.memory_space<vmem>>, vector<16xf32>,
        %bitcast3A_788 = vector.bitcast %get3A_787 : vector<16xf32> to vector<32xbf16>
        %get3A_789 = arith.index_cast %add3A_784 : i32 to index
        %get3A_790 = arith.constant 0 : index
        %get3A_791 = tpu.vector_load %arg11[%get3A_789, %get3A_790] {strides = array<i32>} : memref<400x64xf32, #tpu.memory_space<vmem>>, vector<16xf32>,
        %bitcast3A_792 = vector.bitcast %get3A_791 : vector<16xf32> to vector<32xbf16>
        %mul3A_793 = arith.mulf %bitcast3A_788, %bitcast3A_792 : vector<32xbf16>
        %get3A_794 = arith.index_cast %add3A_784 : i32 to index
        %get3A_795 = arith.constant 16 : index
        %get3A_796 = tpu.vector_load %arg10[%get3A_794, %get3A_795] {strides = array<i32>} : memref<400x64xf32, #tpu.memory_space<vmem>>, vector<16xf32>,
        %bitcast3A_797 = vector.bitcast %get3A_796 : vector<16xf32> to vector<32xbf16>
        %get3A_798 = arith.index_cast %add3A_784 : i32 to index
        %get3A_799 = arith.constant 16 : index
        %get3A_800 = tpu.vector_load %arg11[%get3A_798, %get3A_799] {strides = array<i32>} : memref<400x64xf32, #tpu.memory_space<vmem>>, vector<16xf32>,
        %bitcast3A_801 = vector.bitcast %get3A_800 : vector<16xf32> to vector<32xbf16>
        %mul3A_802 = arith.mulf %bitcast3A_797, %bitcast3A_801 : vector<32xbf16>
        %get3A_803 = arith.index_cast %add3A_784 : i32 to index
        %get3A_804 = arith.constant 32 : index
        %get3A_805 = tpu.vector_load %arg10[%get3A_803, %get3A_804] {strides = array<i32>} : memref<400x64xf32, #tpu.memory_space<vmem>>, vector<16xf32>,
        %bitcast3A_806 = vector.bitcast %get3A_805 : vector<16xf32> to vector<32xbf16>
        %get3A_807 = arith.index_cast %add3A_784 : i32 to index
        %get3A_808 = arith.constant 32 : index
        %get3A_809 = tpu.vector_load %arg11[%get3A_807, %get3A_808] {strides = array<i32>} : memref<400x64xf32, #tpu.memory_space<vmem>>, vector<16xf32>,
        %bitcast3A_810 = vector.bitcast %get3A_809 : vector<16xf32> to vector<32xbf16>
        %mul3A_811 = arith.mulf %bitcast3A_806, %bitcast3A_810 : vector<32xbf16>
        %get3A_812 = arith.index_cast %add3A_784 : i32 to index
        %get3A_813 = arith.constant 48 : index
        %get3A_814 = tpu.vector_load %arg10[%get3A_812, %get3A_813] {strides = array<i32>} : memref<400x64xf32, #tpu.memory_space<vmem>>, vector<16xf32>,
        %bitcast3A_815 = vector.bitcast %get3A_814 : vector<16xf32> to vector<32xbf16>
        %get3A_816 = arith.index_cast %add3A_784 : i32 to index
        %get3A_817 = arith.constant 48 : index
        %get3A_818 = tpu.vector_load %arg11[%get3A_816, %get3A_817] {strides = array<i32>} : memref<400x64xf32, #tpu.memory_space<vmem>>, vector<16xf32>,
        %bitcast3A_819 = vector.bitcast %get3A_818 : vector<16xf32> to vector<32xbf16>
        %mul3A_820 = arith.mulf %bitcast3A_815, %bitcast3A_819 : vector<32xbf16>
        %add3A_821 = arith.addf %mul3A_793, %mul3A_802 : vector<32xbf16>
        %add3A_822 = arith.addf %mul3A_811, %mul3A_820 : vector<32xbf16>
        %add3A_823 = arith.addf %add3A_821, %add3A_822 : vector<32xbf16>
        %unpack3A_824 = tpu.unpack_subelements %add3A_823, 0 {pack_format = #tpu.pack_format<interleaved>} : vector<32xbf16> -> vector<16xf32>
        %unpack3A_825 = tpu.unpack_subelements %add3A_823, 1 {pack_format = #tpu.pack_format<interleaved>} : vector<32xbf16> -> vector<16xf32>
        %add3A_826 = arith.addf %unpack3A_824, %unpack3A_825 : vector<16xf32>
        %mul3A_827 = arith.constant 16 : i32
        %mul3A_828 = arith.muli %scan3A_139, %mul3A_827 : i32
        %add3A_829 = arith.constant 15 : i32
        %add3A_830 = arith.addi %mul3A_828, %add3A_829 : i32
        %get3A_831 = arith.index_cast %add3A_830 : i32 to index
        %get3A_832 = arith.constant 0 : index
        %get3A_833 = tpu.vector_load %arg10[%get3A_831, %get3A_832] {strides = array<i32>} : memref<400x64xf32, #tpu.memory_space<vmem>>, vector<16xf32>,
        %bitcast3A_834 = vector.bitcast %get3A_833 : vector<16xf32> to vector<32xbf16>
        %get3A_835 = arith.index_cast %add3A_830 : i32 to index
        %get3A_836 = arith.constant 0 : index
        %get3A_837 = tpu.vector_load %arg11[%get3A_835, %get3A_836] {strides = array<i32>} : memref<400x64xf32, #tpu.memory_space<vmem>>, vector<16xf32>,
        %bitcast3A_838 = vector.bitcast %get3A_837 : vector<16xf32> to vector<32xbf16>
        %mul3A_839 = arith.mulf %bitcast3A_834, %bitcast3A_838 : vector<32xbf16>
        %get3A_840 = arith.index_cast %add3A_830 : i32 to index
        %get3A_841 = arith.constant 16 : index
        %get3A_842 = tpu.vector_load %arg10[%get3A_840, %get3A_841] {strides = array<i32>} : memref<400x64xf32, #tpu.memory_space<vmem>>, vector<16xf32>,
        %bitcast3A_843 = vector.bitcast %get3A_842 : vector<16xf32> to vector<32xbf16>
        %get3A_844 = arith.index_cast %add3A_830 : i32 to index
        %get3A_845 = arith.constant 16 : index
        %get3A_846 = tpu.vector_load %arg11[%get3A_844, %get3A_845] {strides = array<i32>} : memref<400x64xf32, #tpu.memory_space<vmem>>, vector<16xf32>,
        %bitcast3A_847 = vector.bitcast %get3A_846 : vector<16xf32> to vector<32xbf16>
        %mul3A_848 = arith.mulf %bitcast3A_843, %bitcast3A_847 : vector<32xbf16>
        %get3A_849 = arith.index_cast %add3A_830 : i32 to index
        %get3A_850 = arith.constant 32 : index
        %get3A_851 = tpu.vector_load %arg10[%get3A_849, %get3A_850] {strides = array<i32>} : memref<400x64xf32, #tpu.memory_space<vmem>>, vector<16xf32>,
        %bitcast3A_852 = vector.bitcast %get3A_851 : vector<16xf32> to vector<32xbf16>
        %get3A_853 = arith.index_cast %add3A_830 : i32 to index
        %get3A_854 = arith.constant 32 : index
        %get3A_855 = tpu.vector_load %arg11[%get3A_853, %get3A_854] {strides = array<i32>} : memref<400x64xf32, #tpu.memory_space<vmem>>, vector<16xf32>,
        %bitcast3A_856 = vector.bitcast %get3A_855 : vector<16xf32> to vector<32xbf16>
        %mul3A_857 = arith.mulf %bitcast3A_852, %bitcast3A_856 : vector<32xbf16>
        %get3A_858 = arith.index_cast %add3A_830 : i32 to index
        %get3A_859 = arith.constant 48 : index
        %get3A_860 = tpu.vector_load %arg10[%get3A_858, %get3A_859] {strides = array<i32>} : memref<400x64xf32, #tpu.memory_space<vmem>>, vector<16xf32>,
        %bitcast3A_861 = vector.bitcast %get3A_860 : vector<16xf32> to vector<32xbf16>
        %get3A_862 = arith.index_cast %add3A_830 : i32 to index
        %get3A_863 = arith.constant 48 : index
        %get3A_864 = tpu.vector_load %arg11[%get3A_862, %get3A_863] {strides = array<i32>} : memref<400x64xf32, #tpu.memory_space<vmem>>, vector<16xf32>,
        %bitcast3A_865 = vector.bitcast %get3A_864 : vector<16xf32> to vector<32xbf16>
        %mul3A_866 = arith.mulf %bitcast3A_861, %bitcast3A_865 : vector<32xbf16>
        %add3A_867 = arith.addf %mul3A_839, %mul3A_848 : vector<32xbf16>
        %add3A_868 = arith.addf %mul3A_857, %mul3A_866 : vector<32xbf16>
        %add3A_869 = arith.addf %add3A_867, %add3A_868 : vector<32xbf16>
        %unpack3A_870 = tpu.unpack_subelements %add3A_869, 0 {pack_format = #tpu.pack_format<interleaved>} : vector<32xbf16> -> vector<16xf32>
        %unpack3A_871 = tpu.unpack_subelements %add3A_869, 1 {pack_format = #tpu.pack_format<interleaved>} : vector<32xbf16> -> vector<16xf32>
        %add3A_872 = arith.addf %unpack3A_870, %unpack3A_871 : vector<16xf32>
        %select_n3A = arith.select %eq3A_10, %add3A_182, %add3A_228 : vector<16xi1>, vector<16xf32>
        %select_n3A_873 = arith.select %eq3A_10, %add3A_228, %add3A_182 : vector<16xi1>, vector<16xf32>
        %broadcast_in_dim3A = vector.shape_cast %xor3A_39 : vector<16xi32> to vector<16x1xi32>
        %gather3A = vector.shape_cast %broadcast_in_dim3A : vector<16x1xi32> to vector<16xi32>
        %gather3A_874 = tpu.dynamic_gather %select_n3A_873[%gather3A] in [0] : vector<16xf32>, vector<16xi32> -> vector<16xf32>
        %add3A_875 = arith.addf %select_n3A, %gather3A_874 : vector<16xf32>
        %select_n3A_876 = arith.select %eq3A_10, %add3A_274, %add3A_320 : vector<16xi1>, vector<16xf32>
        %select_n3A_877 = arith.select %eq3A_10, %add3A_320, %add3A_274 : vector<16xi1>, vector<16xf32>
        %broadcast_in_dim3A_878 = vector.shape_cast %xor3A_39 : vector<16xi32> to vector<16x1xi32>
        %gather3A_879 = vector.shape_cast %broadcast_in_dim3A_878 : vector<16x1xi32> to vector<16xi32>
        %gather3A_880 = tpu.dynamic_gather %select_n3A_877[%gather3A_879] in [0] : vector<16xf32>, vector<16xi32> -> vector<16xf32>
        %add3A_881 = arith.addf %select_n3A_876, %gather3A_880 : vector<16xf32>
        %select_n3A_882 = arith.select %eq3A_10, %add3A_366, %add3A_412 : vector<16xi1>, vector<16xf32>
        %select_n3A_883 = arith.select %eq3A_10, %add3A_412, %add3A_366 : vector<16xi1>, vector<16xf32>
        %broadcast_in_dim3A_884 = vector.shape_cast %xor3A_39 : vector<16xi32> to vector<16x1xi32>
        %gather3A_885 = vector.shape_cast %broadcast_in_dim3A_884 : vector<16x1xi32> to vector<16xi32>
        %gather3A_886 = tpu.dynamic_gather %select_n3A_883[%gather3A_885] in [0] : vector<16xf32>, vector<16xi32> -> vector<16xf32>
        %add3A_887 = arith.addf %select_n3A_882, %gather3A_886 : vector<16xf32>
        %select_n3A_888 = arith.select %eq3A_10, %add3A_458, %add3A_504 : vector<16xi1>, vector<16xf32>
        %select_n3A_889 = arith.select %eq3A_10, %add3A_504, %add3A_458 : vector<16xi1>, vector<16xf32>
        %broadcast_in_dim3A_890 = vector.shape_cast %xor3A_39 : vector<16xi32> to vector<16x1xi32>
        %gather3A_891 = vector.shape_cast %broadcast_in_dim3A_890 : vector<16x1xi32> to vector<16xi32>
        %gather3A_892 = tpu.dynamic_gather %select_n3A_889[%gather3A_891] in [0] : vector<16xf32>, vector<16xi32> -> vector<16xf32>
        %add3A_893 = arith.addf %select_n3A_888, %gather3A_892 : vector<16xf32>
        %select_n3A_894 = arith.select %eq3A_10, %add3A_550, %add3A_596 : vector<16xi1>, vector<16xf32>
        %select_n3A_895 = arith.select %eq3A_10, %add3A_596, %add3A_550 : vector<16xi1>, vector<16xf32>
        %broadcast_in_dim3A_896 = vector.shape_cast %xor3A_39 : vector<16xi32> to vector<16x1xi32>
        %gather3A_897 = vector.shape_cast %broadcast_in_dim3A_896 : vector<16x1xi32> to vector<16xi32>
        %gather3A_898 = tpu.dynamic_gather %select_n3A_895[%gather3A_897] in [0] : vector<16xf32>, vector<16xi32> -> vector<16xf32>
        %add3A_899 = arith.addf %select_n3A_894, %gather3A_898 : vector<16xf32>
        %select_n3A_900 = arith.select %eq3A_10, %add3A_642, %add3A_688 : vector<16xi1>, vector<16xf32>
        %select_n3A_901 = arith.select %eq3A_10, %add3A_688, %add3A_642 : vector<16xi1>, vector<16xf32>
        %broadcast_in_dim3A_902 = vector.shape_cast %xor3A_39 : vector<16xi32> to vector<16x1xi32>
        %gather3A_903 = vector.shape_cast %broadcast_in_dim3A_902 : vector<16x1xi32> to vector<16xi32>
        %gather3A_904 = tpu.dynamic_gather %select_n3A_901[%gather3A_903] in [0] : vector<16xf32>, vector<16xi32> -> vector<16xf32>
        %add3A_905 = arith.addf %select_n3A_900, %gather3A_904 : vector<16xf32>
        %select_n3A_906 = arith.select %eq3A_10, %add3A_734, %add3A_780 : vector<16xi1>, vector<16xf32>
        %select_n3A_907 = arith.select %eq3A_10, %add3A_780, %add3A_734 : vector<16xi1>, vector<16xf32>
        %broadcast_in_dim3A_908 = vector.shape_cast %xor3A_39 : vector<16xi32> to vector<16x1xi32>
        %gather3A_909 = vector.shape_cast %broadcast_in_dim3A_908 : vector<16x1xi32> to vector<16xi32>
        %gather3A_910 = tpu.dynamic_gather %select_n3A_907[%gather3A_909] in [0] : vector<16xf32>, vector<16xi32> -> vector<16xf32>
        %add3A_911 = arith.addf %select_n3A_906, %gather3A_910 : vector<16xf32>
        %select_n3A_912 = arith.select %eq3A_10, %add3A_826, %add3A_872 : vector<16xi1>, vector<16xf32>
        %select_n3A_913 = arith.select %eq3A_10, %add3A_872, %add3A_826 : vector<16xi1>, vector<16xf32>
        %broadcast_in_dim3A_914 = vector.shape_cast %xor3A_39 : vector<16xi32> to vector<16x1xi32>
        %gather3A_915 = vector.shape_cast %broadcast_in_dim3A_914 : vector<16x1xi32> to vector<16xi32>
        %gather3A_916 = tpu.dynamic_gather %select_n3A_913[%gather3A_915] in [0] : vector<16xf32>, vector<16xi32> -> vector<16xf32>
        %add3A_917 = arith.addf %select_n3A_912, %gather3A_916 : vector<16xf32>
        %select_n3A_918 = arith.select %eq3A_19, %add3A_875, %add3A_881 : vector<16xi1>, vector<16xf32>
        %select_n3A_919 = arith.select %eq3A_19, %add3A_881, %add3A_875 : vector<16xi1>, vector<16xf32>
        %broadcast_in_dim3A_920 = vector.shape_cast %xor3A_42 : vector<16xi32> to vector<16x1xi32>
        %gather3A_921 = vector.shape_cast %broadcast_in_dim3A_920 : vector<16x1xi32> to vector<16xi32>
        %gather3A_922 = tpu.dynamic_gather %select_n3A_919[%gather3A_921] in [0] : vector<16xf32>, vector<16xi32> -> vector<16xf32>
        %add3A_923 = arith.addf %select_n3A_918, %gather3A_922 : vector<16xf32>
        %select_n3A_924 = arith.select %eq3A_19, %add3A_887, %add3A_893 : vector<16xi1>, vector<16xf32>
        %select_n3A_925 = arith.select %eq3A_19, %add3A_893, %add3A_887 : vector<16xi1>, vector<16xf32>
        %broadcast_in_dim3A_926 = vector.shape_cast %xor3A_42 : vector<16xi32> to vector<16x1xi32>
        %gather3A_927 = vector.shape_cast %broadcast_in_dim3A_926 : vector<16x1xi32> to vector<16xi32>
        %gather3A_928 = tpu.dynamic_gather %select_n3A_925[%gather3A_927] in [0] : vector<16xf32>, vector<16xi32> -> vector<16xf32>
        %add3A_929 = arith.addf %select_n3A_924, %gather3A_928 : vector<16xf32>
        %select_n3A_930 = arith.select %eq3A_19, %add3A_899, %add3A_905 : vector<16xi1>, vector<16xf32>
        %select_n3A_931 = arith.select %eq3A_19, %add3A_905, %add3A_899 : vector<16xi1>, vector<16xf32>
        %broadcast_in_dim3A_932 = vector.shape_cast %xor3A_42 : vector<16xi32> to vector<16x1xi32>
        %gather3A_933 = vector.shape_cast %broadcast_in_dim3A_932 : vector<16x1xi32> to vector<16xi32>
        %gather3A_934 = tpu.dynamic_gather %select_n3A_931[%gather3A_933] in [0] : vector<16xf32>, vector<16xi32> -> vector<16xf32>
        %add3A_935 = arith.addf %select_n3A_930, %gather3A_934 : vector<16xf32>
        %select_n3A_936 = arith.select %eq3A_19, %add3A_911, %add3A_917 : vector<16xi1>, vector<16xf32>
        %select_n3A_937 = arith.select %eq3A_19, %add3A_917, %add3A_911 : vector<16xi1>, vector<16xf32>
        %broadcast_in_dim3A_938 = vector.shape_cast %xor3A_42 : vector<16xi32> to vector<16x1xi32>
        %gather3A_939 = vector.shape_cast %broadcast_in_dim3A_938 : vector<16x1xi32> to vector<16xi32>
        %gather3A_940 = tpu.dynamic_gather %select_n3A_937[%gather3A_939] in [0] : vector<16xf32>, vector<16xi32> -> vector<16xf32>
        %add3A_941 = arith.addf %select_n3A_936, %gather3A_940 : vector<16xf32>
        %select_n3A_942 = arith.select %eq3A_28, %add3A_923, %add3A_929 : vector<16xi1>, vector<16xf32>
        %select_n3A_943 = arith.select %eq3A_28, %add3A_929, %add3A_923 : vector<16xi1>, vector<16xf32>
        %broadcast_in_dim3A_944 = vector.shape_cast %xor3A_45 : vector<16xi32> to vector<16x1xi32>
        %gather3A_945 = vector.shape_cast %broadcast_in_dim3A_944 : vector<16x1xi32> to vector<16xi32>
        %gather3A_946 = tpu.dynamic_gather %select_n3A_943[%gather3A_945] in [0] : vector<16xf32>, vector<16xi32> -> vector<16xf32>
        %add3A_947 = arith.addf %select_n3A_942, %gather3A_946 : vector<16xf32>
        %select_n3A_948 = arith.select %eq3A_28, %add3A_935, %add3A_941 : vector<16xi1>, vector<16xf32>
        %select_n3A_949 = arith.select %eq3A_28, %add3A_941, %add3A_935 : vector<16xi1>, vector<16xf32>
        %broadcast_in_dim3A_950 = vector.shape_cast %xor3A_45 : vector<16xi32> to vector<16x1xi32>
        %gather3A_951 = vector.shape_cast %broadcast_in_dim3A_950 : vector<16x1xi32> to vector<16xi32>
        %gather3A_952 = tpu.dynamic_gather %select_n3A_949[%gather3A_951] in [0] : vector<16xf32>, vector<16xi32> -> vector<16xf32>
        %add3A_953 = arith.addf %select_n3A_948, %gather3A_952 : vector<16xf32>
        %select_n3A_954 = arith.select %eq3A_37, %add3A_947, %add3A_953 : vector<16xi1>, vector<16xf32>
        %select_n3A_955 = arith.select %eq3A_37, %add3A_953, %add3A_947 : vector<16xi1>, vector<16xf32>
        %broadcast_in_dim3A_956 = vector.shape_cast %xor3A_48 : vector<16xi32> to vector<16x1xi32>
        %gather3A_957 = vector.shape_cast %broadcast_in_dim3A_956 : vector<16x1xi32> to vector<16xi32>
        %gather3A_958 = tpu.dynamic_gather %select_n3A_955[%gather3A_957] in [0] : vector<16xf32>, vector<16xi32> -> vector<16xf32>
        %add3A_959 = arith.addf %select_n3A_954, %gather3A_958 : vector<16xf32>
        %mul3A_960 = arith.constant 16 : i32
        %mul3A_961 = arith.muli %scan3A_139, %mul3A_960 : i32
        %swap3A = arith.index_cast %mul3A_961 : i32 to index
        %swap3A_962 = tpu.vector_load %arg12[%swap3A] {strides = array<i32>} : memref<400xf32, #tpu.memory_space<vmem>>, vector<16xf32>,
        tpu.vector_store %arg12[%swap3A], %add3A_959 {strides = array<i32>} : memref<400xf32, #tpu.memory_space<vmem>>, vector<16xf32>,
      }
      %scan3A_135 = arith.constant 25 : i32
      %mul3A_136 = arith.constant 400 : i32
      %mul3A_137 = arith.muli %add3A_119, %mul3A_136 : i32
      %add3A_138 = arith.addi %mul3A_2, %mul3A_137 : i32
      "tpu.region"() ({
        %run_scoped3A = tpu.sem_alloc : memref<!tpu.dma_semaphore, #tpu.memory_space<semaphore_mem>>
        %dma_start3A_139 = tpu.memref_slice %arg5[%add3A_138] : memref<320000xf32, #tpu.memory_space<hbm>> -> memref<400xf32, #tpu.memory_space<hbm>>
        %dma_start3A_140 = tpu.memref_slice %arg5[%add3A_138] : memref<320000xf32, #tpu.memory_space<hbm>> -> memref<400xf32, #tpu.memory_space<hbm>>
        tpu.enqueue_dma source(%arg12 : memref<400xf32, #tpu.memory_space<vmem>>) target(%dma_start3A_140 : memref<400xf32, #tpu.memory_space<hbm>>) target_semaphore(%run_scoped3A : memref<!tpu.dma_semaphore, #tpu.memory_space<semaphore_mem>>)
        %dma_wait3A_141 = tpu.memref_slice %arg5[%add3A_138] : memref<320000xf32, #tpu.memory_space<hbm>> -> memref<400xf32, #tpu.memory_space<hbm>>
        %dma_wait3A_142 = tpu.memref_slice %arg5[%add3A_138] : memref<320000xf32, #tpu.memory_space<hbm>> -> memref<400xf32, #tpu.memory_space<hbm>>
        tpu.wait_dma2 semaphore(%run_scoped3A : memref<!tpu.dma_semaphore, #tpu.memory_space<semaphore_mem>>) src(%arg12 : memref<400xf32, #tpu.memory_space<vmem>>) dst(%dma_wait3A_142 : memref<400xf32, #tpu.memory_space<hbm>>)
        tpu.yield
      }) : () -> ()
    }
    %scan3A_62 = arith.constant 12 : i32
    %dma_wait3A = arith.constant 9600 : i32
    %dma_wait3A_63 = tpu.memref_slice %arg6[%dma_wait3A] : memref<10000xi32, #tpu.memory_space<vmem>> -> memref<400xi32, #tpu.memory_space<vmem>>
    %dma_wait3A_64 = arith.constant 0 : i32
    %dma_wait3A_65 = arith.constant 0 : i32
    %dma_wait3A_66 = tpu.memref_slice %arg2[%dma_wait3A_64, %dma_wait3A_65] : memref<10000x64xf32, #tpu.memory_space<hbm>> -> memref<10000x64xf32, #tpu.memory_space<hbm>>
    tpu.wait_indirect_dma semaphore(%arg13 : memref<!tpu.dma_semaphore, #tpu.memory_space<semaphore_mem>>) src(%dma_wait3A_66 : memref<10000x64xf32, #tpu.memory_space<hbm>>) dst(%arg8 : memref<400x64xf32, #tpu.memory_space<vmem>>)
    %dma_wait3A_67 = arith.constant 9600 : i32
    %dma_wait3A_68 = tpu.memref_slice %arg7[%dma_wait3A_67] : memref<10000xi32, #tpu.memory_space<vmem>> -> memref<400xi32, #tpu.memory_space<vmem>>
    %dma_wait3A_69 = arith.constant 0 : i32
    %dma_wait3A_70 = arith.constant 0 : i32
    %dma_wait3A_71 = tpu.memref_slice %arg3[%dma_wait3A_69, %dma_wait3A_70] : memref<10000x64xf32, #tpu.memory_space<hbm>> -> memref<10000x64xf32, #tpu.memory_space<hbm>>
    tpu.wait_indirect_dma semaphore(%arg14 : memref<!tpu.dma_semaphore, #tpu.memory_space<semaphore_mem>>) src(%dma_wait3A_71 : memref<10000x64xf32, #tpu.memory_space<hbm>>) dst(%arg9 : memref<400x64xf32, #tpu.memory_space<vmem>>)
    %scan3A_72 = arith.constant 0 : i32
    %scan3A_73 = arith.constant 0 : i32
    %scan3A_74 = arith.constant 25 : i32
    %scan3A_75 = arith.addi %scan3A_73, %scan3A_74 : i32
    %scan3A_76 = arith.constant 1 : i32
    scf.for %scan3A_80 = %scan3A_73 to %scan3A_75 step %scan3A_76  : i32 {
      %mul3A_81 = arith.constant 16 : i32
      %mul3A_82 = arith.muli %scan3A_80, %mul3A_81 : i32
      %add3A_83 = arith.constant 0 : i32
      %add3A_84 = arith.addi %mul3A_82, %add3A_83 : i32
      %get3A = arith.index_cast %add3A_84 : i32 to index
      %get3A_85 = arith.constant 0 : index
      %get3A_86 = tpu.vector_load %arg8[%get3A, %get3A_85] {strides = array<i32>} : memref<400x64xf32, #tpu.memory_space<vmem>>, vector<16xf32>,
      %bitcast3A = vector.bitcast %get3A_86 : vector<16xf32> to vector<32xbf16>
      %get3A_87 = arith.index_cast %add3A_84 : i32 to index
      %get3A_88 = arith.constant 0 : index
      %get3A_89 = tpu.vector_load %arg9[%get3A_87, %get3A_88] {strides = array<i32>} : memref<400x64xf32, #tpu.memory_space<vmem>>, vector<16xf32>,
      %bitcast3A_90 = vector.bitcast %get3A_89 : vector<16xf32> to vector<32xbf16>
      %mul3A_91 = arith.mulf %bitcast3A, %bitcast3A_90 : vector<32xbf16>
      %get3A_92 = arith.index_cast %add3A_84 : i32 to index
      %get3A_93 = arith.constant 16 : index
      %get3A_94 = tpu.vector_load %arg8[%get3A_92, %get3A_93] {strides = array<i32>} : memref<400x64xf32, #tpu.memory_space<vmem>>, vector<16xf32>,
      %bitcast3A_95 = vector.bitcast %get3A_94 : vector<16xf32> to vector<32xbf16>
      %get3A_96 = arith.index_cast %add3A_84 : i32 to index
      %get3A_97 = arith.constant 16 : index
      %get3A_98 = tpu.vector_load %arg9[%get3A_96, %get3A_97] {strides = array<i32>} : memref<400x64xf32, #tpu.memory_space<vmem>>, vector<16xf32>,
      %bitcast3A_99 = vector.bitcast %get3A_98 : vector<16xf32> to vector<32xbf16>
      %mul3A_100 = arith.mulf %bitcast3A_95, %bitcast3A_99 : vector<32xbf16>
      %get3A_101 = arith.index_cast %add3A_84 : i32 to index
      %get3A_102 = arith.constant 32 : index
      %get3A_103 = tpu.vector_load %arg8[%get3A_101, %get3A_102] {strides = array<i32>} : memref<400x64xf32, #tpu.memory_space<vmem>>, vector<16xf32>,
      %bitcast3A_104 = vector.bitcast %get3A_103 : vector<16xf32> to vector<32xbf16>
      %get3A_105 = arith.index_cast %add3A_84 : i32 to index
      %get3A_106 = arith.constant 32 : index
      %get3A_107 = tpu.vector_load %arg9[%get3A_105, %get3A_106] {strides = array<i32>} : memref<400x64xf32, #tpu.memory_space<vmem>>, vector<16xf32>,
      %bitcast3A_108 = vector.bitcast %get3A_107 : vector<16xf32> to vector<32xbf16>
      %mul3A_109 = arith.mulf %bitcast3A_104, %bitcast3A_108 : vector<32xbf16>
      %get3A_110 = arith.index_cast %add3A_84 : i32 to index
      %get3A_111 = arith.constant 48 : index
      %get3A_112 = tpu.vector_load %arg8[%get3A_110, %get3A_111] {strides = array<i32>} : memref<400x64xf32, #tpu.memory_space<vmem>>, vector<16xf32>,
      %bitcast3A_113 = vector.bitcast %get3A_112 : vector<16xf32> to vector<32xbf16>
      %get3A_114 = arith.index_cast %add3A_84 : i32 to index
      %get3A_115 = arith.constant 48 : index
      %get3A_116 = tpu.vector_load %arg9[%get3A_114, %get3A_115] {strides = array<i32>} : memref<400x64xf32, #tpu.memory_space<vmem>>, vector<16xf32>,
      %bitcast3A_117 = vector.bitcast %get3A_116 : vector<16xf32> to vector<32xbf16>
      %mul3A_118 = arith.mulf %bitcast3A_113, %bitcast3A_117 : vector<32xbf16>
      %add3A_119 = arith.addf %mul3A_91, %mul3A_100 : vector<32xbf16>
      %add3A_120 = arith.addf %mul3A_109, %mul3A_118 : vector<32xbf16>
      %add3A_121 = arith.addf %add3A_119, %add3A_120 : vector<32xbf16>
      %unpack3A = tpu.unpack_subelements %add3A_121, 0 {pack_format = #tpu.pack_format<interleaved>} : vector<32xbf16> -> vector<16xf32>
      %unpack3A_122 = tpu.unpack_subelements %add3A_121, 1 {pack_format = #tpu.pack_format<interleaved>} : vector<32xbf16> -> vector<16xf32>
      %add3A_123 = arith.addf %unpack3A, %unpack3A_122 : vector<16xf32>
      %mul3A_124 = arith.constant 16 : i32
      %mul3A_125 = arith.muli %scan3A_80, %mul3A_124 : i32
      %add3A_126 = arith.constant 1 : i32
      %add3A_127 = arith.addi %mul3A_125, %add3A_126 : i32
      %get3A_128 = arith.index_cast %add3A_127 : i32 to index
      %get3A_129 = arith.constant 0 : index
      %get3A_130 = tpu.vector_load %arg8[%get3A_128, %get3A_129] {strides = array<i32>} : memref<400x64xf32, #tpu.memory_space<vmem>>, vector<16xf32>,
      %bitcast3A_131 = vector.bitcast %get3A_130 : vector<16xf32> to vector<32xbf16>
      %get3A_132 = arith.index_cast %add3A_127 : i32 to index
      %get3A_133 = arith.constant 0 : index
      %get3A_134 = tpu.vector_load %arg9[%get3A_132, %get3A_133] {strides = array<i32>} : memref<400x64xf32, #tpu.memory_space<vmem>>, vector<16xf32>,
      %bitcast3A_135 = vector.bitcast %get3A_134 : vector<16xf32> to vector<32xbf16>
      %mul3A_136 = arith.mulf %bitcast3A_131, %bitcast3A_135 : vector<32xbf16>
      %get3A_137 = arith.index_cast %add3A_127 : i32 to index
      %get3A_138 = arith.constant 16 : index
      %get3A_139 = tpu.vector_load %arg8[%get3A_137, %get3A_138] {strides = array<i32>} : memref<400x64xf32, #tpu.memory_space<vmem>>, vector<16xf32>,
      %bitcast3A_140 = vector.bitcast %get3A_139 : vector<16xf32> to vector<32xbf16>
      %get3A_141 = arith.index_cast %add3A_127 : i32 to index
      %get3A_142 = arith.constant 16 : index
      %get3A_143 = tpu.vector_load %arg9[%get3A_141, %get3A_142] {strides = array<i32>} : memref<400x64xf32, #tpu.memory_space<vmem>>, vector<16xf32>,
      %bitcast3A_144 = vector.bitcast %get3A_143 : vector<16xf32> to vector<32xbf16>
      %mul3A_145 = arith.mulf %bitcast3A_140, %bitcast3A_144 : vector<32xbf16>
      %get3A_146 = arith.index_cast %add3A_127 : i32 to index
      %get3A_147 = arith.constant 32 : index
      %get3A_148 = tpu.vector_load %arg8[%get3A_146, %get3A_147] {strides = array<i32>} : memref<400x64xf32, #tpu.memory_space<vmem>>, vector<16xf32>,
      %bitcast3A_149 = vector.bitcast %get3A_148 : vector<16xf32> to vector<32xbf16>
      %get3A_150 = arith.index_cast %add3A_127 : i32 to index
      %get3A_151 = arith.constant 32 : index
      %get3A_152 = tpu.vector_load %arg9[%get3A_150, %get3A_151] {strides = array<i32>} : memref<400x64xf32, #tpu.memory_space<vmem>>, vector<16xf32>,
      %bitcast3A_153 = vector.bitcast %get3A_152 : vector<16xf32> to vector<32xbf16>
      %mul3A_154 = arith.mulf %bitcast3A_149, %bitcast3A_153 : vector<32xbf16>
      %get3A_155 = arith.index_cast %add3A_127 : i32 to index
      %get3A_156 = arith.constant 48 : index
      %get3A_157 = tpu.vector_load %arg8[%get3A_155, %get3A_156] {strides = array<i32>} : memref<400x64xf32, #tpu.memory_space<vmem>>, vector<16xf32>,
      %bitcast3A_158 = vector.bitcast %get3A_157 : vector<16xf32> to vector<32xbf16>
      %get3A_159 = arith.index_cast %add3A_127 : i32 to index
      %get3A_160 = arith.constant 48 : index
      %get3A_161 = tpu.vector_load %arg9[%get3A_159, %get3A_160] {strides = array<i32>} : memref<400x64xf32, #tpu.memory_space<vmem>>, vector<16xf32>,
      %bitcast3A_162 = vector.bitcast %get3A_161 : vector<16xf32> to vector<32xbf16>
      %mul3A_163 = arith.mulf %bitcast3A_158, %bitcast3A_162 : vector<32xbf16>
      %add3A_164 = arith.addf %mul3A_136, %mul3A_145 : vector<32xbf16>
      %add3A_165 = arith.addf %mul3A_154, %mul3A_163 : vector<32xbf16>
      %add3A_166 = arith.addf %add3A_164, %add3A_165 : vector<32xbf16>
      %unpack3A_167 = tpu.unpack_subelements %add3A_166, 0 {pack_format = #tpu.pack_format<interleaved>} : vector<32xbf16> -> vector<16xf32>
      %unpack3A_168 = tpu.unpack_subelements %add3A_166, 1 {pack_format = #tpu.pack_format<interleaved>} : vector<32xbf16> -> vector<16xf32>
      %add3A_169 = arith.addf %unpack3A_167, %unpack3A_168 : vector<16xf32>
      %mul3A_170 = arith.constant 16 : i32
      %mul3A_171 = arith.muli %scan3A_80, %mul3A_170 : i32
      %add3A_172 = arith.constant 2 : i32
      %add3A_173 = arith.addi %mul3A_171, %add3A_172 : i32
      %get3A_174 = arith.index_cast %add3A_173 : i32 to index
      %get3A_175 = arith.constant 0 : index
      %get3A_176 = tpu.vector_load %arg8[%get3A_174, %get3A_175] {strides = array<i32>} : memref<400x64xf32, #tpu.memory_space<vmem>>, vector<16xf32>,
      %bitcast3A_177 = vector.bitcast %get3A_176 : vector<16xf32> to vector<32xbf16>
      %get3A_178 = arith.index_cast %add3A_173 : i32 to index
      %get3A_179 = arith.constant 0 : index
      %get3A_180 = tpu.vector_load %arg9[%get3A_178, %get3A_179] {strides = array<i32>} : memref<400x64xf32, #tpu.memory_space<vmem>>, vector<16xf32>,
      %bitcast3A_181 = vector.bitcast %get3A_180 : vector<16xf32> to vector<32xbf16>
      %mul3A_182 = arith.mulf %bitcast3A_177, %bitcast3A_181 : vector<32xbf16>
      %get3A_183 = arith.index_cast %add3A_173 : i32 to index
      %get3A_184 = arith.constant 16 : index
      %get3A_185 = tpu.vector_load %arg8[%get3A_183, %get3A_184] {strides = array<i32>} : memref<400x64xf32, #tpu.memory_space<vmem>>, vector<16xf32>,
      %bitcast3A_186 = vector.bitcast %get3A_185 : vector<16xf32> to vector<32xbf16>
      %get3A_187 = arith.index_cast %add3A_173 : i32 to index
      %get3A_188 = arith.constant 16 : index
      %get3A_189 = tpu.vector_load %arg9[%get3A_187, %get3A_188] {strides = array<i32>} : memref<400x64xf32, #tpu.memory_space<vmem>>, vector<16xf32>,
      %bitcast3A_190 = vector.bitcast %get3A_189 : vector<16xf32> to vector<32xbf16>
      %mul3A_191 = arith.mulf %bitcast3A_186, %bitcast3A_190 : vector<32xbf16>
      %get3A_192 = arith.index_cast %add3A_173 : i32 to index
      %get3A_193 = arith.constant 32 : index
      %get3A_194 = tpu.vector_load %arg8[%get3A_192, %get3A_193] {strides = array<i32>} : memref<400x64xf32, #tpu.memory_space<vmem>>, vector<16xf32>,
      %bitcast3A_195 = vector.bitcast %get3A_194 : vector<16xf32> to vector<32xbf16>
      %get3A_196 = arith.index_cast %add3A_173 : i32 to index
      %get3A_197 = arith.constant 32 : index
      %get3A_198 = tpu.vector_load %arg9[%get3A_196, %get3A_197] {strides = array<i32>} : memref<400x64xf32, #tpu.memory_space<vmem>>, vector<16xf32>,
      %bitcast3A_199 = vector.bitcast %get3A_198 : vector<16xf32> to vector<32xbf16>
      %mul3A_200 = arith.mulf %bitcast3A_195, %bitcast3A_199 : vector<32xbf16>
      %get3A_201 = arith.index_cast %add3A_173 : i32 to index
      %get3A_202 = arith.constant 48 : index
      %get3A_203 = tpu.vector_load %arg8[%get3A_201, %get3A_202] {strides = array<i32>} : memref<400x64xf32, #tpu.memory_space<vmem>>, vector<16xf32>,
      %bitcast3A_204 = vector.bitcast %get3A_203 : vector<16xf32> to vector<32xbf16>
      %get3A_205 = arith.index_cast %add3A_173 : i32 to index
      %get3A_206 = arith.constant 48 : index
      %get3A_207 = tpu.vector_load %arg9[%get3A_205, %get3A_206] {strides = array<i32>} : memref<400x64xf32, #tpu.memory_space<vmem>>, vector<16xf32>,
      %bitcast3A_208 = vector.bitcast %get3A_207 : vector<16xf32> to vector<32xbf16>
      %mul3A_209 = arith.mulf %bitcast3A_204, %bitcast3A_208 : vector<32xbf16>
      %add3A_210 = arith.addf %mul3A_182, %mul3A_191 : vector<32xbf16>
      %add3A_211 = arith.addf %mul3A_200, %mul3A_209 : vector<32xbf16>
      %add3A_212 = arith.addf %add3A_210, %add3A_211 : vector<32xbf16>
      %unpack3A_213 = tpu.unpack_subelements %add3A_212, 0 {pack_format = #tpu.pack_format<interleaved>} : vector<32xbf16> -> vector<16xf32>
      %unpack3A_214 = tpu.unpack_subelements %add3A_212, 1 {pack_format = #tpu.pack_format<interleaved>} : vector<32xbf16> -> vector<16xf32>
      %add3A_215 = arith.addf %unpack3A_213, %unpack3A_214 : vector<16xf32>
      %mul3A_216 = arith.constant 16 : i32
      %mul3A_217 = arith.muli %scan3A_80, %mul3A_216 : i32
      %add3A_218 = arith.constant 3 : i32
      %add3A_219 = arith.addi %mul3A_217, %add3A_218 : i32
      %get3A_220 = arith.index_cast %add3A_219 : i32 to index
      %get3A_221 = arith.constant 0 : index
      %get3A_222 = tpu.vector_load %arg8[%get3A_220, %get3A_221] {strides = array<i32>} : memref<400x64xf32, #tpu.memory_space<vmem>>, vector<16xf32>,
      %bitcast3A_223 = vector.bitcast %get3A_222 : vector<16xf32> to vector<32xbf16>
      %get3A_224 = arith.index_cast %add3A_219 : i32 to index
      %get3A_225 = arith.constant 0 : index
      %get3A_226 = tpu.vector_load %arg9[%get3A_224, %get3A_225] {strides = array<i32>} : memref<400x64xf32, #tpu.memory_space<vmem>>, vector<16xf32>,
      %bitcast3A_227 = vector.bitcast %get3A_226 : vector<16xf32> to vector<32xbf16>
      %mul3A_228 = arith.mulf %bitcast3A_223, %bitcast3A_227 : vector<32xbf16>
      %get3A_229 = arith.index_cast %add3A_219 : i32 to index
      %get3A_230 = arith.constant 16 : index
      %get3A_231 = tpu.vector_load %arg8[%get3A_229, %get3A_230] {strides = array<i32>} : memref<400x64xf32, #tpu.memory_space<vmem>>, vector<16xf32>,
      %bitcast3A_232 = vector.bitcast %get3A_231 : vector<16xf32> to vector<32xbf16>
      %get3A_233 = arith.index_cast %add3A_219 : i32 to index
      %get3A_234 = arith.constant 16 : index
      %get3A_235 = tpu.vector_load %arg9[%get3A_233, %get3A_234] {strides = array<i32>} : memref<400x64xf32, #tpu.memory_space<vmem>>, vector<16xf32>,
      %bitcast3A_236 = vector.bitcast %get3A_235 : vector<16xf32> to vector<32xbf16>
      %mul3A_237 = arith.mulf %bitcast3A_232, %bitcast3A_236 : vector<32xbf16>
      %get3A_238 = arith.index_cast %add3A_219 : i32 to index
      %get3A_239 = arith.constant 32 : index
      %get3A_240 = tpu.vector_load %arg8[%get3A_238, %get3A_239] {strides = array<i32>} : memref<400x64xf32, #tpu.memory_space<vmem>>, vector<16xf32>,
      %bitcast3A_241 = vector.bitcast %get3A_240 : vector<16xf32> to vector<32xbf16>
      %get3A_242 = arith.index_cast %add3A_219 : i32 to index
      %get3A_243 = arith.constant 32 : index
      %get3A_244 = tpu.vector_load %arg9[%get3A_242, %get3A_243] {strides = array<i32>} : memref<400x64xf32, #tpu.memory_space<vmem>>, vector<16xf32>,
      %bitcast3A_245 = vector.bitcast %get3A_244 : vector<16xf32> to vector<32xbf16>
      %mul3A_246 = arith.mulf %bitcast3A_241, %bitcast3A_245 : vector<32xbf16>
      %get3A_247 = arith.index_cast %add3A_219 : i32 to index
      %get3A_248 = arith.constant 48 : index
      %get3A_249 = tpu.vector_load %arg8[%get3A_247, %get3A_248] {strides = array<i32>} : memref<400x64xf32, #tpu.memory_space<vmem>>, vector<16xf32>,
      %bitcast3A_250 = vector.bitcast %get3A_249 : vector<16xf32> to vector<32xbf16>
      %get3A_251 = arith.index_cast %add3A_219 : i32 to index
      %get3A_252 = arith.constant 48 : index
      %get3A_253 = tpu.vector_load %arg9[%get3A_251, %get3A_252] {strides = array<i32>} : memref<400x64xf32, #tpu.memory_space<vmem>>, vector<16xf32>,
      %bitcast3A_254 = vector.bitcast %get3A_253 : vector<16xf32> to vector<32xbf16>
      %mul3A_255 = arith.mulf %bitcast3A_250, %bitcast3A_254 : vector<32xbf16>
      %add3A_256 = arith.addf %mul3A_228, %mul3A_237 : vector<32xbf16>
      %add3A_257 = arith.addf %mul3A_246, %mul3A_255 : vector<32xbf16>
      %add3A_258 = arith.addf %add3A_256, %add3A_257 : vector<32xbf16>
      %unpack3A_259 = tpu.unpack_subelements %add3A_258, 0 {pack_format = #tpu.pack_format<interleaved>} : vector<32xbf16> -> vector<16xf32>
      %unpack3A_260 = tpu.unpack_subelements %add3A_258, 1 {pack_format = #tpu.pack_format<interleaved>} : vector<32xbf16> -> vector<16xf32>
      %add3A_261 = arith.addf %unpack3A_259, %unpack3A_260 : vector<16xf32>
      %mul3A_262 = arith.constant 16 : i32
      %mul3A_263 = arith.muli %scan3A_80, %mul3A_262 : i32
      %add3A_264 = arith.constant 4 : i32
      %add3A_265 = arith.addi %mul3A_263, %add3A_264 : i32
      %get3A_266 = arith.index_cast %add3A_265 : i32 to index
      %get3A_267 = arith.constant 0 : index
      %get3A_268 = tpu.vector_load %arg8[%get3A_266, %get3A_267] {strides = array<i32>} : memref<400x64xf32, #tpu.memory_space<vmem>>, vector<16xf32>,
      %bitcast3A_269 = vector.bitcast %get3A_268 : vector<16xf32> to vector<32xbf16>
      %get3A_270 = arith.index_cast %add3A_265 : i32 to index
      %get3A_271 = arith.constant 0 : index
      %get3A_272 = tpu.vector_load %arg9[%get3A_270, %get3A_271] {strides = array<i32>} : memref<400x64xf32, #tpu.memory_space<vmem>>, vector<16xf32>,
      %bitcast3A_273 = vector.bitcast %get3A_272 : vector<16xf32> to vector<32xbf16>
      %mul3A_274 = arith.mulf %bitcast3A_269, %bitcast3A_273 : vector<32xbf16>
      %get3A_275 = arith.index_cast %add3A_265 : i32 to index
      %get3A_276 = arith.constant 16 : index
      %get3A_277 = tpu.vector_load %arg8[%get3A_275, %get3A_276] {strides = array<i32>} : memref<400x64xf32, #tpu.memory_space<vmem>>, vector<16xf32>,
      %bitcast3A_278 = vector.bitcast %get3A_277 : vector<16xf32> to vector<32xbf16>
      %get3A_279 = arith.index_cast %add3A_265 : i32 to index
      %get3A_280 = arith.constant 16 : index
      %get3A_281 = tpu.vector_load %arg9[%get3A_279, %get3A_280] {strides = array<i32>} : memref<400x64xf32, #tpu.memory_space<vmem>>, vector<16xf32>,
      %bitcast3A_282 = vector.bitcast %get3A_281 : vector<16xf32> to vector<32xbf16>
      %mul3A_283 = arith.mulf %bitcast3A_278, %bitcast3A_282 : vector<32xbf16>
      %get3A_284 = arith.index_cast %add3A_265 : i32 to index
      %get3A_285 = arith.constant 32 : index
      %get3A_286 = tpu.vector_load %arg8[%get3A_284, %get3A_285] {strides = array<i32>} : memref<400x64xf32, #tpu.memory_space<vmem>>, vector<16xf32>,
      %bitcast3A_287 = vector.bitcast %get3A_286 : vector<16xf32> to vector<32xbf16>
      %get3A_288 = arith.index_cast %add3A_265 : i32 to index
      %get3A_289 = arith.constant 32 : index
      %get3A_290 = tpu.vector_load %arg9[%get3A_288, %get3A_289] {strides = array<i32>} : memref<400x64xf32, #tpu.memory_space<vmem>>, vector<16xf32>,
      %bitcast3A_291 = vector.bitcast %get3A_290 : vector<16xf32> to vector<32xbf16>
      %mul3A_292 = arith.mulf %bitcast3A_287, %bitcast3A_291 : vector<32xbf16>
      %get3A_293 = arith.index_cast %add3A_265 : i32 to index
      %get3A_294 = arith.constant 48 : index
      %get3A_295 = tpu.vector_load %arg8[%get3A_293, %get3A_294] {strides = array<i32>} : memref<400x64xf32, #tpu.memory_space<vmem>>, vector<16xf32>,
      %bitcast3A_296 = vector.bitcast %get3A_295 : vector<16xf32> to vector<32xbf16>
      %get3A_297 = arith.index_cast %add3A_265 : i32 to index
      %get3A_298 = arith.constant 48 : index
      %get3A_299 = tpu.vector_load %arg9[%get3A_297, %get3A_298] {strides = array<i32>} : memref<400x64xf32, #tpu.memory_space<vmem>>, vector<16xf32>,
      %bitcast3A_300 = vector.bitcast %get3A_299 : vector<16xf32> to vector<32xbf16>
      %mul3A_301 = arith.mulf %bitcast3A_296, %bitcast3A_300 : vector<32xbf16>
      %add3A_302 = arith.addf %mul3A_274, %mul3A_283 : vector<32xbf16>
      %add3A_303 = arith.addf %mul3A_292, %mul3A_301 : vector<32xbf16>
      %add3A_304 = arith.addf %add3A_302, %add3A_303 : vector<32xbf16>
      %unpack3A_305 = tpu.unpack_subelements %add3A_304, 0 {pack_format = #tpu.pack_format<interleaved>} : vector<32xbf16> -> vector<16xf32>
      %unpack3A_306 = tpu.unpack_subelements %add3A_304, 1 {pack_format = #tpu.pack_format<interleaved>} : vector<32xbf16> -> vector<16xf32>
      %add3A_307 = arith.addf %unpack3A_305, %unpack3A_306 : vector<16xf32>
      %mul3A_308 = arith.constant 16 : i32
      %mul3A_309 = arith.muli %scan3A_80, %mul3A_308 : i32
      %add3A_310 = arith.constant 5 : i32
      %add3A_311 = arith.addi %mul3A_309, %add3A_310 : i32
      %get3A_312 = arith.index_cast %add3A_311 : i32 to index
      %get3A_313 = arith.constant 0 : index
      %get3A_314 = tpu.vector_load %arg8[%get3A_312, %get3A_313] {strides = array<i32>} : memref<400x64xf32, #tpu.memory_space<vmem>>, vector<16xf32>,
      %bitcast3A_315 = vector.bitcast %get3A_314 : vector<16xf32> to vector<32xbf16>
      %get3A_316 = arith.index_cast %add3A_311 : i32 to index
      %get3A_317 = arith.constant 0 : index
      %get3A_318 = tpu.vector_load %arg9[%get3A_316, %get3A_317] {strides = array<i32>} : memref<400x64xf32, #tpu.memory_space<vmem>>, vector<16xf32>,
      %bitcast3A_319 = vector.bitcast %get3A_318 : vector<16xf32> to vector<32xbf16>
      %mul3A_320 = arith.mulf %bitcast3A_315, %bitcast3A_319 : vector<32xbf16>
      %get3A_321 = arith.index_cast %add3A_311 : i32 to index
      %get3A_322 = arith.constant 16 : index
      %get3A_323 = tpu.vector_load %arg8[%get3A_321, %get3A_322] {strides = array<i32>} : memref<400x64xf32, #tpu.memory_space<vmem>>, vector<16xf32>,
      %bitcast3A_324 = vector.bitcast %get3A_323 : vector<16xf32> to vector<32xbf16>
      %get3A_325 = arith.index_cast %add3A_311 : i32 to index
      %get3A_326 = arith.constant 16 : index
      %get3A_327 = tpu.vector_load %arg9[%get3A_325, %get3A_326] {strides = array<i32>} : memref<400x64xf32, #tpu.memory_space<vmem>>, vector<16xf32>,
      %bitcast3A_328 = vector.bitcast %get3A_327 : vector<16xf32> to vector<32xbf16>
      %mul3A_329 = arith.mulf %bitcast3A_324, %bitcast3A_328 : vector<32xbf16>
      %get3A_330 = arith.index_cast %add3A_311 : i32 to index
      %get3A_331 = arith.constant 32 : index
      %get3A_332 = tpu.vector_load %arg8[%get3A_330, %get3A_331] {strides = array<i32>} : memref<400x64xf32, #tpu.memory_space<vmem>>, vector<16xf32>,
      %bitcast3A_333 = vector.bitcast %get3A_332 : vector<16xf32> to vector<32xbf16>
      %get3A_334 = arith.index_cast %add3A_311 : i32 to index
      %get3A_335 = arith.constant 32 : index
      %get3A_336 = tpu.vector_load %arg9[%get3A_334, %get3A_335] {strides = array<i32>} : memref<400x64xf32, #tpu.memory_space<vmem>>, vector<16xf32>,
      %bitcast3A_337 = vector.bitcast %get3A_336 : vector<16xf32> to vector<32xbf16>
      %mul3A_338 = arith.mulf %bitcast3A_333, %bitcast3A_337 : vector<32xbf16>
      %get3A_339 = arith.index_cast %add3A_311 : i32 to index
      %get3A_340 = arith.constant 48 : index
      %get3A_341 = tpu.vector_load %arg8[%get3A_339, %get3A_340] {strides = array<i32>} : memref<400x64xf32, #tpu.memory_space<vmem>>, vector<16xf32>,
      %bitcast3A_342 = vector.bitcast %get3A_341 : vector<16xf32> to vector<32xbf16>
      %get3A_343 = arith.index_cast %add3A_311 : i32 to index
      %get3A_344 = arith.constant 48 : index
      %get3A_345 = tpu.vector_load %arg9[%get3A_343, %get3A_344] {strides = array<i32>} : memref<400x64xf32, #tpu.memory_space<vmem>>, vector<16xf32>,
      %bitcast3A_346 = vector.bitcast %get3A_345 : vector<16xf32> to vector<32xbf16>
      %mul3A_347 = arith.mulf %bitcast3A_342, %bitcast3A_346 : vector<32xbf16>
      %add3A_348 = arith.addf %mul3A_320, %mul3A_329 : vector<32xbf16>
      %add3A_349 = arith.addf %mul3A_338, %mul3A_347 : vector<32xbf16>
      %add3A_350 = arith.addf %add3A_348, %add3A_349 : vector<32xbf16>
      %unpack3A_351 = tpu.unpack_subelements %add3A_350, 0 {pack_format = #tpu.pack_format<interleaved>} : vector<32xbf16> -> vector<16xf32>
      %unpack3A_352 = tpu.unpack_subelements %add3A_350, 1 {pack_format = #tpu.pack_format<interleaved>} : vector<32xbf16> -> vector<16xf32>
      %add3A_353 = arith.addf %unpack3A_351, %unpack3A_352 : vector<16xf32>
      %mul3A_354 = arith.constant 16 : i32
      %mul3A_355 = arith.muli %scan3A_80, %mul3A_354 : i32
      %add3A_356 = arith.constant 6 : i32
      %add3A_357 = arith.addi %mul3A_355, %add3A_356 : i32
      %get3A_358 = arith.index_cast %add3A_357 : i32 to index
      %get3A_359 = arith.constant 0 : index
      %get3A_360 = tpu.vector_load %arg8[%get3A_358, %get3A_359] {strides = array<i32>} : memref<400x64xf32, #tpu.memory_space<vmem>>, vector<16xf32>,
      %bitcast3A_361 = vector.bitcast %get3A_360 : vector<16xf32> to vector<32xbf16>
      %get3A_362 = arith.index_cast %add3A_357 : i32 to index
      %get3A_363 = arith.constant 0 : index
      %get3A_364 = tpu.vector_load %arg9[%get3A_362, %get3A_363] {strides = array<i32>} : memref<400x64xf32, #tpu.memory_space<vmem>>, vector<16xf32>,
      %bitcast3A_365 = vector.bitcast %get3A_364 : vector<16xf32> to vector<32xbf16>
      %mul3A_366 = arith.mulf %bitcast3A_361, %bitcast3A_365 : vector<32xbf16>
      %get3A_367 = arith.index_cast %add3A_357 : i32 to index
      %get3A_368 = arith.constant 16 : index
      %get3A_369 = tpu.vector_load %arg8[%get3A_367, %get3A_368] {strides = array<i32>} : memref<400x64xf32, #tpu.memory_space<vmem>>, vector<16xf32>,
      %bitcast3A_370 = vector.bitcast %get3A_369 : vector<16xf32> to vector<32xbf16>
      %get3A_371 = arith.index_cast %add3A_357 : i32 to index
      %get3A_372 = arith.constant 16 : index
      %get3A_373 = tpu.vector_load %arg9[%get3A_371, %get3A_372] {strides = array<i32>} : memref<400x64xf32, #tpu.memory_space<vmem>>, vector<16xf32>,
      %bitcast3A_374 = vector.bitcast %get3A_373 : vector<16xf32> to vector<32xbf16>
      %mul3A_375 = arith.mulf %bitcast3A_370, %bitcast3A_374 : vector<32xbf16>
      %get3A_376 = arith.index_cast %add3A_357 : i32 to index
      %get3A_377 = arith.constant 32 : index
      %get3A_378 = tpu.vector_load %arg8[%get3A_376, %get3A_377] {strides = array<i32>} : memref<400x64xf32, #tpu.memory_space<vmem>>, vector<16xf32>,
      %bitcast3A_379 = vector.bitcast %get3A_378 : vector<16xf32> to vector<32xbf16>
      %get3A_380 = arith.index_cast %add3A_357 : i32 to index
      %get3A_381 = arith.constant 32 : index
      %get3A_382 = tpu.vector_load %arg9[%get3A_380, %get3A_381] {strides = array<i32>} : memref<400x64xf32, #tpu.memory_space<vmem>>, vector<16xf32>,
      %bitcast3A_383 = vector.bitcast %get3A_382 : vector<16xf32> to vector<32xbf16>
      %mul3A_384 = arith.mulf %bitcast3A_379, %bitcast3A_383 : vector<32xbf16>
      %get3A_385 = arith.index_cast %add3A_357 : i32 to index
      %get3A_386 = arith.constant 48 : index
      %get3A_387 = tpu.vector_load %arg8[%get3A_385, %get3A_386] {strides = array<i32>} : memref<400x64xf32, #tpu.memory_space<vmem>>, vector<16xf32>,
      %bitcast3A_388 = vector.bitcast %get3A_387 : vector<16xf32> to vector<32xbf16>
      %get3A_389 = arith.index_cast %add3A_357 : i32 to index
      %get3A_390 = arith.constant 48 : index
      %get3A_391 = tpu.vector_load %arg9[%get3A_389, %get3A_390] {strides = array<i32>} : memref<400x64xf32, #tpu.memory_space<vmem>>, vector<16xf32>,
      %bitcast3A_392 = vector.bitcast %get3A_391 : vector<16xf32> to vector<32xbf16>
      %mul3A_393 = arith.mulf %bitcast3A_388, %bitcast3A_392 : vector<32xbf16>
      %add3A_394 = arith.addf %mul3A_366, %mul3A_375 : vector<32xbf16>
      %add3A_395 = arith.addf %mul3A_384, %mul3A_393 : vector<32xbf16>
      %add3A_396 = arith.addf %add3A_394, %add3A_395 : vector<32xbf16>
      %unpack3A_397 = tpu.unpack_subelements %add3A_396, 0 {pack_format = #tpu.pack_format<interleaved>} : vector<32xbf16> -> vector<16xf32>
      %unpack3A_398 = tpu.unpack_subelements %add3A_396, 1 {pack_format = #tpu.pack_format<interleaved>} : vector<32xbf16> -> vector<16xf32>
      %add3A_399 = arith.addf %unpack3A_397, %unpack3A_398 : vector<16xf32>
      %mul3A_400 = arith.constant 16 : i32
      %mul3A_401 = arith.muli %scan3A_80, %mul3A_400 : i32
      %add3A_402 = arith.constant 7 : i32
      %add3A_403 = arith.addi %mul3A_401, %add3A_402 : i32
      %get3A_404 = arith.index_cast %add3A_403 : i32 to index
      %get3A_405 = arith.constant 0 : index
      %get3A_406 = tpu.vector_load %arg8[%get3A_404, %get3A_405] {strides = array<i32>} : memref<400x64xf32, #tpu.memory_space<vmem>>, vector<16xf32>,
      %bitcast3A_407 = vector.bitcast %get3A_406 : vector<16xf32> to vector<32xbf16>
      %get3A_408 = arith.index_cast %add3A_403 : i32 to index
      %get3A_409 = arith.constant 0 : index
      %get3A_410 = tpu.vector_load %arg9[%get3A_408, %get3A_409] {strides = array<i32>} : memref<400x64xf32, #tpu.memory_space<vmem>>, vector<16xf32>,
      %bitcast3A_411 = vector.bitcast %get3A_410 : vector<16xf32> to vector<32xbf16>
      %mul3A_412 = arith.mulf %bitcast3A_407, %bitcast3A_411 : vector<32xbf16>
      %get3A_413 = arith.index_cast %add3A_403 : i32 to index
      %get3A_414 = arith.constant 16 : index
      %get3A_415 = tpu.vector_load %arg8[%get3A_413, %get3A_414] {strides = array<i32>} : memref<400x64xf32, #tpu.memory_space<vmem>>, vector<16xf32>,
      %bitcast3A_416 = vector.bitcast %get3A_415 : vector<16xf32> to vector<32xbf16>
      %get3A_417 = arith.index_cast %add3A_403 : i32 to index
      %get3A_418 = arith.constant 16 : index
      %get3A_419 = tpu.vector_load %arg9[%get3A_417, %get3A_418] {strides = array<i32>} : memref<400x64xf32, #tpu.memory_space<vmem>>, vector<16xf32>,
      %bitcast3A_420 = vector.bitcast %get3A_419 : vector<16xf32> to vector<32xbf16>
      %mul3A_421 = arith.mulf %bitcast3A_416, %bitcast3A_420 : vector<32xbf16>
      %get3A_422 = arith.index_cast %add3A_403 : i32 to index
      %get3A_423 = arith.constant 32 : index
      %get3A_424 = tpu.vector_load %arg8[%get3A_422, %get3A_423] {strides = array<i32>} : memref<400x64xf32, #tpu.memory_space<vmem>>, vector<16xf32>,
      %bitcast3A_425 = vector.bitcast %get3A_424 : vector<16xf32> to vector<32xbf16>
      %get3A_426 = arith.index_cast %add3A_403 : i32 to index
      %get3A_427 = arith.constant 32 : index
      %get3A_428 = tpu.vector_load %arg9[%get3A_426, %get3A_427] {strides = array<i32>} : memref<400x64xf32, #tpu.memory_space<vmem>>, vector<16xf32>,
      %bitcast3A_429 = vector.bitcast %get3A_428 : vector<16xf32> to vector<32xbf16>
      %mul3A_430 = arith.mulf %bitcast3A_425, %bitcast3A_429 : vector<32xbf16>
      %get3A_431 = arith.index_cast %add3A_403 : i32 to index
      %get3A_432 = arith.constant 48 : index
      %get3A_433 = tpu.vector_load %arg8[%get3A_431, %get3A_432] {strides = array<i32>} : memref<400x64xf32, #tpu.memory_space<vmem>>, vector<16xf32>,
      %bitcast3A_434 = vector.bitcast %get3A_433 : vector<16xf32> to vector<32xbf16>
      %get3A_435 = arith.index_cast %add3A_403 : i32 to index
      %get3A_436 = arith.constant 48 : index
      %get3A_437 = tpu.vector_load %arg9[%get3A_435, %get3A_436] {strides = array<i32>} : memref<400x64xf32, #tpu.memory_space<vmem>>, vector<16xf32>,
      %bitcast3A_438 = vector.bitcast %get3A_437 : vector<16xf32> to vector<32xbf16>
      %mul3A_439 = arith.mulf %bitcast3A_434, %bitcast3A_438 : vector<32xbf16>
      %add3A_440 = arith.addf %mul3A_412, %mul3A_421 : vector<32xbf16>
      %add3A_441 = arith.addf %mul3A_430, %mul3A_439 : vector<32xbf16>
      %add3A_442 = arith.addf %add3A_440, %add3A_441 : vector<32xbf16>
      %unpack3A_443 = tpu.unpack_subelements %add3A_442, 0 {pack_format = #tpu.pack_format<interleaved>} : vector<32xbf16> -> vector<16xf32>
      %unpack3A_444 = tpu.unpack_subelements %add3A_442, 1 {pack_format = #tpu.pack_format<interleaved>} : vector<32xbf16> -> vector<16xf32>
      %add3A_445 = arith.addf %unpack3A_443, %unpack3A_444 : vector<16xf32>
      %mul3A_446 = arith.constant 16 : i32
      %mul3A_447 = arith.muli %scan3A_80, %mul3A_446 : i32
      %add3A_448 = arith.constant 8 : i32
      %add3A_449 = arith.addi %mul3A_447, %add3A_448 : i32
      %get3A_450 = arith.index_cast %add3A_449 : i32 to index
      %get3A_451 = arith.constant 0 : index
      %get3A_452 = tpu.vector_load %arg8[%get3A_450, %get3A_451] {strides = array<i32>} : memref<400x64xf32, #tpu.memory_space<vmem>>, vector<16xf32>,
      %bitcast3A_453 = vector.bitcast %get3A_452 : vector<16xf32> to vector<32xbf16>
      %get3A_454 = arith.index_cast %add3A_449 : i32 to index
      %get3A_455 = arith.constant 0 : index
      %get3A_456 = tpu.vector_load %arg9[%get3A_454, %get3A_455] {strides = array<i32>} : memref<400x64xf32, #tpu.memory_space<vmem>>, vector<16xf32>,
      %bitcast3A_457 = vector.bitcast %get3A_456 : vector<16xf32> to vector<32xbf16>
      %mul3A_458 = arith.mulf %bitcast3A_453, %bitcast3A_457 : vector<32xbf16>
      %get3A_459 = arith.index_cast %add3A_449 : i32 to index
      %get3A_460 = arith.constant 16 : index
      %get3A_461 = tpu.vector_load %arg8[%get3A_459, %get3A_460] {strides = array<i32>} : memref<400x64xf32, #tpu.memory_space<vmem>>, vector<16xf32>,
      %bitcast3A_462 = vector.bitcast %get3A_461 : vector<16xf32> to vector<32xbf16>
      %get3A_463 = arith.index_cast %add3A_449 : i32 to index
      %get3A_464 = arith.constant 16 : index
      %get3A_465 = tpu.vector_load %arg9[%get3A_463, %get3A_464] {strides = array<i32>} : memref<400x64xf32, #tpu.memory_space<vmem>>, vector<16xf32>,
      %bitcast3A_466 = vector.bitcast %get3A_465 : vector<16xf32> to vector<32xbf16>
      %mul3A_467 = arith.mulf %bitcast3A_462, %bitcast3A_466 : vector<32xbf16>
      %get3A_468 = arith.index_cast %add3A_449 : i32 to index
      %get3A_469 = arith.constant 32 : index
      %get3A_470 = tpu.vector_load %arg8[%get3A_468, %get3A_469] {strides = array<i32>} : memref<400x64xf32, #tpu.memory_space<vmem>>, vector<16xf32>,
      %bitcast3A_471 = vector.bitcast %get3A_470 : vector<16xf32> to vector<32xbf16>
      %get3A_472 = arith.index_cast %add3A_449 : i32 to index
      %get3A_473 = arith.constant 32 : index
      %get3A_474 = tpu.vector_load %arg9[%get3A_472, %get3A_473] {strides = array<i32>} : memref<400x64xf32, #tpu.memory_space<vmem>>, vector<16xf32>,
      %bitcast3A_475 = vector.bitcast %get3A_474 : vector<16xf32> to vector<32xbf16>
      %mul3A_476 = arith.mulf %bitcast3A_471, %bitcast3A_475 : vector<32xbf16>
      %get3A_477 = arith.index_cast %add3A_449 : i32 to index
      %get3A_478 = arith.constant 48 : index
      %get3A_479 = tpu.vector_load %arg8[%get3A_477, %get3A_478] {strides = array<i32>} : memref<400x64xf32, #tpu.memory_space<vmem>>, vector<16xf32>,
      %bitcast3A_480 = vector.bitcast %get3A_479 : vector<16xf32> to vector<32xbf16>
      %get3A_481 = arith.index_cast %add3A_449 : i32 to index
      %get3A_482 = arith.constant 48 : index
      %get3A_483 = tpu.vector_load %arg9[%get3A_481, %get3A_482] {strides = array<i32>} : memref<400x64xf32, #tpu.memory_space<vmem>>, vector<16xf32>,
      %bitcast3A_484 = vector.bitcast %get3A_483 : vector<16xf32> to vector<32xbf16>
      %mul3A_485 = arith.mulf %bitcast3A_480, %bitcast3A_484 : vector<32xbf16>
      %add3A_486 = arith.addf %mul3A_458, %mul3A_467 : vector<32xbf16>
      %add3A_487 = arith.addf %mul3A_476, %mul3A_485 : vector<32xbf16>
      %add3A_488 = arith.addf %add3A_486, %add3A_487 : vector<32xbf16>
      %unpack3A_489 = tpu.unpack_subelements %add3A_488, 0 {pack_format = #tpu.pack_format<interleaved>} : vector<32xbf16> -> vector<16xf32>
      %unpack3A_490 = tpu.unpack_subelements %add3A_488, 1 {pack_format = #tpu.pack_format<interleaved>} : vector<32xbf16> -> vector<16xf32>
      %add3A_491 = arith.addf %unpack3A_489, %unpack3A_490 : vector<16xf32>
      %mul3A_492 = arith.constant 16 : i32
      %mul3A_493 = arith.muli %scan3A_80, %mul3A_492 : i32
      %add3A_494 = arith.constant 9 : i32
      %add3A_495 = arith.addi %mul3A_493, %add3A_494 : i32
      %get3A_496 = arith.index_cast %add3A_495 : i32 to index
      %get3A_497 = arith.constant 0 : index
      %get3A_498 = tpu.vector_load %arg8[%get3A_496, %get3A_497] {strides = array<i32>} : memref<400x64xf32, #tpu.memory_space<vmem>>, vector<16xf32>,
      %bitcast3A_499 = vector.bitcast %get3A_498 : vector<16xf32> to vector<32xbf16>
      %get3A_500 = arith.index_cast %add3A_495 : i32 to index
      %get3A_501 = arith.constant 0 : index
      %get3A_502 = tpu.vector_load %arg9[%get3A_500, %get3A_501] {strides = array<i32>} : memref<400x64xf32, #tpu.memory_space<vmem>>, vector<16xf32>,
      %bitcast3A_503 = vector.bitcast %get3A_502 : vector<16xf32> to vector<32xbf16>
      %mul3A_504 = arith.mulf %bitcast3A_499, %bitcast3A_503 : vector<32xbf16>
      %get3A_505 = arith.index_cast %add3A_495 : i32 to index
      %get3A_506 = arith.constant 16 : index
      %get3A_507 = tpu.vector_load %arg8[%get3A_505, %get3A_506] {strides = array<i32>} : memref<400x64xf32, #tpu.memory_space<vmem>>, vector<16xf32>,
      %bitcast3A_508 = vector.bitcast %get3A_507 : vector<16xf32> to vector<32xbf16>
      %get3A_509 = arith.index_cast %add3A_495 : i32 to index
      %get3A_510 = arith.constant 16 : index
      %get3A_511 = tpu.vector_load %arg9[%get3A_509, %get3A_510] {strides = array<i32>} : memref<400x64xf32, #tpu.memory_space<vmem>>, vector<16xf32>,
      %bitcast3A_512 = vector.bitcast %get3A_511 : vector<16xf32> to vector<32xbf16>
      %mul3A_513 = arith.mulf %bitcast3A_508, %bitcast3A_512 : vector<32xbf16>
      %get3A_514 = arith.index_cast %add3A_495 : i32 to index
      %get3A_515 = arith.constant 32 : index
      %get3A_516 = tpu.vector_load %arg8[%get3A_514, %get3A_515] {strides = array<i32>} : memref<400x64xf32, #tpu.memory_space<vmem>>, vector<16xf32>,
      %bitcast3A_517 = vector.bitcast %get3A_516 : vector<16xf32> to vector<32xbf16>
      %get3A_518 = arith.index_cast %add3A_495 : i32 to index
      %get3A_519 = arith.constant 32 : index
      %get3A_520 = tpu.vector_load %arg9[%get3A_518, %get3A_519] {strides = array<i32>} : memref<400x64xf32, #tpu.memory_space<vmem>>, vector<16xf32>,
      %bitcast3A_521 = vector.bitcast %get3A_520 : vector<16xf32> to vector<32xbf16>
      %mul3A_522 = arith.mulf %bitcast3A_517, %bitcast3A_521 : vector<32xbf16>
      %get3A_523 = arith.index_cast %add3A_495 : i32 to index
      %get3A_524 = arith.constant 48 : index
      %get3A_525 = tpu.vector_load %arg8[%get3A_523, %get3A_524] {strides = array<i32>} : memref<400x64xf32, #tpu.memory_space<vmem>>, vector<16xf32>,
      %bitcast3A_526 = vector.bitcast %get3A_525 : vector<16xf32> to vector<32xbf16>
      %get3A_527 = arith.index_cast %add3A_495 : i32 to index
      %get3A_528 = arith.constant 48 : index
      %get3A_529 = tpu.vector_load %arg9[%get3A_527, %get3A_528] {strides = array<i32>} : memref<400x64xf32, #tpu.memory_space<vmem>>, vector<16xf32>,
      %bitcast3A_530 = vector.bitcast %get3A_529 : vector<16xf32> to vector<32xbf16>
      %mul3A_531 = arith.mulf %bitcast3A_526, %bitcast3A_530 : vector<32xbf16>
      %add3A_532 = arith.addf %mul3A_504, %mul3A_513 : vector<32xbf16>
      %add3A_533 = arith.addf %mul3A_522, %mul3A_531 : vector<32xbf16>
      %add3A_534 = arith.addf %add3A_532, %add3A_533 : vector<32xbf16>
      %unpack3A_535 = tpu.unpack_subelements %add3A_534, 0 {pack_format = #tpu.pack_format<interleaved>} : vector<32xbf16> -> vector<16xf32>
      %unpack3A_536 = tpu.unpack_subelements %add3A_534, 1 {pack_format = #tpu.pack_format<interleaved>} : vector<32xbf16> -> vector<16xf32>
      %add3A_537 = arith.addf %unpack3A_535, %unpack3A_536 : vector<16xf32>
      %mul3A_538 = arith.constant 16 : i32
      %mul3A_539 = arith.muli %scan3A_80, %mul3A_538 : i32
      %add3A_540 = arith.constant 10 : i32
      %add3A_541 = arith.addi %mul3A_539, %add3A_540 : i32
      %get3A_542 = arith.index_cast %add3A_541 : i32 to index
      %get3A_543 = arith.constant 0 : index
      %get3A_544 = tpu.vector_load %arg8[%get3A_542, %get3A_543] {strides = array<i32>} : memref<400x64xf32, #tpu.memory_space<vmem>>, vector<16xf32>,
      %bitcast3A_545 = vector.bitcast %get3A_544 : vector<16xf32> to vector<32xbf16>
      %get3A_546 = arith.index_cast %add3A_541 : i32 to index
      %get3A_547 = arith.constant 0 : index
      %get3A_548 = tpu.vector_load %arg9[%get3A_546, %get3A_547] {strides = array<i32>} : memref<400x64xf32, #tpu.memory_space<vmem>>, vector<16xf32>,
      %bitcast3A_549 = vector.bitcast %get3A_548 : vector<16xf32> to vector<32xbf16>
      %mul3A_550 = arith.mulf %bitcast3A_545, %bitcast3A_549 : vector<32xbf16>
      %get3A_551 = arith.index_cast %add3A_541 : i32 to index
      %get3A_552 = arith.constant 16 : index
      %get3A_553 = tpu.vector_load %arg8[%get3A_551, %get3A_552] {strides = array<i32>} : memref<400x64xf32, #tpu.memory_space<vmem>>, vector<16xf32>,
      %bitcast3A_554 = vector.bitcast %get3A_553 : vector<16xf32> to vector<32xbf16>
      %get3A_555 = arith.index_cast %add3A_541 : i32 to index
      %get3A_556 = arith.constant 16 : index
      %get3A_557 = tpu.vector_load %arg9[%get3A_555, %get3A_556] {strides = array<i32>} : memref<400x64xf32, #tpu.memory_space<vmem>>, vector<16xf32>,
      %bitcast3A_558 = vector.bitcast %get3A_557 : vector<16xf32> to vector<32xbf16>
      %mul3A_559 = arith.mulf %bitcast3A_554, %bitcast3A_558 : vector<32xbf16>
      %get3A_560 = arith.index_cast %add3A_541 : i32 to index
      %get3A_561 = arith.constant 32 : index
      %get3A_562 = tpu.vector_load %arg8[%get3A_560, %get3A_561] {strides = array<i32>} : memref<400x64xf32, #tpu.memory_space<vmem>>, vector<16xf32>,
      %bitcast3A_563 = vector.bitcast %get3A_562 : vector<16xf32> to vector<32xbf16>
      %get3A_564 = arith.index_cast %add3A_541 : i32 to index
      %get3A_565 = arith.constant 32 : index
      %get3A_566 = tpu.vector_load %arg9[%get3A_564, %get3A_565] {strides = array<i32>} : memref<400x64xf32, #tpu.memory_space<vmem>>, vector<16xf32>,
      %bitcast3A_567 = vector.bitcast %get3A_566 : vector<16xf32> to vector<32xbf16>
      %mul3A_568 = arith.mulf %bitcast3A_563, %bitcast3A_567 : vector<32xbf16>
      %get3A_569 = arith.index_cast %add3A_541 : i32 to index
      %get3A_570 = arith.constant 48 : index
      %get3A_571 = tpu.vector_load %arg8[%get3A_569, %get3A_570] {strides = array<i32>} : memref<400x64xf32, #tpu.memory_space<vmem>>, vector<16xf32>,
      %bitcast3A_572 = vector.bitcast %get3A_571 : vector<16xf32> to vector<32xbf16>
      %get3A_573 = arith.index_cast %add3A_541 : i32 to index
      %get3A_574 = arith.constant 48 : index
      %get3A_575 = tpu.vector_load %arg9[%get3A_573, %get3A_574] {strides = array<i32>} : memref<400x64xf32, #tpu.memory_space<vmem>>, vector<16xf32>,
      %bitcast3A_576 = vector.bitcast %get3A_575 : vector<16xf32> to vector<32xbf16>
      %mul3A_577 = arith.mulf %bitcast3A_572, %bitcast3A_576 : vector<32xbf16>
      %add3A_578 = arith.addf %mul3A_550, %mul3A_559 : vector<32xbf16>
      %add3A_579 = arith.addf %mul3A_568, %mul3A_577 : vector<32xbf16>
      %add3A_580 = arith.addf %add3A_578, %add3A_579 : vector<32xbf16>
      %unpack3A_581 = tpu.unpack_subelements %add3A_580, 0 {pack_format = #tpu.pack_format<interleaved>} : vector<32xbf16> -> vector<16xf32>
      %unpack3A_582 = tpu.unpack_subelements %add3A_580, 1 {pack_format = #tpu.pack_format<interleaved>} : vector<32xbf16> -> vector<16xf32>
      %add3A_583 = arith.addf %unpack3A_581, %unpack3A_582 : vector<16xf32>
      %mul3A_584 = arith.constant 16 : i32
      %mul3A_585 = arith.muli %scan3A_80, %mul3A_584 : i32
      %add3A_586 = arith.constant 11 : i32
      %add3A_587 = arith.addi %mul3A_585, %add3A_586 : i32
      %get3A_588 = arith.index_cast %add3A_587 : i32 to index
      %get3A_589 = arith.constant 0 : index
      %get3A_590 = tpu.vector_load %arg8[%get3A_588, %get3A_589] {strides = array<i32>} : memref<400x64xf32, #tpu.memory_space<vmem>>, vector<16xf32>,
      %bitcast3A_591 = vector.bitcast %get3A_590 : vector<16xf32> to vector<32xbf16>
      %get3A_592 = arith.index_cast %add3A_587 : i32 to index
      %get3A_593 = arith.constant 0 : index
      %get3A_594 = tpu.vector_load %arg9[%get3A_592, %get3A_593] {strides = array<i32>} : memref<400x64xf32, #tpu.memory_space<vmem>>, vector<16xf32>,
      %bitcast3A_595 = vector.bitcast %get3A_594 : vector<16xf32> to vector<32xbf16>
      %mul3A_596 = arith.mulf %bitcast3A_591, %bitcast3A_595 : vector<32xbf16>
      %get3A_597 = arith.index_cast %add3A_587 : i32 to index
      %get3A_598 = arith.constant 16 : index
      %get3A_599 = tpu.vector_load %arg8[%get3A_597, %get3A_598] {strides = array<i32>} : memref<400x64xf32, #tpu.memory_space<vmem>>, vector<16xf32>,
      %bitcast3A_600 = vector.bitcast %get3A_599 : vector<16xf32> to vector<32xbf16>
      %get3A_601 = arith.index_cast %add3A_587 : i32 to index
      %get3A_602 = arith.constant 16 : index
      %get3A_603 = tpu.vector_load %arg9[%get3A_601, %get3A_602] {strides = array<i32>} : memref<400x64xf32, #tpu.memory_space<vmem>>, vector<16xf32>,
      %bitcast3A_604 = vector.bitcast %get3A_603 : vector<16xf32> to vector<32xbf16>
      %mul3A_605 = arith.mulf %bitcast3A_600, %bitcast3A_604 : vector<32xbf16>
      %get3A_606 = arith.index_cast %add3A_587 : i32 to index
      %get3A_607 = arith.constant 32 : index
      %get3A_608 = tpu.vector_load %arg8[%get3A_606, %get3A_607] {strides = array<i32>} : memref<400x64xf32, #tpu.memory_space<vmem>>, vector<16xf32>,
      %bitcast3A_609 = vector.bitcast %get3A_608 : vector<16xf32> to vector<32xbf16>
      %get3A_610 = arith.index_cast %add3A_587 : i32 to index
      %get3A_611 = arith.constant 32 : index
      %get3A_612 = tpu.vector_load %arg9[%get3A_610, %get3A_611] {strides = array<i32>} : memref<400x64xf32, #tpu.memory_space<vmem>>, vector<16xf32>,
      %bitcast3A_613 = vector.bitcast %get3A_612 : vector<16xf32> to vector<32xbf16>
      %mul3A_614 = arith.mulf %bitcast3A_609, %bitcast3A_613 : vector<32xbf16>
      %get3A_615 = arith.index_cast %add3A_587 : i32 to index
      %get3A_616 = arith.constant 48 : index
      %get3A_617 = tpu.vector_load %arg8[%get3A_615, %get3A_616] {strides = array<i32>} : memref<400x64xf32, #tpu.memory_space<vmem>>, vector<16xf32>,
      %bitcast3A_618 = vector.bitcast %get3A_617 : vector<16xf32> to vector<32xbf16>
      %get3A_619 = arith.index_cast %add3A_587 : i32 to index
      %get3A_620 = arith.constant 48 : index
      %get3A_621 = tpu.vector_load %arg9[%get3A_619, %get3A_620] {strides = array<i32>} : memref<400x64xf32, #tpu.memory_space<vmem>>, vector<16xf32>,
      %bitcast3A_622 = vector.bitcast %get3A_621 : vector<16xf32> to vector<32xbf16>
      %mul3A_623 = arith.mulf %bitcast3A_618, %bitcast3A_622 : vector<32xbf16>
      %add3A_624 = arith.addf %mul3A_596, %mul3A_605 : vector<32xbf16>
      %add3A_625 = arith.addf %mul3A_614, %mul3A_623 : vector<32xbf16>
      %add3A_626 = arith.addf %add3A_624, %add3A_625 : vector<32xbf16>
      %unpack3A_627 = tpu.unpack_subelements %add3A_626, 0 {pack_format = #tpu.pack_format<interleaved>} : vector<32xbf16> -> vector<16xf32>
      %unpack3A_628 = tpu.unpack_subelements %add3A_626, 1 {pack_format = #tpu.pack_format<interleaved>} : vector<32xbf16> -> vector<16xf32>
      %add3A_629 = arith.addf %unpack3A_627, %unpack3A_628 : vector<16xf32>
      %mul3A_630 = arith.constant 16 : i32
      %mul3A_631 = arith.muli %scan3A_80, %mul3A_630 : i32
      %add3A_632 = arith.constant 12 : i32
      %add3A_633 = arith.addi %mul3A_631, %add3A_632 : i32
      %get3A_634 = arith.index_cast %add3A_633 : i32 to index
      %get3A_635 = arith.constant 0 : index
      %get3A_636 = tpu.vector_load %arg8[%get3A_634, %get3A_635] {strides = array<i32>} : memref<400x64xf32, #tpu.memory_space<vmem>>, vector<16xf32>,
      %bitcast3A_637 = vector.bitcast %get3A_636 : vector<16xf32> to vector<32xbf16>
      %get3A_638 = arith.index_cast %add3A_633 : i32 to index
      %get3A_639 = arith.constant 0 : index
      %get3A_640 = tpu.vector_load %arg9[%get3A_638, %get3A_639] {strides = array<i32>} : memref<400x64xf32, #tpu.memory_space<vmem>>, vector<16xf32>,
      %bitcast3A_641 = vector.bitcast %get3A_640 : vector<16xf32> to vector<32xbf16>
      %mul3A_642 = arith.mulf %bitcast3A_637, %bitcast3A_641 : vector<32xbf16>
      %get3A_643 = arith.index_cast %add3A_633 : i32 to index
      %get3A_644 = arith.constant 16 : index
      %get3A_645 = tpu.vector_load %arg8[%get3A_643, %get3A_644] {strides = array<i32>} : memref<400x64xf32, #tpu.memory_space<vmem>>, vector<16xf32>,
      %bitcast3A_646 = vector.bitcast %get3A_645 : vector<16xf32> to vector<32xbf16>
      %get3A_647 = arith.index_cast %add3A_633 : i32 to index
      %get3A_648 = arith.constant 16 : index
      %get3A_649 = tpu.vector_load %arg9[%get3A_647, %get3A_648] {strides = array<i32>} : memref<400x64xf32, #tpu.memory_space<vmem>>, vector<16xf32>,
      %bitcast3A_650 = vector.bitcast %get3A_649 : vector<16xf32> to vector<32xbf16>
      %mul3A_651 = arith.mulf %bitcast3A_646, %bitcast3A_650 : vector<32xbf16>
      %get3A_652 = arith.index_cast %add3A_633 : i32 to index
      %get3A_653 = arith.constant 32 : index
      %get3A_654 = tpu.vector_load %arg8[%get3A_652, %get3A_653] {strides = array<i32>} : memref<400x64xf32, #tpu.memory_space<vmem>>, vector<16xf32>,
      %bitcast3A_655 = vector.bitcast %get3A_654 : vector<16xf32> to vector<32xbf16>
      %get3A_656 = arith.index_cast %add3A_633 : i32 to index
      %get3A_657 = arith.constant 32 : index
      %get3A_658 = tpu.vector_load %arg9[%get3A_656, %get3A_657] {strides = array<i32>} : memref<400x64xf32, #tpu.memory_space<vmem>>, vector<16xf32>,
      %bitcast3A_659 = vector.bitcast %get3A_658 : vector<16xf32> to vector<32xbf16>
      %mul3A_660 = arith.mulf %bitcast3A_655, %bitcast3A_659 : vector<32xbf16>
      %get3A_661 = arith.index_cast %add3A_633 : i32 to index
      %get3A_662 = arith.constant 48 : index
      %get3A_663 = tpu.vector_load %arg8[%get3A_661, %get3A_662] {strides = array<i32>} : memref<400x64xf32, #tpu.memory_space<vmem>>, vector<16xf32>,
      %bitcast3A_664 = vector.bitcast %get3A_663 : vector<16xf32> to vector<32xbf16>
      %get3A_665 = arith.index_cast %add3A_633 : i32 to index
      %get3A_666 = arith.constant 48 : index
      %get3A_667 = tpu.vector_load %arg9[%get3A_665, %get3A_666] {strides = array<i32>} : memref<400x64xf32, #tpu.memory_space<vmem>>, vector<16xf32>,
      %bitcast3A_668 = vector.bitcast %get3A_667 : vector<16xf32> to vector<32xbf16>
      %mul3A_669 = arith.mulf %bitcast3A_664, %bitcast3A_668 : vector<32xbf16>
      %add3A_670 = arith.addf %mul3A_642, %mul3A_651 : vector<32xbf16>
      %add3A_671 = arith.addf %mul3A_660, %mul3A_669 : vector<32xbf16>
      %add3A_672 = arith.addf %add3A_670, %add3A_671 : vector<32xbf16>
      %unpack3A_673 = tpu.unpack_subelements %add3A_672, 0 {pack_format = #tpu.pack_format<interleaved>} : vector<32xbf16> -> vector<16xf32>
      %unpack3A_674 = tpu.unpack_subelements %add3A_672, 1 {pack_format = #tpu.pack_format<interleaved>} : vector<32xbf16> -> vector<16xf32>
      %add3A_675 = arith.addf %unpack3A_673, %unpack3A_674 : vector<16xf32>
      %mul3A_676 = arith.constant 16 : i32
      %mul3A_677 = arith.muli %scan3A_80, %mul3A_676 : i32
      %add3A_678 = arith.constant 13 : i32
      %add3A_679 = arith.addi %mul3A_677, %add3A_678 : i32
      %get3A_680 = arith.index_cast %add3A_679 : i32 to index
      %get3A_681 = arith.constant 0 : index
      %get3A_682 = tpu.vector_load %arg8[%get3A_680, %get3A_681] {strides = array<i32>} : memref<400x64xf32, #tpu.memory_space<vmem>>, vector<16xf32>,
      %bitcast3A_683 = vector.bitcast %get3A_682 : vector<16xf32> to vector<32xbf16>
      %get3A_684 = arith.index_cast %add3A_679 : i32 to index
      %get3A_685 = arith.constant 0 : index
      %get3A_686 = tpu.vector_load %arg9[%get3A_684, %get3A_685] {strides = array<i32>} : memref<400x64xf32, #tpu.memory_space<vmem>>, vector<16xf32>,
      %bitcast3A_687 = vector.bitcast %get3A_686 : vector<16xf32> to vector<32xbf16>
      %mul3A_688 = arith.mulf %bitcast3A_683, %bitcast3A_687 : vector<32xbf16>
      %get3A_689 = arith.index_cast %add3A_679 : i32 to index
      %get3A_690 = arith.constant 16 : index
      %get3A_691 = tpu.vector_load %arg8[%get3A_689, %get3A_690] {strides = array<i32>} : memref<400x64xf32, #tpu.memory_space<vmem>>, vector<16xf32>,
      %bitcast3A_692 = vector.bitcast %get3A_691 : vector<16xf32> to vector<32xbf16>
      %get3A_693 = arith.index_cast %add3A_679 : i32 to index
      %get3A_694 = arith.constant 16 : index
      %get3A_695 = tpu.vector_load %arg9[%get3A_693, %get3A_694] {strides = array<i32>} : memref<400x64xf32, #tpu.memory_space<vmem>>, vector<16xf32>,
      %bitcast3A_696 = vector.bitcast %get3A_695 : vector<16xf32> to vector<32xbf16>
      %mul3A_697 = arith.mulf %bitcast3A_692, %bitcast3A_696 : vector<32xbf16>
      %get3A_698 = arith.index_cast %add3A_679 : i32 to index
      %get3A_699 = arith.constant 32 : index
      %get3A_700 = tpu.vector_load %arg8[%get3A_698, %get3A_699] {strides = array<i32>} : memref<400x64xf32, #tpu.memory_space<vmem>>, vector<16xf32>,
      %bitcast3A_701 = vector.bitcast %get3A_700 : vector<16xf32> to vector<32xbf16>
      %get3A_702 = arith.index_cast %add3A_679 : i32 to index
      %get3A_703 = arith.constant 32 : index
      %get3A_704 = tpu.vector_load %arg9[%get3A_702, %get3A_703] {strides = array<i32>} : memref<400x64xf32, #tpu.memory_space<vmem>>, vector<16xf32>,
      %bitcast3A_705 = vector.bitcast %get3A_704 : vector<16xf32> to vector<32xbf16>
      %mul3A_706 = arith.mulf %bitcast3A_701, %bitcast3A_705 : vector<32xbf16>
      %get3A_707 = arith.index_cast %add3A_679 : i32 to index
      %get3A_708 = arith.constant 48 : index
      %get3A_709 = tpu.vector_load %arg8[%get3A_707, %get3A_708] {strides = array<i32>} : memref<400x64xf32, #tpu.memory_space<vmem>>, vector<16xf32>,
      %bitcast3A_710 = vector.bitcast %get3A_709 : vector<16xf32> to vector<32xbf16>
      %get3A_711 = arith.index_cast %add3A_679 : i32 to index
      %get3A_712 = arith.constant 48 : index
      %get3A_713 = tpu.vector_load %arg9[%get3A_711, %get3A_712] {strides = array<i32>} : memref<400x64xf32, #tpu.memory_space<vmem>>, vector<16xf32>,
      %bitcast3A_714 = vector.bitcast %get3A_713 : vector<16xf32> to vector<32xbf16>
      %mul3A_715 = arith.mulf %bitcast3A_710, %bitcast3A_714 : vector<32xbf16>
      %add3A_716 = arith.addf %mul3A_688, %mul3A_697 : vector<32xbf16>
      %add3A_717 = arith.addf %mul3A_706, %mul3A_715 : vector<32xbf16>
      %add3A_718 = arith.addf %add3A_716, %add3A_717 : vector<32xbf16>
      %unpack3A_719 = tpu.unpack_subelements %add3A_718, 0 {pack_format = #tpu.pack_format<interleaved>} : vector<32xbf16> -> vector<16xf32>
      %unpack3A_720 = tpu.unpack_subelements %add3A_718, 1 {pack_format = #tpu.pack_format<interleaved>} : vector<32xbf16> -> vector<16xf32>
      %add3A_721 = arith.addf %unpack3A_719, %unpack3A_720 : vector<16xf32>
      %mul3A_722 = arith.constant 16 : i32
      %mul3A_723 = arith.muli %scan3A_80, %mul3A_722 : i32
      %add3A_724 = arith.constant 14 : i32
      %add3A_725 = arith.addi %mul3A_723, %add3A_724 : i32
      %get3A_726 = arith.index_cast %add3A_725 : i32 to index
      %get3A_727 = arith.constant 0 : index
      %get3A_728 = tpu.vector_load %arg8[%get3A_726, %get3A_727] {strides = array<i32>} : memref<400x64xf32, #tpu.memory_space<vmem>>, vector<16xf32>,
      %bitcast3A_729 = vector.bitcast %get3A_728 : vector<16xf32> to vector<32xbf16>
      %get3A_730 = arith.index_cast %add3A_725 : i32 to index
      %get3A_731 = arith.constant 0 : index
      %get3A_732 = tpu.vector_load %arg9[%get3A_730, %get3A_731] {strides = array<i32>} : memref<400x64xf32, #tpu.memory_space<vmem>>, vector<16xf32>,
      %bitcast3A_733 = vector.bitcast %get3A_732 : vector<16xf32> to vector<32xbf16>
      %mul3A_734 = arith.mulf %bitcast3A_729, %bitcast3A_733 : vector<32xbf16>
      %get3A_735 = arith.index_cast %add3A_725 : i32 to index
      %get3A_736 = arith.constant 16 : index
      %get3A_737 = tpu.vector_load %arg8[%get3A_735, %get3A_736] {strides = array<i32>} : memref<400x64xf32, #tpu.memory_space<vmem>>, vector<16xf32>,
      %bitcast3A_738 = vector.bitcast %get3A_737 : vector<16xf32> to vector<32xbf16>
      %get3A_739 = arith.index_cast %add3A_725 : i32 to index
      %get3A_740 = arith.constant 16 : index
      %get3A_741 = tpu.vector_load %arg9[%get3A_739, %get3A_740] {strides = array<i32>} : memref<400x64xf32, #tpu.memory_space<vmem>>, vector<16xf32>,
      %bitcast3A_742 = vector.bitcast %get3A_741 : vector<16xf32> to vector<32xbf16>
      %mul3A_743 = arith.mulf %bitcast3A_738, %bitcast3A_742 : vector<32xbf16>
      %get3A_744 = arith.index_cast %add3A_725 : i32 to index
      %get3A_745 = arith.constant 32 : index
      %get3A_746 = tpu.vector_load %arg8[%get3A_744, %get3A_745] {strides = array<i32>} : memref<400x64xf32, #tpu.memory_space<vmem>>, vector<16xf32>,
      %bitcast3A_747 = vector.bitcast %get3A_746 : vector<16xf32> to vector<32xbf16>
      %get3A_748 = arith.index_cast %add3A_725 : i32 to index
      %get3A_749 = arith.constant 32 : index
      %get3A_750 = tpu.vector_load %arg9[%get3A_748, %get3A_749] {strides = array<i32>} : memref<400x64xf32, #tpu.memory_space<vmem>>, vector<16xf32>,
      %bitcast3A_751 = vector.bitcast %get3A_750 : vector<16xf32> to vector<32xbf16>
      %mul3A_752 = arith.mulf %bitcast3A_747, %bitcast3A_751 : vector<32xbf16>
      %get3A_753 = arith.index_cast %add3A_725 : i32 to index
      %get3A_754 = arith.constant 48 : index
      %get3A_755 = tpu.vector_load %arg8[%get3A_753, %get3A_754] {strides = array<i32>} : memref<400x64xf32, #tpu.memory_space<vmem>>, vector<16xf32>,
      %bitcast3A_756 = vector.bitcast %get3A_755 : vector<16xf32> to vector<32xbf16>
      %get3A_757 = arith.index_cast %add3A_725 : i32 to index
      %get3A_758 = arith.constant 48 : index
      %get3A_759 = tpu.vector_load %arg9[%get3A_757, %get3A_758] {strides = array<i32>} : memref<400x64xf32, #tpu.memory_space<vmem>>, vector<16xf32>,
      %bitcast3A_760 = vector.bitcast %get3A_759 : vector<16xf32> to vector<32xbf16>
      %mul3A_761 = arith.mulf %bitcast3A_756, %bitcast3A_760 : vector<32xbf16>
      %add3A_762 = arith.addf %mul3A_734, %mul3A_743 : vector<32xbf16>
      %add3A_763 = arith.addf %mul3A_752, %mul3A_761 : vector<32xbf16>
      %add3A_764 = arith.addf %add3A_762, %add3A_763 : vector<32xbf16>
      %unpack3A_765 = tpu.unpack_subelements %add3A_764, 0 {pack_format = #tpu.pack_format<interleaved>} : vector<32xbf16> -> vector<16xf32>
      %unpack3A_766 = tpu.unpack_subelements %add3A_764, 1 {pack_format = #tpu.pack_format<interleaved>} : vector<32xbf16> -> vector<16xf32>
      %add3A_767 = arith.addf %unpack3A_765, %unpack3A_766 : vector<16xf32>
      %mul3A_768 = arith.constant 16 : i32
      %mul3A_769 = arith.muli %scan3A_80, %mul3A_768 : i32
      %add3A_770 = arith.constant 15 : i32
      %add3A_771 = arith.addi %mul3A_769, %add3A_770 : i32
      %get3A_772 = arith.index_cast %add3A_771 : i32 to index
      %get3A_773 = arith.constant 0 : index
      %get3A_774 = tpu.vector_load %arg8[%get3A_772, %get3A_773] {strides = array<i32>} : memref<400x64xf32, #tpu.memory_space<vmem>>, vector<16xf32>,
      %bitcast3A_775 = vector.bitcast %get3A_774 : vector<16xf32> to vector<32xbf16>
      %get3A_776 = arith.index_cast %add3A_771 : i32 to index
      %get3A_777 = arith.constant 0 : index
      %get3A_778 = tpu.vector_load %arg9[%get3A_776, %get3A_777] {strides = array<i32>} : memref<400x64xf32, #tpu.memory_space<vmem>>, vector<16xf32>,
      %bitcast3A_779 = vector.bitcast %get3A_778 : vector<16xf32> to vector<32xbf16>
      %mul3A_780 = arith.mulf %bitcast3A_775, %bitcast3A_779 : vector<32xbf16>
      %get3A_781 = arith.index_cast %add3A_771 : i32 to index
      %get3A_782 = arith.constant 16 : index
      %get3A_783 = tpu.vector_load %arg8[%get3A_781, %get3A_782] {strides = array<i32>} : memref<400x64xf32, #tpu.memory_space<vmem>>, vector<16xf32>,
      %bitcast3A_784 = vector.bitcast %get3A_783 : vector<16xf32> to vector<32xbf16>
      %get3A_785 = arith.index_cast %add3A_771 : i32 to index
      %get3A_786 = arith.constant 16 : index
      %get3A_787 = tpu.vector_load %arg9[%get3A_785, %get3A_786] {strides = array<i32>} : memref<400x64xf32, #tpu.memory_space<vmem>>, vector<16xf32>,
      %bitcast3A_788 = vector.bitcast %get3A_787 : vector<16xf32> to vector<32xbf16>
      %mul3A_789 = arith.mulf %bitcast3A_784, %bitcast3A_788 : vector<32xbf16>
      %get3A_790 = arith.index_cast %add3A_771 : i32 to index
      %get3A_791 = arith.constant 32 : index
      %get3A_792 = tpu.vector_load %arg8[%get3A_790, %get3A_791] {strides = array<i32>} : memref<400x64xf32, #tpu.memory_space<vmem>>, vector<16xf32>,
      %bitcast3A_793 = vector.bitcast %get3A_792 : vector<16xf32> to vector<32xbf16>
      %get3A_794 = arith.index_cast %add3A_771 : i32 to index
      %get3A_795 = arith.constant 32 : index
      %get3A_796 = tpu.vector_load %arg9[%get3A_794, %get3A_795] {strides = array<i32>} : memref<400x64xf32, #tpu.memory_space<vmem>>, vector<16xf32>,
      %bitcast3A_797 = vector.bitcast %get3A_796 : vector<16xf32> to vector<32xbf16>
      %mul3A_798 = arith.mulf %bitcast3A_793, %bitcast3A_797 : vector<32xbf16>
      %get3A_799 = arith.index_cast %add3A_771 : i32 to index
      %get3A_800 = arith.constant 48 : index
      %get3A_801 = tpu.vector_load %arg8[%get3A_799, %get3A_800] {strides = array<i32>} : memref<400x64xf32, #tpu.memory_space<vmem>>, vector<16xf32>,
      %bitcast3A_802 = vector.bitcast %get3A_801 : vector<16xf32> to vector<32xbf16>
      %get3A_803 = arith.index_cast %add3A_771 : i32 to index
      %get3A_804 = arith.constant 48 : index
      %get3A_805 = tpu.vector_load %arg9[%get3A_803, %get3A_804] {strides = array<i32>} : memref<400x64xf32, #tpu.memory_space<vmem>>, vector<16xf32>,
      %bitcast3A_806 = vector.bitcast %get3A_805 : vector<16xf32> to vector<32xbf16>
      %mul3A_807 = arith.mulf %bitcast3A_802, %bitcast3A_806 : vector<32xbf16>
      %add3A_808 = arith.addf %mul3A_780, %mul3A_789 : vector<32xbf16>
      %add3A_809 = arith.addf %mul3A_798, %mul3A_807 : vector<32xbf16>
      %add3A_810 = arith.addf %add3A_808, %add3A_809 : vector<32xbf16>
      %unpack3A_811 = tpu.unpack_subelements %add3A_810, 0 {pack_format = #tpu.pack_format<interleaved>} : vector<32xbf16> -> vector<16xf32>
      %unpack3A_812 = tpu.unpack_subelements %add3A_810, 1 {pack_format = #tpu.pack_format<interleaved>} : vector<32xbf16> -> vector<16xf32>
      %add3A_813 = arith.addf %unpack3A_811, %unpack3A_812 : vector<16xf32>
      %select_n3A = arith.select %eq3A_10, %add3A_123, %add3A_169 : vector<16xi1>, vector<16xf32>
      %select_n3A_814 = arith.select %eq3A_10, %add3A_169, %add3A_123 : vector<16xi1>, vector<16xf32>
      %broadcast_in_dim3A = vector.shape_cast %xor3A_39 : vector<16xi32> to vector<16x1xi32>
      %gather3A = vector.shape_cast %broadcast_in_dim3A : vector<16x1xi32> to vector<16xi32>
      %gather3A_815 = tpu.dynamic_gather %select_n3A_814[%gather3A] in [0] : vector<16xf32>, vector<16xi32> -> vector<16xf32>
      %add3A_816 = arith.addf %select_n3A, %gather3A_815 : vector<16xf32>
      %select_n3A_817 = arith.select %eq3A_10, %add3A_215, %add3A_261 : vector<16xi1>, vector<16xf32>
      %select_n3A_818 = arith.select %eq3A_10, %add3A_261, %add3A_215 : vector<16xi1>, vector<16xf32>
      %broadcast_in_dim3A_819 = vector.shape_cast %xor3A_39 : vector<16xi32> to vector<16x1xi32>
      %gather3A_820 = vector.shape_cast %broadcast_in_dim3A_819 : vector<16x1xi32> to vector<16xi32>
      %gather3A_821 = tpu.dynamic_gather %select_n3A_818[%gather3A_820] in [0] : vector<16xf32>, vector<16xi32> -> vector<16xf32>
      %add3A_822 = arith.addf %select_n3A_817, %gather3A_821 : vector<16xf32>
      %select_n3A_823 = arith.select %eq3A_10, %add3A_307, %add3A_353 : vector<16xi1>, vector<16xf32>
      %select_n3A_824 = arith.select %eq3A_10, %add3A_353, %add3A_307 : vector<16xi1>, vector<16xf32>
      %broadcast_in_dim3A_825 = vector.shape_cast %xor3A_39 : vector<16xi32> to vector<16x1xi32>
      %gather3A_826 = vector.shape_cast %broadcast_in_dim3A_825 : vector<16x1xi32> to vector<16xi32>
      %gather3A_827 = tpu.dynamic_gather %select_n3A_824[%gather3A_826] in [0] : vector<16xf32>, vector<16xi32> -> vector<16xf32>
      %add3A_828 = arith.addf %select_n3A_823, %gather3A_827 : vector<16xf32>
      %select_n3A_829 = arith.select %eq3A_10, %add3A_399, %add3A_445 : vector<16xi1>, vector<16xf32>
      %select_n3A_830 = arith.select %eq3A_10, %add3A_445, %add3A_399 : vector<16xi1>, vector<16xf32>
      %broadcast_in_dim3A_831 = vector.shape_cast %xor3A_39 : vector<16xi32> to vector<16x1xi32>
      %gather3A_832 = vector.shape_cast %broadcast_in_dim3A_831 : vector<16x1xi32> to vector<16xi32>
      %gather3A_833 = tpu.dynamic_gather %select_n3A_830[%gather3A_832] in [0] : vector<16xf32>, vector<16xi32> -> vector<16xf32>
      %add3A_834 = arith.addf %select_n3A_829, %gather3A_833 : vector<16xf32>
      %select_n3A_835 = arith.select %eq3A_10, %add3A_491, %add3A_537 : vector<16xi1>, vector<16xf32>
      %select_n3A_836 = arith.select %eq3A_10, %add3A_537, %add3A_491 : vector<16xi1>, vector<16xf32>
      %broadcast_in_dim3A_837 = vector.shape_cast %xor3A_39 : vector<16xi32> to vector<16x1xi32>
      %gather3A_838 = vector.shape_cast %broadcast_in_dim3A_837 : vector<16x1xi32> to vector<16xi32>
      %gather3A_839 = tpu.dynamic_gather %select_n3A_836[%gather3A_838] in [0] : vector<16xf32>, vector<16xi32> -> vector<16xf32>
      %add3A_840 = arith.addf %select_n3A_835, %gather3A_839 : vector<16xf32>
      %select_n3A_841 = arith.select %eq3A_10, %add3A_583, %add3A_629 : vector<16xi1>, vector<16xf32>
      %select_n3A_842 = arith.select %eq3A_10, %add3A_629, %add3A_583 : vector<16xi1>, vector<16xf32>
      %broadcast_in_dim3A_843 = vector.shape_cast %xor3A_39 : vector<16xi32> to vector<16x1xi32>
      %gather3A_844 = vector.shape_cast %broadcast_in_dim3A_843 : vector<16x1xi32> to vector<16xi32>
      %gather3A_845 = tpu.dynamic_gather %select_n3A_842[%gather3A_844] in [0] : vector<16xf32>, vector<16xi32> -> vector<16xf32>
      %add3A_846 = arith.addf %select_n3A_841, %gather3A_845 : vector<16xf32>
      %select_n3A_847 = arith.select %eq3A_10, %add3A_675, %add3A_721 : vector<16xi1>, vector<16xf32>
      %select_n3A_848 = arith.select %eq3A_10, %add3A_721, %add3A_675 : vector<16xi1>, vector<16xf32>
      %broadcast_in_dim3A_849 = vector.shape_cast %xor3A_39 : vector<16xi32> to vector<16x1xi32>
      %gather3A_850 = vector.shape_cast %broadcast_in_dim3A_849 : vector<16x1xi32> to vector<16xi32>
      %gather3A_851 = tpu.dynamic_gather %select_n3A_848[%gather3A_850] in [0] : vector<16xf32>, vector<16xi32> -> vector<16xf32>
      %add3A_852 = arith.addf %select_n3A_847, %gather3A_851 : vector<16xf32>
      %select_n3A_853 = arith.select %eq3A_10, %add3A_767, %add3A_813 : vector<16xi1>, vector<16xf32>
      %select_n3A_854 = arith.select %eq3A_10, %add3A_813, %add3A_767 : vector<16xi1>, vector<16xf32>
      %broadcast_in_dim3A_855 = vector.shape_cast %xor3A_39 : vector<16xi32> to vector<16x1xi32>
      %gather3A_856 = vector.shape_cast %broadcast_in_dim3A_855 : vector<16x1xi32> to vector<16xi32>
      %gather3A_857 = tpu.dynamic_gather %select_n3A_854[%gather3A_856] in [0] : vector<16xf32>, vector<16xi32> -> vector<16xf32>
      %add3A_858 = arith.addf %select_n3A_853, %gather3A_857 : vector<16xf32>
      %select_n3A_859 = arith.select %eq3A_19, %add3A_816, %add3A_822 : vector<16xi1>, vector<16xf32>
      %select_n3A_860 = arith.select %eq3A_19, %add3A_822, %add3A_816 : vector<16xi1>, vector<16xf32>
      %broadcast_in_dim3A_861 = vector.shape_cast %xor3A_42 : vector<16xi32> to vector<16x1xi32>
      %gather3A_862 = vector.shape_cast %broadcast_in_dim3A_861 : vector<16x1xi32> to vector<16xi32>
      %gather3A_863 = tpu.dynamic_gather %select_n3A_860[%gather3A_862] in [0] : vector<16xf32>, vector<16xi32> -> vector<16xf32>
      %add3A_864 = arith.addf %select_n3A_859, %gather3A_863 : vector<16xf32>
      %select_n3A_865 = arith.select %eq3A_19, %add3A_828, %add3A_834 : vector<16xi1>, vector<16xf32>
      %select_n3A_866 = arith.select %eq3A_19, %add3A_834, %add3A_828 : vector<16xi1>, vector<16xf32>
      %broadcast_in_dim3A_867 = vector.shape_cast %xor3A_42 : vector<16xi32> to vector<16x1xi32>
      %gather3A_868 = vector.shape_cast %broadcast_in_dim3A_867 : vector<16x1xi32> to vector<16xi32>
      %gather3A_869 = tpu.dynamic_gather %select_n3A_866[%gather3A_868] in [0] : vector<16xf32>, vector<16xi32> -> vector<16xf32>
      %add3A_870 = arith.addf %select_n3A_865, %gather3A_869 : vector<16xf32>
      %select_n3A_871 = arith.select %eq3A_19, %add3A_840, %add3A_846 : vector<16xi1>, vector<16xf32>
      %select_n3A_872 = arith.select %eq3A_19, %add3A_846, %add3A_840 : vector<16xi1>, vector<16xf32>
      %broadcast_in_dim3A_873 = vector.shape_cast %xor3A_42 : vector<16xi32> to vector<16x1xi32>
      %gather3A_874 = vector.shape_cast %broadcast_in_dim3A_873 : vector<16x1xi32> to vector<16xi32>
      %gather3A_875 = tpu.dynamic_gather %select_n3A_872[%gather3A_874] in [0] : vector<16xf32>, vector<16xi32> -> vector<16xf32>
      %add3A_876 = arith.addf %select_n3A_871, %gather3A_875 : vector<16xf32>
      %select_n3A_877 = arith.select %eq3A_19, %add3A_852, %add3A_858 : vector<16xi1>, vector<16xf32>
      %select_n3A_878 = arith.select %eq3A_19, %add3A_858, %add3A_852 : vector<16xi1>, vector<16xf32>
      %broadcast_in_dim3A_879 = vector.shape_cast %xor3A_42 : vector<16xi32> to vector<16x1xi32>
      %gather3A_880 = vector.shape_cast %broadcast_in_dim3A_879 : vector<16x1xi32> to vector<16xi32>
      %gather3A_881 = tpu.dynamic_gather %select_n3A_878[%gather3A_880] in [0] : vector<16xf32>, vector<16xi32> -> vector<16xf32>
      %add3A_882 = arith.addf %select_n3A_877, %gather3A_881 : vector<16xf32>
      %select_n3A_883 = arith.select %eq3A_28, %add3A_864, %add3A_870 : vector<16xi1>, vector<16xf32>
      %select_n3A_884 = arith.select %eq3A_28, %add3A_870, %add3A_864 : vector<16xi1>, vector<16xf32>
      %broadcast_in_dim3A_885 = vector.shape_cast %xor3A_45 : vector<16xi32> to vector<16x1xi32>
      %gather3A_886 = vector.shape_cast %broadcast_in_dim3A_885 : vector<16x1xi32> to vector<16xi32>
      %gather3A_887 = tpu.dynamic_gather %select_n3A_884[%gather3A_886] in [0] : vector<16xf32>, vector<16xi32> -> vector<16xf32>
      %add3A_888 = arith.addf %select_n3A_883, %gather3A_887 : vector<16xf32>
      %select_n3A_889 = arith.select %eq3A_28, %add3A_876, %add3A_882 : vector<16xi1>, vector<16xf32>
      %select_n3A_890 = arith.select %eq3A_28, %add3A_882, %add3A_876 : vector<16xi1>, vector<16xf32>
      %broadcast_in_dim3A_891 = vector.shape_cast %xor3A_45 : vector<16xi32> to vector<16x1xi32>
      %gather3A_892 = vector.shape_cast %broadcast_in_dim3A_891 : vector<16x1xi32> to vector<16xi32>
      %gather3A_893 = tpu.dynamic_gather %select_n3A_890[%gather3A_892] in [0] : vector<16xf32>, vector<16xi32> -> vector<16xf32>
      %add3A_894 = arith.addf %select_n3A_889, %gather3A_893 : vector<16xf32>
      %select_n3A_895 = arith.select %eq3A_37, %add3A_888, %add3A_894 : vector<16xi1>, vector<16xf32>
      %select_n3A_896 = arith.select %eq3A_37, %add3A_894, %add3A_888 : vector<16xi1>, vector<16xf32>
      %broadcast_in_dim3A_897 = vector.shape_cast %xor3A_48 : vector<16xi32> to vector<16x1xi32>
      %gather3A_898 = vector.shape_cast %broadcast_in_dim3A_897 : vector<16x1xi32> to vector<16xi32>
      %gather3A_899 = tpu.dynamic_gather %select_n3A_896[%gather3A_898] in [0] : vector<16xf32>, vector<16xi32> -> vector<16xf32>
      %add3A_900 = arith.addf %select_n3A_895, %gather3A_899 : vector<16xf32>
      %mul3A_901 = arith.constant 16 : i32
      %mul3A_902 = arith.muli %scan3A_80, %mul3A_901 : i32
      %swap3A = arith.index_cast %mul3A_902 : i32 to index
      %swap3A_903 = tpu.vector_load %arg12[%swap3A] {strides = array<i32>} : memref<400xf32, #tpu.memory_space<vmem>>, vector<16xf32>,
      tpu.vector_store %arg12[%swap3A], %add3A_900 {strides = array<i32>} : memref<400xf32, #tpu.memory_space<vmem>>, vector<16xf32>,
    }
    %scan3A_77 = arith.constant 25 : i32
    %add3A_78 = arith.constant 9600 : i32
    %add3A_79 = arith.addi %mul3A_2, %add3A_78 : i32
    "tpu.region"() ({
      %run_scoped3A = tpu.sem_alloc : memref<!tpu.dma_semaphore, #tpu.memory_space<semaphore_mem>>
      %dma_start3A_80 = tpu.memref_slice %arg5[%add3A_79] : memref<320000xf32, #tpu.memory_space<hbm>> -> memref<400xf32, #tpu.memory_space<hbm>>
      %dma_start3A_81 = tpu.memref_slice %arg5[%add3A_79] : memref<320000xf32, #tpu.memory_space<hbm>> -> memref<400xf32, #tpu.memory_space<hbm>>
      tpu.enqueue_dma source(%arg12 : memref<400xf32, #tpu.memory_space<vmem>>) target(%dma_start3A_81 : memref<400xf32, #tpu.memory_space<hbm>>) target_semaphore(%run_scoped3A : memref<!tpu.dma_semaphore, #tpu.memory_space<semaphore_mem>>)
      %dma_wait3A_82 = tpu.memref_slice %arg5[%add3A_79] : memref<320000xf32, #tpu.memory_space<hbm>> -> memref<400xf32, #tpu.memory_space<hbm>>
      %dma_wait3A_83 = tpu.memref_slice %arg5[%add3A_79] : memref<320000xf32, #tpu.memory_space<hbm>> -> memref<400xf32, #tpu.memory_space<hbm>>
      tpu.wait_dma2 semaphore(%run_scoped3A : memref<!tpu.dma_semaphore, #tpu.memory_space<semaphore_mem>>) src(%arg12 : memref<400xf32, #tpu.memory_space<vmem>>) dst(%dma_wait3A_83 : memref<400xf32, #tpu.memory_space<hbm>>)
      tpu.yield
    }) : () -> ()
    return
  }
}

</mosaic_0001>

<sc_bundles>
// kernel: kernel.3.cloned.1.call-start
scs
__scs_entry_jumppad:
0x0: {  	(pc) =	sbr.rel $0x88, $3  }
0x1: {  	(tag) =	ssettag $0x0;
	lr =	simm.s32 $0x1  }
0x2: {  	[smem:$0x3F9E] =	sst lr;
	_ =	strace $0xD0000000  }
0x3: {  	_ = 	snop  }
0x4: {  	_ = 	snop  }
0x5: {  	_ = 	snop  }
0x6: {  	_ = 	snop  }
0x7: {  	_ = 	snop  }
__scs_overlays_trampoline_lowered:
0x8: {  	[smem:$0x3FAD] =	sst s0  }
0x9: {  	[smem:$0x3FAE] =	sst s1  }
0xa: {  	[smem:$0x3FAF] =	sst s2  }
0xb: {  	[smem:$0x3FB0] =	sst s3  }
0xc: {  	[smem:$0x3FB1] =	sst s4  }
0xd: {  	[smem:$0x3FB2] =	sst s5  }
0xe: {  	[smem:$0x3FB3] =	sst s6  }
0xf: {  	[smem:$0x3FB4] =	sst s7  }
0x10: {  	[smem:$0x3FB5] =	sst s8  }
0x11: {  	[smem:$0x3FB6] =	sst s9;
	s0 =	simm.s32 @!p0 $0x0  }
0x12: {  	s1 =	sld [smem:$0x3F9C];
	s0 =	simm.s32 @p0 $0x1  }
0x13: {  	[smem:$0x3FB7] =	sst s0;
	s0 =	simm.s32 @!p1 $0x0  }
0x14: {  	s2 =	sld [smem:$0x3F9B];
	s0 =	simm.s32 @p1 $0x1  }
0x15: {  	[smem:$0x3FB8] =	sst s0;
	s0 =	simm.s32 @!p2 $0x0  }
0x16: {  	s3 =	sld [smem:$0x3FDB];
	s0 =	simm.s32 @p2 $0x1  }
0x17: {  	s4 =	simm.s32 $0x1BF5;
	[smem:$0x3FBA] =	sst s0  }
0x18: {  	s0 =	sld [smem:$0x3F9D];
	_ =	swait.ge [sflag:s4], $0x0  }
0x19: {  	s7 =	sld [smem:$0x3F9E]  }
0x1a: {  	s8 =	sadd.s32 $0xFFFFE003, lr  }
0x1b: {  	s9 =	sadd.s32 $0xFFFFFEF7, lr;
	s5 =	simm.s32 $0xFFFFFFFF;
	p2 =	slt.u32 s8, $0xFFFFF086  }
0x1c: {  	p1 =	slt.u32 s9, $0xF7A;
	s5 =	simm.s32 @!p2 $0x0  }
0x1d: {  	s5 =	simm.s32 @p1 $0x1;
	p0 =	seq.s32 s7, s2  }
0x1e: {  	s7 =	smul.u32 @!p0 $0xF7A, s2;
	p2 =	seq.s32 @!p0 s5, $0x0  }
0x1f: {  	s9 =	smul.u32 $0xF7A, s1;
	s8 =	simm.s32 @!p0 $0x1BF5;
	p2 =	por !p2, p0  }
0x20: {  	[sflag:s8] =	ssyncset.s32 @!p0 $0xFFFFF086;
	s6 =	sadd.s32 @!p0 s3, s7;
	s7 =	simm.s32 @!p0 $0x108  }
0x21: {  	s3 =	sadd.s32 s3, s9;
	s6 =	sadd.s32 @!p0 $0x88, s6;
	s7 =	simm.s32 @p2 $0x1082  }
0x22: {  	[simem:s7], [sflag:s8] =	dma.local @!p0 [hbm:s6], $0xF7A  }
0x23: {  	s9 =	sor.u32 $0xD0000000, s2;
	s6 =	simm.s32 $0x108;
	_ =	swait.ge @!p0 [sflag:s8], $0x0  }
0x24: {  	s3 =	sadd.s32 $0x88, s3;
	s6 =	simm.s32 @!p1 $0x1082;
	[sflag:s4] =	ssyncset.s32 $0xFFFFF086  }
0x25: {  	[simem:s6], [sflag:s4] =	dma.local [hbm:s3], $0xF7A  }
0x26: {  	[smem:$0x3F9E] =	sst s1;
	(tag) =	ssettag s2;
	_ =	strace s9  }
0x27: {  	s1 =	sld [smem:$0x3FAE]  }
0x28: {  	s2 =	sld [smem:$0x3FAF]  }
0x29: {  	s4 =	sld [smem:$0x3FB1]  }
0x2a: {  	p0 =	seq.s32 s5, $0x0;
	s5 =	sld [smem:$0x3FB2]  }
0x2b: {  	s6 =	sld [smem:$0x3FB3]  }
0x2c: {  	s7 =	sld [smem:$0x3FB4]  }
0x2d: {  	s3 =	simm.s32 $0x108;
	s8 =	sld [smem:$0x3FB5]  }
0x2e: {  	s3 =	simm.s32 @!p0 $0x1082;
	s9 =	sld [smem:$0x3FB6]  }
0x2f: {  	lr =	sadd.s32 s0, s3;
	s0 =	sld [smem:$0x3FAD]  }
0x30: {  	s3 =	sld [smem:$0x3FB0]  }
0x31: {  	[smem:$0x3FB9] =	sst s10  }
0x32: {  	s10 =	sld [smem:$0x3FB7];
	_ =	sdelay $0x3  }
0x33: {  	p0 =	seq.s32 s10, $0x1;
	s10 =	sld [smem:$0x3FB9];
	_ =	sdelay $0x3  }
0x34: {  	[smem:$0x3FB9] =	sst s10  }
0x35: {  	s10 =	sld [smem:$0x3FB8];
	_ =	sdelay $0x3  }
0x36: {  	p1 =	seq.s32 s10, $0x1;
	s10 =	sld [smem:$0x3FB9];
	_ =	sdelay $0x3  }
0x37: {  	[smem:$0x3FB9] =	sst s10  }
0x38: {  	s10 =	sld [smem:$0x3FBA]  }
0x39: {  	_ = 	snop;
	(pc) =	sbr.ind lr, $3  }
0x3a: {  	_ = 	snop  }
0x3b: {  	_ = 	snop  }
0x3c: {  	p2 =	seq.s32 s10, $0x1;
	s10 =	sld [smem:$0x3FB9]  }
0x3d: {  	_ =	shalt  }
0x3e: {  	_ =	shalt  }
0x3f: {  	_ =	shalt  }
0x40: {  	_ =	shalt  }
0x41: {  	_ =	shalt  }
0x42: {  	_ =	shalt  }
0x43: {  	_ =	shalt  }
0x44: {  	_ =	shalt  }
0x45: {  	_ =	shalt  }
0x46: {  	_ =	shalt  }
0x47: {  	_ =	shalt  }
0x48: {  	_ =	shalt  }
0x49: {  	_ =	shalt  }
0x4a: {  	_ =	shalt  }
0x4b: {  	_ =	shalt  }
0x4c: {  	_ =	shalt  }
0x4d: {  	_ =	shalt  }
0x4e: {  	_ =	shalt  }
0x4f: {  	_ =	shalt  }
0x50: {  	_ =	shalt  }
0x51: {  	_ =	shalt  }
0x52: {  	_ =	shalt  }
0x53: {  	_ =	shalt  }
0x54: {  	_ =	shalt  }
0x55: {  	_ =	shalt  }
0x56: {  	_ =	shalt  }
0x57: {  	_ =	shalt  }
0x58: {  	_ =	shalt  }
0x59: {  	_ =	shalt  }
0x5a: {  	_ =	shalt  }
0x5b: {  	_ =	shalt  }
0x5c: {  	_ =	shalt  }
0x5d: {  	_ =	shalt  }
0x5e: {  	_ =	shalt  }
0x5f: {  	_ =	shalt  }
0x60: {  	_ =	shalt  }
0x61: {  	_ =	shalt  }
0x62: {  	_ =	shalt  }
0x63: {  	_ =	shalt  }
0x64: {  	_ =	shalt  }
0x65: {  	_ =	shalt  }
0x66: {  	_ =	shalt  }
0x67: {  	_ =	shalt  }
0x68: {  	_ =	shalt  }
0x69: {  	_ =	shalt  }
0x6a: {  	_ =	shalt  }
0x6b: {  	_ =	shalt  }
0x6c: {  	_ =	shalt  }
0x6d: {  	_ =	shalt  }
0x6e: {  	_ =	shalt  }
0x6f: {  	_ =	shalt  }
0x70: {  	_ =	shalt  }
0x71: {  	_ =	shalt  }
0x72: {  	_ =	shalt  }
0x73: {  	_ =	shalt  }
0x74: {  	_ =	shalt  }
0x75: {  	_ =	shalt  }
0x76: {  	_ =	shalt  }
0x77: {  	_ =	shalt  }
0x78: {  	_ =	shalt  }
0x79: {  	_ =	shalt  }
0x7a: {  	_ =	shalt  }
0x7b: {  	_ =	shalt  }
0x7c: {  	_ =	shalt  }
0x7d: {  	_ =	shalt  }
0x7e: {  	_ =	shalt  }
0x7f: {  	_ =	shalt  }
0x80: {  	_ =	shalt  }
0x81: {  	_ =	shalt  }
0x82: {  	_ =	shalt  }
0x83: {  	_ =	shalt  }
0x84: {  	_ =	shalt  }
0x85: {  	_ =	shalt  }
0x86: {  	_ =	shalt  }
0x87: {  	_ =	shalt  }
.Lfunc_end0:
.L_simem_size_0:
called_computation_lowered:
.L_overlay_start_0:
0x88: {  	s2 =	sld [smem:$0x3FD9]  }
0x89: {  	s3 =	sld [smem:$0x3FFE];
	_ =	sdelay $0x1  }
0x8a: {  	s1 =	srdreg.scid  }
0x8b: {  	s0 =	sand.u32 $0x1, s1  }
0x8c: {  	s17 =	sshll.u32 s0, $0xA;
	s2 =	sadd.s32 s3, s2  }
0x8d: {  	s2 =	sadd.s32 s2, s17  }
0x8e: {  	[smem:$0x3FC5] =	sst s2  }
0x8f: {  	_ = 	snop  }
0x90: {  	s2 =	sld [smem:$0x3FD0];
	(tm) =	ssettm $0x1  }
0x91: {  	s18 =	sld [smem:$0x3FFB];
	_ =	sdelay $0x3  }
0x92: {  	_ =	strace s18  }
0x93: {  	s3 =	sld [smem:$0x3FFC];
	_ =	sdelay $0x3  }
0x94: {  	_ =	strace s3  }
0x95: {  	s3 =	sld [smem:$0x3FFD];
	_ =	sdelay $0x3  }
0x96: {  	_ =	strace s3  }
0x97: {  	_ =	strace $0x8FFFFFFF  }
0x98: {  	s19 =	sld [smem:$0x3FDB];
	_ =	sdelay $0x1  }
0x99: {  	s4 =	simm.s32 $_scs_section_size  }
0x9a: {  	s5 =	simm.s32 $_size__tile_overlayer_lowered;
	s6 =	simm.s32 $_tile_overlayer_lowered  }
0x9b: {  	s22 =	simm.s32 $0x1BFF;
	s21 =	sshll.u32 s6, $0x1;
	s3 =	sadd.s32 s4, s19  }
0x9c: {  	s7 =	simm.s32 $0x0;
	s20 =	sshll.u32 s5, $0x1;
	s5 =	sadd.s32 s21, s3  }
0x9d: {  	[timem:s7], [sflag:s22] =	dma.local [hbm:s5], s20  }
0x9e: {  	_ =	swait.ge [sflag:s22], s20  }
0x9f: {  	s4 =	ssub.s32 $0x0, s20;
	[sflag:s22] =	ssyncset.done $0x0  }
0xa0: {  	[sflag:s22] =	ssyncadd.s32 s4;
	_ =	sdelay $0x1  }
0xa1: {  	s23 =	simm.s32 $0x1B8B  }
0xa2: {  	_ =	swait.ge [sflag:s23], $0x1  }
0xa3: {  	[sflag:s23] =	ssyncset.done $0x0  }
0xa4: {  	s25 =	simm.s32 $0x1B8E;
	s24 =	sld [smem:$0x3FFE];
	[sflag:s23] =	ssyncadd.s32 $0xFFFFFFFF  }
0xa5: {  	s26 =	simm.s32 $execute0_lowered;
	[smem:$0x3FD2] =	sst s25  }
0xa6: {  	s5 =	sshll.u32 s26, $0x1;
	_ =	strace $0x80000046;
	[dreg:$0x1] =	wrdreg $0xFFFFFFFF  }
0xa7: {  	s28 =	simm.s32 $_size_execute0_lowered;
	s3 =	sadd.s32 s3, s5;
	[dreg:$0x0] =	wrdreg $0x0  }
0xa8: {  	s5 =	sshll.u32 s28, $0x1;
	[dreg:$0x2] =	wrdreg s3  }
0xa9: {  	[dreg:$0x3] =	wrdreg s5  }
0xaa: {  	[dreg:$0x4] =	wrdreg $0xC0  }
0xab: {  	_ =	task [dreg:s7], $0x5FFFF  }
0xac: {  	[dreg:$0x1] =	wrdreg $0xFFFFFFFF  }
0xad: {  	[dreg:$0x0] =	wrdreg $0x60  }
0xae: {  	[dreg:$0x2] =	wrdreg s24  }
0xaf: {  	[dreg:$0x3] =	wrdreg s2  }
0xb0: {  	[dreg:$0x4] =	wrdreg $0x9  }
0xb1: {  	_ =	task.clear_ibuf [dreg:s7], $0x5FFFF;
	_ =	strace $0x90000046  }
0xb2: {  	s29 =	simm.s32 $0x9;
	_ =	strace $0x80000048  }
0xb3: {  	_ =	swait.ge [sflag:s29], $0x1  }
0xb4: {  	[sflag:s29] =	ssyncadd.s32 $0xFFFFFFFF  }
0xb5: {  	_ =	strace $0x90000048  }
0xb6: {  	_ =	sfence  }
0xb7: {  	s30 =	sld [smem:$0x0];
	_ =	sdelay $0x2  }
0xb8: {  	s31 =	sshll.u32 s1, $0xD;
	s1 =	sshrl.u32 s1, $0x2  }
0xb9: {  	s3 =	sand.u32 $0x4000, s31;
	s1 =	sadd.s32 s1, s30  }
0xba: {  	s0 =	sor.u32 s3, s0;
	s1 =	sshll.u32 s1, $0x11  }
0xbb: {  	s0 =	sor.u32 s1, s0  }
0xbc: {  	s0 =	sadd.s32 $0x8F2B, s0  }
0xbd: {  	[sflag:s0] =	ssyncadd.remote.s32 $0x1  }
0xbe: {  	_ =	sfence.sel $0xFFFF  }
0xbf: {  	[dreg:$0x0] =	wrdreg $0xFFFFFFFF;
	(pc) =	sbr.abs _section_cstart, $3  }
0xc0: {  	[dreg:$0x1] =	wrdreg $0xFFFFFFFF  }
0xc1: {  	_ =	task.clear_ibuf [dreg:s7], $0x2FFFF;
	_ =	strace $0x9FFFFFFF  }
0xc2: {  	(tm) =	ssettm $0x7FFFFFFF  }
0xc3: {  	_ =	shalt  }
tec
execute0_lowered:
.L_overlay_start_1:
0x0: {  	(tag) =	ssettag $0x1  }
0x1: {  	vm0 =	vcmask $0xB08;
	vm1 =	vcmask $0x300  }
0x2: {  	v0 =	vimm.s32 $0xEFCDAB89;
	v1 =	vimm.s32 $0x67452301;
	v2 =	vimm.s32 $0xDCFE98BA  }
0x3: {  	v60 =	vimm.s32 $0x54761032;
	v3 =	vimm.s32 $0xBA98FEDC;
	v4 =	vimm.s32 $0x32107654  }
0x4: {  	vm2 =	vcmask $0x700;
	v61 =	vimm.s32 $0xFEDCBA98;
	v62 =	vimm.s32 $0x76543210  }
0x5: {  	vm0 =	vmor vm1, vm0;
	vm1 =	vcmask $0x1310;
	v0 =	vunpack.c.l.s4.s8 v0  }
0x6: {  	v1 =	vunpack.c.l.s4.s8 v1;
	v59 =	vunpack.c.l.s4.s8 v2;
	v2 =	vunpack.c.l.s4.s8 v60  }
0x7: {  	v3 =	vunpack.c.l.s4.s8 v3;
	vm0 =	vmor vm0, vm1;
	vm1 =	vcmask $0x1B18  }
0x8: {  	s7 =	rddreg [dreg:$0x0];
	s1 =	srdreg.scid;
	vm0 =	vmor vm0, vm1;
	vm1 =	vcmask $0x2320;
	v0 =	vunpack.c.0.s8.s32 v0  }
0x9: {  	s0 =	stileid.u32;
	s2 =	rddreg [dreg:$0x1];
	v1 =	vunpack.c.0.s8.s32 v1;
	vm0 =	vmor vm0, vm1;
	vm1 =	vcmask $0x2B28  }
0xa: {  	s3 =	simm.s32 $0x0;
	s12 =	simm.s32 $0x2710;
	s13 =	simm.s32 $0x190;
	v4 =	vunpack.c.l.s4.s8 v4;
	v2 =	vunpack.c.0.s8.s32 v2;
	vm0 =	vmor vm0, vm1  }
0xb: {  	s14 =	simm.s32 $0x4E20;
	s15 =	simm.s32 $0xB220;
	s16 =	simm.s32 $0x11620;
	vm1 =	vcmask $0x3330;
	v0 =	vcombine.low v1, v0;
	v1 =	vunpack.c.0.s8.s32 v59  }
0xc: {  	s17 =	simm.s32 $0x17A20;
	s18 =	simm.s32 $0x1;
	s19 =	simm.s32 $0x2;
	v3 =	vunpack.c.0.s8.s32 v3;
	v4 =	vunpack.c.0.s8.s32 v4;
	vm0 =	vmor vm0, vm1  }
0xd: {  	s20 =	simm.s32 $0x3;
	s5 =	sand.u32 $0x1, s1;
	s4 =	sshll.u32 s0, $0x1;
	vm1 =	vcmask $0x3B38;
	v1 =	vcombine.low v2, v1;
	v2 =	vunpack.c.l.s4.s8 v61  }
0xe: {  	s21 =	simm.s32 $0x4;
	s22 =	simm.s32 $0x1DE20;
	s4 =	sor.u32 s5, s4;
	v3 =	vcombine.low v4, v3;
	v4 =	vunpack.c.l.s4.s8 v62;
	vm0 =	vmor vm0, vm1  }
0xf: {  	s23 =	simm.s32 $0x0;
	s1 =	rddreg [dreg:$0x2];
	s4 =	smul.u32 $0x2710, s4;
	vm1 =	vcmask $0x1710;
	v17 =	vand.u32 $0xF, v0;
	v2 =	vunpack.c.0.s8.s32 v2  }
0x10: {  	[smem:$0x7FF] =	sst s3;
	s6 =	sadd.s32 $0xE00, s7;
	s8 =	ssub.s32 $0x2, s5;
	v4 =	vunpack.c.0.s8.s32 v4;
	vm1 =	vmor vm2, vm1;
	vm2 =	vcmask $0x2720  }
0x11: {  	_ =	strace $0x80000047;
	s10 =	sshrl.u32 s8, $0x1;
	s9 =	sshrl.u32 s4, $0x3;
	v6 =	vand.u32 $0xF, v3;
	[tilespmem:$0x1FFC0] =	vst v17;
	vm1 =	vmor vm1, vm2;
	v5 =	vand.u32 $0xF, v2  }
0x12: {  	s5 =	sadd.s32 $0x14800, s7;
	s10 =	ssub.s32 s8, s10;
	s11 =	sadd.s32 s9, s7;
	[tilespmem:$0x1FFE0] =	vst v6;
	vm2 =	vcmask $0x3730;
	v11 =	vand.u32 $0xF, v1;
	v63 =	vcombine.low v5, v4  }
0x13: {  	vm3 =	vcmask $0xF00;
	s10 =	smax.u32 s10, $0x1;
	s9 =	sadd.s32 s2, s9;
	s7 =	sadd.s32 $0x28200, s11;
	vm1 =	vmor vm1, vm2;
	vm2 =	vcmask $0x2F20;
	[tilespmem:$0x1FFD0] =	vst v11  }
0x14: {  	s8 =	sadd.s32 $0x31E40, s11;
	s9 =	sadd.s32 $0x4B0, s9;
	s11 =	simm.s32 $0x5;
	vm2 =	vmor vm3, vm2;
	vm3 =	vmmov $0xff;
	[tilespmem:$0x1FFF0] =	vst v63  }
.LBB2_1:
0x15: {  	[tilespmem:s3], [sflag:$0x5] =	stream.linear.gather [hbm4b:s7+s3], $0x2710, $0x38;
	[tilespmem:$0x1DFB0] =	vst v63  }
0x16: {  	_ =	swait.ge [sflag:s11], $0x2710  }
0x17: {  	[sflag:s11] =	ssyncset.done $0x0  }
0x18: {  	[sflag:s11] =	ssyncadd.s32 $0xFFFFD8F0  }
0x19: {  	[tilespmem:s12], [sflag:$0x5] =	stream.linear.gather [hbm4b:s8+s3], $0x2710, $0x38;
	[tilespmem:$0x1DFB0] =	vst v63  }
0x1a: {  	_ =	swait.ge [sflag:s11], $0x2710  }
0x1b: {  	[sflag:s11] =	ssyncset.done $0x0  }
0x1c: {  	[sflag:s11] =	ssyncadd.s32 $0xFFFFD8F0  }
0x1d: {  	[tilespmem:s14], [sflag:$0x1] =	stream.indirect.gather [hbm4b:s5+s13], $0x40, s3, s13, $0xb8;
	[tilespmem:$0x1DFB0] =	vst v63  }
0x1e: {  	s24 =	simm.s32 $0x0  }
0x1f: {  	[tilespmem:s15], [sflag:$0x2] =	stream.indirect.gather [hbm4b:s6+s13], $0x40, s12, s13, $0xb8;
	[tilespmem:$0x1DFB0] =	vst v63  }
.LBB2_2:
0x20: {  	s26 =	smul.u32 $0x320, s24;
	_ =	sdelay $0x1  }
0x21: {  	s25 =	sadd.s32 $0x190, s26  }
0x22: {  	[tilespmem:s16], [sflag:$0x3] =	stream.indirect.gather [hbm4b:s5+s13], $0x40, s25, s13, $0xb8;
	[tilespmem:$0x1DFB0] =	vst v63  }
0x23: {  	s28 =	sadd.s32 $0x28A0, s26  }
0x24: {  	[tilespmem:s17], [sflag:$0x4] =	stream.indirect.gather [hbm4b:s6+s13], $0x40, s28, s13, $0xb8;
	[tilespmem:$0x1DFB0] =	vst v63  }
0x25: {  	_ =	swait.ge [sflag:s18], $0x6400  }
0x26: {  	[sflag:s18] =	ssyncset.done $0x0  }
0x27: {  	[sflag:s18] =	ssyncadd.s32 $0xFFFF9C00  }
0x28: {  	_ =	swait.ge [sflag:s19], $0x6400  }
0x29: {  	[sflag:s19] =	ssyncset.done $0x0  }
0x2a: {  	s29 =	simm.s32 $0x1DE20;
	s28 =	simm.s32 $0xFC0;
	[sflag:s19] =	ssyncadd.s32 $0xFFFF9C00  }
.LBB2_3:
0x2b: {  	s30 =	sshra.s32 s28, $0x2  }
0x2c: {  	v4 =	vld [tilespmem:s30+$0x4A30]  }
0x2d: {  	v5 =	vld [tilespmem:s30+$0xAE30]  }
0x2e: {  	v6 =	vld [tilespmem:s30+$0x4A40]  }
0x2f: {  	v7 =	vld [tilespmem:s30+$0xAE40]  }
0x30: {  	v8 =	vld [tilespmem:s30+$0x4A50]  }
0x31: {  	v9 =	vld [tilespmem:s30+$0xAE50]  }
0x32: {  	v10 =	vld [tilespmem:s30+$0x4A60]  }
0x33: {  	v11 =	vld [tilespmem:s30+$0xAE60]  }
0x34: {  	v12 =	vld [tilespmem:s30+$0x4A70]  }
0x35: {  	v13 =	vld [tilespmem:s30+$0xAE70]  }
0x36: {  	v14 =	vld [tilespmem:s30+$0x4A80]  }
0x37: {  	v15 =	vld [tilespmem:s30+$0xAE80]  }
0x38: {  	v16 =	vld [tilespmem:s30+$0x4A90]  }
0x39: {  	v17 =	vld [tilespmem:s30+$0xAE90]  }
0x3a: {  	v18 =	vld [tilespmem:s30+$0x4AA0]  }
0x3b: {  	v19 =	vld [tilespmem:s30+$0xAEA0]  }
0x3c: {  	v20 =	vld [tilespmem:s30+$0x4AB0]  }
0x3d: {  	v21 =	vld [tilespmem:s30+$0xAEB0]  }
0x3e: {  	v22 =	vld [tilespmem:s30+$0x4AC0]  }
0x3f: {  	v23 =	vld [tilespmem:s30+$0xAEC0]  }
0x40: {  	v24 =	vld [tilespmem:s30+$0x4AD0]  }
0x41: {  	v25 =	vld [tilespmem:s30+$0xAED0]  }
0x42: {  	v26 =	vld [tilespmem:s30+$0x4AE0]  }
0x43: {  	v27 =	vld [tilespmem:s30+$0xAEE0]  }
0x44: {  	v28 =	vld [tilespmem:s30+$0x4AF0]  }
0x45: {  	v29 =	vld [tilespmem:s30+$0xAEF0]  }
0x46: {  	v30 =	vld [tilespmem:s30+$0x4B00]  }
0x47: {  	v31 =	vld [tilespmem:s30+$0xAF00]  }
0x48: {  	v32 =	vld [tilespmem:s30+$0x4B10]  }
0x49: {  	v33 =	vld [tilespmem:s30+$0xAF10]  }
0x4a: {  	v34 =	vld [tilespmem:s30+$0x4B20]  }
0x4b: {  	v35 =	vld [tilespmem:s30+$0xAF20]  }
0x4c: {  	v36 =	vld [tilespmem:s30+$0x4B30]  }
0x4d: {  	v37 =	vld [tilespmem:s30+$0xAF30]  }
0x4e: {  	v38 =	vld [tilespmem:s30+$0x4B40]  }
0x4f: {  	v39 =	vld [tilespmem:s30+$0xAF40]  }
0x50: {  	v40 =	vld [tilespmem:s30+$0x4B50]  }
0x51: {  	v41 =	vld [tilespmem:s30+$0xAF50]  }
0x52: {  	v42 =	vld [tilespmem:s30+$0x4B60]  }
0x53: {  	v43 =	vld [tilespmem:s30+$0xAF60]  }
0x54: {  	v44 =	vld [tilespmem:s30+$0x4B70]  }
0x55: {  	v45 =	vld [tilespmem:s30+$0xAF70]  }
0x56: {  	v46 =	vld [tilespmem:s30+$0x4B80]  }
0x57: {  	v47 =	vld [tilespmem:s30+$0xAF80]  }
0x58: {  	v48 =	vld [tilespmem:s30+$0x4B90]  }
0x59: {  	v49 =	vld [tilespmem:s30+$0xAF90]  }
0x5a: {  	v50 =	vld [tilespmem:s30+$0x4BA0]  }
0x5b: {  	v51 =	vld [tilespmem:s30+$0xAFA0]  }
0x5c: {  	v52 =	vld [tilespmem:s30+$0x4BB0]  }
0x5d: {  	v53 =	vld [tilespmem:s30+$0xAFB0]  }
0x5e: {  	v54 =	vld [tilespmem:s30+$0x4BC0]  }
0x5f: {  	v55 =	vld [tilespmem:s30+$0xAFC0]  }
0x60: {  	v56 =	vld [tilespmem:s30+$0x4BD0]  }
0x61: {  	v57 =	vld [tilespmem:s30+$0xAFD0]  }
0x62: {  	v58 =	vld [tilespmem:s30+$0x4BE0]  }
0x63: {  	v3 =	vld [tilespmem:s30+$0x4C30]  }
0x64: {  	v59 =	vld [tilespmem:s30+$0xAFE0]  }
0x65: {  	v60 =	vld [tilespmem:s30+$0x4BF0]  }
0x66: {  	v61 =	vld [tilespmem:s30+$0xAFF0]  }
0x67: {  	v62 =	vld [tilespmem:s30+$0x4C00]  }
0x68: {  	[tilespmem:$0x1FEA0] =	vst v3;
	v3 =	vld [tilespmem:s30+$0xB030]  }
0x69: {  	v0 =	vld [tilespmem:s30+$0x4C10]  }
0x6a: {  	v63 =	vld [tilespmem:s30+$0xB000]  }
0x6b: {  	v2 =	vld [tilespmem:s30+$0xB010]  }
0x6c: {  	v1 =	vld [tilespmem:s30+$0x4C20]  }
0x6d: {  	[tilespmem:$0x1FEB0] =	vst v3;
	v3 =	vld [tilespmem:s30+$0x4C40]  }
0x6e: {  	[tilespmem:$0x1FE90] =	vst v0;
	v0 =	vld [tilespmem:s30+$0xB020]  }
0x6f: {  	v4 =	vmul.bf16 v5, v4;
	v5 =	vmul.bf16 v7, v6;
	v7 =	vld [tilespmem:s30+$0xB0B0]  }
0x70: {  	v6 =	vmul.bf16 v9, v8;
	v9 =	vld [tilespmem:s30+$0x4CC0]  }
0x71: {  	v19 =	vmul.bf16 v19, v18;
	v18 =	vld [tilespmem:s30+$0x4CF0]  }
0x72: {  	[tilespmem:$0x1FEC0] =	vst v3;
	v3 =	vld [tilespmem:s30+$0xB040]  }
0x73: {  	v23 =	vmul.bf16 v23, v22;
	v22 =	vld [tilespmem:s30+$0x4D10]  }
0x74: {  	v17 =	vmul.bf16 v17, v16;
	v16 =	vld [tilespmem:s30+$0xB110]  }
0x75: {  	v29 =	vmul.bf16 v29, v28;
	v28 =	vld [tilespmem:s30+$0x4D50]  }
0x76: {  	v24 =	vmul.bf16 v25, v24;
	v37 =	vmul.bf16 v37, v36;
	v36 =	vld [tilespmem:s30+$0x4D60]  }
0x77: {  	v25 =	vmul.bf16 v27, v26;
	v33 =	vmul.bf16 v33, v32;
	[tilespmem:$0x1FED0] =	vst v3;
	v3 =	vld [tilespmem:s30+$0x4C50]  }
0x78: {  	v39 =	vmul.bf16 v39, v38;
	v52 =	vmul.bf16 v53, v52;
	v38 =	vld [tilespmem:s30+$0xB170]  }
0x79: {  	v53 =	vmul.bf16 v55, v54;
	v54 =	vmul.bf16 v57, v56;
	v32 =	vld [tilespmem:s30+$0xB180]  }
0x7a: {  	v56 =	vmul.bf16 v59, v58;
	v58 =	vmul.bf16 v61, v60;
	v61 =	vld [tilespmem:$0x1FE90]  }
0x7b: {  	v27 =	vadd.bf16 v25, v24;
	v24 =	vld [tilespmem:s30+$0x4D20]  }
0x7c: {  	v30 =	vmul.bf16 v31, v30;
	[tilespmem:$0x1FEE0] =	vst v3;
	v3 =	vld [tilespmem:s30+$0xB050]  }
0x7d: {  	v25 =	vld [tilespmem:s30+$0xB130]  }
0x7e: {  	v34 =	vmul.bf16 v35, v34;
	v35 =	vadd.bf16 v30, v29;
	v29 =	vld [tilespmem:s30+$0x4D40]  }
0x7f: {  	v8 =	vadd.bf16 v39, v37;
	v39 =	vld [tilespmem:$0x1FEA0]  }
0x80: {  	v37 =	vld [tilespmem:s30+$0x4D90]  }
0x81: {  	[tilespmem:$0x1FEF0] =	vst v3;
	v3 =	vld [tilespmem:s30+$0x4C60]  }
0x82: {  	[tilespmem:$0x1FFB0] =	vst v7;
	v7 =	vmul.bf16 v11, v10;
	v10 =	vld [tilespmem:s30+$0xB0C0]  }
0x83: {  	v40 =	vmul.bf16 v41, v40;
	v41 =	vmul.bf16 v43, v42;
	v11 =	vld [tilespmem:s30+$0x4CD0]  }
0x84: {  	v0 =	vmul.bf16 v0, v1;
	v1 =	vld [tilespmem:s30+$0x4D80]  }
0x85: {  	v60 =	vmul.bf16 v63, v62;
	v43 =	vadd.bf16 v41, v40;
	v40 =	vld [tilespmem:$0x1FEB0]  }
0x86: {  	[tilespmem:$0x1FF00] =	vst v3;
	v3 =	vld [tilespmem:s30+$0xB060]  }
0x87: {  	v63 =	vadd.bf16 v60, v58;
	v60 =	vld [tilespmem:$0x1FFB0]  }
0x88: {  	v4 =	vadd.bf16 v5, v4;
	v5 =	vadd.bf16 v7, v6;
	v6 =	vmul.bf16 v13, v12;
	v13 =	vld [tilespmem:s30+$0xB0D0]  }
0x89: {  	v7 =	vmul.bf16 v15, v14;
	v14 =	vld [tilespmem:s30+$0x4CE0]  }
0x8a: {  	v15 =	vld [tilespmem:s30+$0xB0E0]  }
0x8b: {  	[tilespmem:$0x1FF10] =	vst v3;
	v3 =	vld [tilespmem:s30+$0x4C70]  }
0x8c: {  	v12 =	vld [tilespmem:s30+$0x4D00];
	v4 =	vadd.bf16 v5, v4  }
0x8d: {  	v5 =	vadd.bf16 v7, v6;
	v6 =	vmul.bf16 v21, v20;
	v21 =	vadd.bf16 v19, v17;
	v17 =	vld [tilespmem:s30+$0xB0F0]  }
0x8e: {  	v20 =	vld [tilespmem:s30+$0xB100]  }
0x8f: {  	v19 =	vadd.bf16 v34, v33;
	v33 =	vld [tilespmem:s30+$0xB150]  }
0x90: {  	[tilespmem:$0x1FF20] =	vst v3;
	v3 =	vld [tilespmem:s30+$0xB070]  }
0x91: {  	v34 =	vld [tilespmem:s30+$0x4D70]  }
0x92: {  	v44 =	vmul.bf16 v45, v44;
	v7 =	vadd.bf16 v19, v35;
	v19 =	vld [tilespmem:s30+$0x4D30]  }
0x93: {  	v47 =	vmul.bf16 v47, v46;
	v49 =	vmul.bf16 v49, v48;
	v41 =	vld [tilespmem:$0x1FEC0]  }
0x94: {  	v2 =	vmul.bf16 v2, v61;
	v30 =	vmul.bf16 v40, v39;
	v39 =	vld [tilespmem:s30+$0xB1A0]  }
0x95: {  	v50 =	vmul.bf16 v51, v50;
	v51 =	vadd.bf16 v47, v44;
	v57 =	vadd.bf16 v56, v54;
	[tilespmem:$0x1FF30] =	vst v3;
	v3 =	vld [tilespmem:s30+$0x4C80]  }
0x96: {  	v0 =	vadd.bf16 v0, v2;
	v6 =	vadd.bf16 v23, v6;
	v61 =	vmul.bf16 v13, v11;
	v11 =	vld [tilespmem:s30+$0xB1C0]  }
0x97: {  	v26 =	vunpack.i.u.bf16.f32 v4;
	v23 =	vadd.bf16 v53, v52;
	v14 =	vmul.bf16 v15, v14;
	v15 =	vld [tilespmem:s30+$0x4DD0]  }
0x98: {  	v4 =	vunpack.i.l.bf16.f32 v4;
	v5 =	vadd.bf16 v21, v5;
	v6 =	vadd.bf16 v27, v6;
	v27 =	vld [tilespmem:s30+$0xB120]  }
0x99: {  	v4 =	vadd.f32 v4, v26;
	v62 =	vadd.bf16 v57, v23;
	v23 =	vld [tilespmem:s30+$0x4DA0]  }
0x9a: {  	v26 =	vadd.bf16 v50, v49;
	v31 =	vunpack.i.u.bf16.f32 v5;
	v5 =	vunpack.i.l.bf16.f32 v5;
	[tilespmem:$0x1FF40] =	vst v3;
	v3 =	vld [tilespmem:s30+$0xB080]  }
0x9b: {  	v5 =	vadd.f32 v5, v31;
	v31 =	vld [tilespmem:s30+$0xB140]  }
0x9c: {  	v0 =	vadd.bf16 v0, v63;
	v21 =	vadd.bf16 v26, v51;
	v26 =	vld [tilespmem:s30+$0xB160]  }
0x9d: {  	v63 =	vmul.bf16 v17, v18;
	v17 =	vld [tilespmem:s30+$0xB1D0];
	v42 =	vunpack.i.u.bf16.f32 v6;
	v6 =	vunpack.i.l.bf16.f32 v6  }
0x9e: {  	v6 =	vadd.f32 v6, v42;
	v42 =	vld [tilespmem:$0x1FED0]  }
0x9f: {  	[tilespmem:$0x1FF50] =	vst v3;
	v3 =	vld [tilespmem:s30+$0x4C90]  }
0xa0: {  	v8 =	vadd.bf16 v43, v8;
	v43 =	vld [tilespmem:$0x1FEE0]  }
0xa1: {  	v44 =	vld [tilespmem:$0x1FEF0]  }
0xa2: {  	v46 =	vld [tilespmem:$0x1FF00]  }
0xa3: {  	v47 =	vld [tilespmem:$0x1FF10]  }
0xa4: {  	[tilespmem:$0x1FF60] =	vst v3;
	v3 =	vld [tilespmem:s30+$0xB090]  }
0xa5: {  	v49 =	vld [tilespmem:$0x1FF20]  }
0xa6: {  	v50 =	vld [tilespmem:$0x1FF30]  }
0xa7: {  	v52 =	vld [tilespmem:$0x1FF40]  }
0xa8: {  	v53 =	vld [tilespmem:$0x1FF50]  }
0xa9: {  	v12 =	vmul.bf16 v20, v12;
	[tilespmem:$0x1FF70] =	vst v3;
	v3 =	vld [tilespmem:s30+$0x4CA0]  }
0xaa: {  	v9 =	vmul.bf16 v10, v9;
	v10 =	vadd.bf16 v14, v61;
	v61 =	vld [tilespmem:s30+$0x4E20]  }
0xab: {  	v12 =	vadd.bf16 v12, v63;
	v63 =	vld [tilespmem:s30+$0xB220]  }
0xac: {  	v35 =	vmul.bf16 v44, v43;
	v40 =	vmul.bf16 v47, v46;
	v46 =	vld [tilespmem:s30+$0x4DE0]  }
0xad: {  	v55 =	vunpack.i.u.bf16.f32 v8;
	v8 =	vunpack.i.l.bf16.f32 v8;
	v2 =	vmul.bf16 v42, v41;
	v47 =	vld [tilespmem:s30+$0xB1E0]  }
0xae: {  	v48 =	vadd.bf16 v40, v35;
	v35 =	vmul.bf16 v50, v49;
	v42 =	vmul.bf16 v53, v52;
	[tilespmem:$0x1FF80] =	vst v3;
	v3 =	vld [tilespmem:s30+$0xB0A0]  }
0xaf: {  	v16 =	vmul.bf16 v16, v22;
	v8 =	vadd.f32 v8, v55;
	v54 =	vld [tilespmem:$0x1FF60]  }
0xb0: {  	v1 =	vmul.bf16 v32, v1;
	v45 =	vunpack.i.u.bf16.f32 v7;
	v58 =	vadd.bf16 v42, v35;
	v42 =	vld [tilespmem:s30+$0x4DC0]  }
0xb1: {  	v7 =	vunpack.i.l.bf16.f32 v7;
	v51 =	vunpack.i.u.bf16.f32 v0;
	v0 =	vunpack.i.l.bf16.f32 v0;
	v55 =	vld [tilespmem:$0x1FF70]  }
0xb2: {  	v7 =	vadd.f32 v7, v45;
	v45 =	vunpack.i.u.bf16.f32 v62;
	v0 =	vadd.f32 v0, v51;
	v56 =	vld [tilespmem:$0x1FF80]  }
0xb3: {  	v59 =	vunpack.i.u.bf16.f32 v21;
	v21 =	vunpack.i.l.bf16.f32 v21;
	v19 =	vmul.bf16 v25, v19;
	[tilespmem:$0x1FF90] =	vst v3;
	v3 =	vld [tilespmem:s30+$0x4CB0]  }
0xb4: {  	v21 =	vadd.f32 v21, v59;
	v23 =	vmul.bf16 v39, v23;
	v2 =	vadd.bf16 v2, v30;
	v57 =	vld [tilespmem:$0x1FF90]  }
0xb5: {  	v39 =	vsel vm0, v7, v6;
	v15 =	vmul.bf16 v17, v15;
	v41 =	vld [tilespmem:s30+$0xB190];
	v14 =	vmul.bf16 v47, v46  }
0xb6: {  	v26 =	vmul.bf16 v26, v36;
	v2 =	vadd.bf16 v48, v2;
	v52 =	vld [tilespmem:s30+$0x4E00];
	v11 =	vmul.bf16 v11, v42  }
0xb7: {  	v14 =	vadd.bf16 v14, v15;
	v40 =	vmul.bf16 v55, v54;
	v54 =	vld [tilespmem:s30+$0xB200];
	v55 =	vmul.bf16 v31, v29  }
0xb8: {  	v43 =	vld [tilespmem:s30+$0x4DB0];
	v31 =	vmul.bf16 v63, v61;
	[tilespmem:$0x1FFA0] =	vst v3;
	v3 =	vunpack.i.l.bf16.f32 v62;
	v62 =	vunpack.i.u.bf16.f32 v2  }
0xb9: {  	v2 =	vunpack.i.l.bf16.f32 v2;
	v3 =	vadd.f32 v3, v45;
	v44 =	vmul.bf16 v57, v56;
	v59 =	vld [tilespmem:$0x1FFA0]  }
0xba: {  	v45 =	vld [tilespmem:s30+$0xB1B0];
	v2 =	vadd.f32 v2, v62;
	v56 =	vmul.bf16 v33, v28;
	v62 =	vmul.bf16 v41, v37  }
0xbb: {  	v19 =	vadd.bf16 v55, v19;
	v40 =	vadd.bf16 v44, v40;
	v44 =	vmul.bf16 v27, v24  }
0xbc: {  	v13 =	vmul.bf16 v54, v52;
	v25 =	vadd.bf16 v26, v56;
	v20 =	vadd.bf16 v23, v62  }
0xbd: {  	v41 =	vsel vm0, v6, v7;
	v40 =	vadd.bf16 v40, v58;
	v48 =	vadd.bf16 v44, v16  }
0xbe: {  	v51 =	vld [tilespmem:s30+$0xB1F0];
	v19 =	vadd.bf16 v25, v19;
	v44 =	vsel vm0, v0, v3;
	v35 =	vmul.bf16 v60, v59  }
0xbf: {  	v49 =	vld [tilespmem:s30+$0x4DF0];
	v0 =	vsel vm0, v3, v0;
	v60 =	vmul.bf16 v38, v34;
	v28 =	vmul.bf16 v45, v43  }
0xc0: {  	v57 =	vld [tilespmem:s30+$0x4E10];
	v38 =	vsel vm0, v5, v4;
	v4 =	vsel vm0, v4, v5;
	v43 =	vsel vm0, v8, v21  }
0xc1: {  	v59 =	vld [tilespmem:s30+$0xB210];
	v50 =	vunpack.i.u.bf16.f32 v40;
	v18 =	vunpack.i.l.bf16.f32 v40;
	v12 =	vadd.bf16 v48, v12  }
0xc2: {  	v34 =	vld [tilespmem:$0x1FFC0];
	v32 =	vunpack.i.u.bf16.f32 v19;
	v9 =	vadd.bf16 v9, v35;
	v18 =	vadd.f32 v18, v50  }
0xc3: {  	v33 =	vunpack.i.l.bf16.f32 v19;
	v1 =	vadd.bf16 v1, v60;
	v11 =	vadd.bf16 v11, v28  }
0xc4: {  	v58 =	vunpack.i.u.bf16.f32 v12;
	v12 =	vunpack.i.l.bf16.f32 v12;
	v9 =	vadd.bf16 v10, v9  }
0xc5: {  	v40 =	vsel vm0, v21, v8;
	v12 =	vadd.f32 v12, v58;
	v1 =	vadd.bf16 v20, v1  }
0xc6: {  	v10 =	vmul.bf16 v51, v49;
	v11 =	vadd.bf16 v14, v11;
	v29 =	vmul.bf16 v59, v57  }
0xc7: {  	v45 =	vsel vm0, v18, v2;
	v14 =	vperm.xlane v38, v34;
	v15 =	vperm.xlane v39, v34  }
0xc8: {  	v42 =	vperm.xlane v40, v34;
	v53 =	vunpack.i.u.bf16.f32 v9;
	v9 =	vunpack.i.l.bf16.f32 v9  }
0xc9: {  	v10 =	vadd.bf16 v13, v10;
	v13 =	vadd.f32 v33, v32;
	v35 =	vunpack.i.u.bf16.f32 v1  }
0xca: {  	v1 =	vunpack.i.l.bf16.f32 v1;
	v36 =	vunpack.i.u.bf16.f32 v11;
	v16 =	vadd.bf16 v31, v29  }
0xcb: {  	v11 =	vunpack.i.l.bf16.f32 v11;
	v9 =	vadd.f32 v9, v53;
	v1 =	vadd.f32 v1, v35  }
0xcc: {  	v7 =	vperm.xlane v44, v34;
	v11 =	vadd.f32 v11, v36;
	v10 =	vadd.bf16 v16, v10  }
0xcd: {  	v8 =	vperm.xlane v45, v34;
	v4 =	vadd.f32 v14, v4;
	v5 =	vadd.f32 v15, v41  }
0xce: {  	v6 =	vadd.f32 v42, v43;
	v37 =	vunpack.i.u.bf16.f32 v10;
	v10 =	vunpack.i.l.bf16.f32 v10  }
0xcf: {  	v2 =	vsel vm0, v2, v18;
	v0 =	vadd.f32 v7, v0;
	v10 =	vadd.f32 v10, v37  }
0xd0: {  	v52 =	vld [tilespmem:$0x1FFD0];
	v2 =	vadd.f32 v8, v2;
	v46 =	vsel vm0, v12, v9;
	v48 =	vsel vm0, v9, v12  }
0xd1: {  	v49 =	vsel vm0, v1, v13;
	v47 =	vperm.xlane v46, v34;
	v50 =	vsel vm0, v10, v11  }
0xd2: {  	v51 =	vsel vm1, v5, v4;
	v7 =	vperm.xlane v49, v34;
	v8 =	vperm.xlane v50, v34  }
0xd3: {  	v1 =	vsel vm0, v13, v1;
	v3 =	vadd.f32 v47, v48;
	v10 =	vsel vm0, v11, v10  }
0xd4: {  	v4 =	vsel vm1, v4, v5;
	v1 =	vadd.f32 v7, v1;
	v53 =	vadd.f32 v8, v10  }
0xd5: {  	v54 =	vsel vm1, v0, v6;
	v0 =	vsel vm1, v6, v0;
	v9 =	vperm.xlane v51, v52  }
0xd6: {  	v5 =	vperm.xlane v54, v52;
	v55 =	vsel vm1, v3, v2;
	v56 =	vsel vm1, v53, v1  }
0xd7: {  	v59 =	vld [tilespmem:$0x1FFE0];
	v4 =	vadd.f32 v9, v4;
	v57 =	vperm.xlane v55, v52;
	v58 =	vperm.xlane v56, v52  }
0xd8: {  	v0 =	vadd.f32 v5, v0;
	v2 =	vsel vm1, v2, v3;
	v1 =	vsel vm1, v1, v53  }
0xd9: {  	v2 =	vadd.f32 v57, v2;
	v1 =	vadd.f32 v58, v1;
	_ =	sdelay $0x1  }
0xda: {  	v60 =	vsel vm2, v0, v4;
	v61 =	vsel vm2, v1, v2  }
0xdb: {  	v62 =	vld [tilespmem:$0x1FFF0];
	v3 =	vperm.xlane v60, v59;
	v5 =	vperm.xlane v61, v59  }
0xdc: {  	v0 =	vsel vm2, v4, v0;
	v1 =	vsel vm2, v2, v1  }
0xdd: {  	v0 =	vadd.f32 v3, v0;
	v1 =	vadd.f32 v5, v1;
	_ =	sdelay $0x1  }
0xde: {  	p0 =	sne.s32 s28, $0x18FC0;
	v63 =	vsel vm3, v1, v0  }
.Ltmp0:
0xdf: {  	v2 =	vperm.xlane v63, v62;
	(pc) =	sbr.rel @p0 .LBB2_3-.Ltmp0, $3  }
0xe0: {  	v0 =	vsel vm3, v0, v1  }
0xe1: {  	v0 =	vadd.f32 v0, v2;
	_ =	sdelay $0x1  }
0xe2: {  	s28 =	sadd.s32 $0x1000, s28;
	[tilespmem:s29+$0x0] =	vst v0;
	s29 =	sadd.s32 $0x10, s29  }
0xe3: {  	s28 =	sadd.s32 s4, s26  }
0xe4: {  	s28 =	sshrl.u32 s28, $0x3  }
0xe5: {  	s29 =	sadd.s32 s2, s28;
	s28 =	simm.s32 $0x1DE20  }
0xe6: {  	[hbm4b:s29+s3] =	stream.linear.scatter [tilespmem:s28], [sflag:$0x5], $0x190, $0x38;
	[tilespmem:$0x1DFB0] =	vst v63  }
0xe7: {  	_ =	swait.ge [sflag:s11], $0x190  }
0xe8: {  	[sflag:s11] =	ssyncset.done $0x0  }
0xe9: {  	s30 =	sadd.s32 $0x320, s26;
	[sflag:s11] =	ssyncadd.s32 $0xFFFFFE70  }
0xea: {  	[tilespmem:s14], [sflag:$0x1] =	stream.indirect.gather [hbm4b:s5+s13], $0x40, s30, s13, $0xb8;
	[tilespmem:$0x1DFB0] =	vst v63  }
0xeb: {  	s31 =	sadd.s32 $0x2A30, s26  }
0xec: {  	[tilespmem:s15], [sflag:$0x2] =	stream.indirect.gather [hbm4b:s6+s13], $0x40, s31, s13, $0xb8;
	[tilespmem:$0x1DFB0] =	vst v63  }
0xed: {  	_ =	swait.ge [sflag:s20], $0x6400  }
0xee: {  	[sflag:s20] =	ssyncset.done $0x0  }
0xef: {  	[sflag:s20] =	ssyncadd.s32 $0xFFFF9C00  }
0xf0: {  	_ =	swait.ge [sflag:s21], $0x6400  }
0xf1: {  	[sflag:s21] =	ssyncset.done $0x0  }
0xf2: {  	s26 =	simm.s32 $0xFC0;
	[sflag:s21] =	ssyncadd.s32 $0xFFFF9C00  }
.LBB2_5:
0xf3: {  	s29 =	sshra.s32 s26, $0x2  }
0xf4: {  	v0 =	vld [tilespmem:s29+$0x11230]  }
0xf5: {  	v1 =	vld [tilespmem:s29+$0x17630]  }
0xf6: {  	v2 =	vld [tilespmem:s29+$0x11240]  }
0xf7: {  	v3 =	vld [tilespmem:s29+$0x17640]  }
0xf8: {  	v4 =	vld [tilespmem:s29+$0x11250]  }
0xf9: {  	v5 =	vld [tilespmem:s29+$0x17650]  }
0xfa: {  	v6 =	vld [tilespmem:s29+$0x11260]  }
0xfb: {  	v7 =	vld [tilespmem:s29+$0x17660]  }
0xfc: {  	v8 =	vld [tilespmem:s29+$0x11270]  }
0xfd: {  	v9 =	vld [tilespmem:s29+$0x17670]  }
0xfe: {  	v10 =	vld [tilespmem:s29+$0x11280]  }
0xff: {  	v11 =	vld [tilespmem:s29+$0x17680]  }
0x100: {  	v12 =	vld [tilespmem:s29+$0x11290]  }
0x101: {  	v13 =	vld [tilespmem:s29+$0x17690]  }
0x102: {  	v14 =	vld [tilespmem:s29+$0x112A0]  }
0x103: {  	v15 =	vld [tilespmem:s29+$0x176A0]  }
0x104: {  	v16 =	vld [tilespmem:s29+$0x112B0]  }
0x105: {  	v17 =	vld [tilespmem:s29+$0x176B0]  }
0x106: {  	v18 =	vld [tilespmem:s29+$0x112C0]  }
0x107: {  	v19 =	vld [tilespmem:s29+$0x176C0]  }
0x108: {  	v20 =	vld [tilespmem:s29+$0x112D0]  }
0x109: {  	v21 =	vld [tilespmem:s29+$0x176D0]  }
0x10a: {  	v22 =	vld [tilespmem:s29+$0x112E0]  }
0x10b: {  	v23 =	vld [tilespmem:s29+$0x176E0]  }
0x10c: {  	v24 =	vld [tilespmem:s29+$0x112F0]  }
0x10d: {  	v25 =	vld [tilespmem:s29+$0x176F0]  }
0x10e: {  	v26 =	vld [tilespmem:s29+$0x11300]  }
0x10f: {  	v27 =	vld [tilespmem:s29+$0x17700]  }
0x110: {  	v28 =	vld [tilespmem:s29+$0x11310]  }
0x111: {  	v29 =	vld [tilespmem:s29+$0x17710]  }
0x112: {  	v30 =	vld [tilespmem:s29+$0x11320]  }
0x113: {  	v31 =	vld [tilespmem:s29+$0x17720]  }
0x114: {  	v32 =	vld [tilespmem:s29+$0x11330]  }
0x115: {  	v33 =	vld [tilespmem:s29+$0x17730]  }
0x116: {  	v34 =	vld [tilespmem:s29+$0x11340]  }
0x117: {  	v35 =	vld [tilespmem:s29+$0x17740]  }
0x118: {  	v36 =	vld [tilespmem:s29+$0x11350]  }
0x119: {  	v37 =	vld [tilespmem:s29+$0x17750]  }
0x11a: {  	v38 =	vld [tilespmem:s29+$0x11360]  }
0x11b: {  	v39 =	vld [tilespmem:s29+$0x17760]  }
0x11c: {  	v40 =	vld [tilespmem:s29+$0x11370]  }
0x11d: {  	v41 =	vld [tilespmem:s29+$0x17770]  }
0x11e: {  	v42 =	vld [tilespmem:s29+$0x11380]  }
0x11f: {  	v43 =	vld [tilespmem:s29+$0x17780]  }
0x120: {  	v44 =	vld [tilespmem:s29+$0x11390]  }
0x121: {  	v45 =	vld [tilespmem:s29+$0x17790]  }
0x122: {  	v46 =	vld [tilespmem:s29+$0x113A0]  }
0x123: {  	v47 =	vld [tilespmem:s29+$0x177A0]  }
0x124: {  	v48 =	vld [tilespmem:s29+$0x113B0]  }
0x125: {  	v60 =	vld [tilespmem:s29+$0x11410]  }
0x126: {  	v49 =	vld [tilespmem:s29+$0x177B0]  }
0x127: {  	v50 =	vld [tilespmem:s29+$0x113C0]  }
0x128: {  	v51 =	vld [tilespmem:s29+$0x177C0]  }
0x129: {  	v52 =	vld [tilespmem:s29+$0x113D0]  }
0x12a: {  	[tilespmem:$0x1FD70] =	vst v60;
	v60 =	vld [tilespmem:s29+$0x11430]  }
0x12b: {  	v53 =	vld [tilespmem:s29+$0x177D0]  }
0x12c: {  	v54 =	vld [tilespmem:s29+$0x113E0]  }
0x12d: {  	v55 =	vld [tilespmem:s29+$0x177E0]  }
0x12e: {  	v56 =	vld [tilespmem:s29+$0x113F0]  }
0x12f: {  	[tilespmem:$0x1FD80] =	vst v60;
	v60 =	vld [tilespmem:s29+$0x17830]  }
0x130: {  	v57 =	vld [tilespmem:s29+$0x177F0]  }
0x131: {  	v58 =	vld [tilespmem:s29+$0x11400]  }
0x132: {  	v59 =	vld [tilespmem:s29+$0x17800]  }
0x133: {  	v61 =	vld [tilespmem:s29+$0x17810]  }
0x134: {  	[tilespmem:$0x1FD90] =	vst v60;
	v60 =	vld [tilespmem:s29+$0x11440]  }
0x135: {  	v62 =	vld [tilespmem:s29+$0x11420]  }
0x136: {  	v63 =	vld [tilespmem:s29+$0x17820]  }
0x137: {  	v0 =	vmul.bf16 v1, v0;
	v1 =	vmul.bf16 v3, v2;
	v2 =	vld [tilespmem:s29+$0x178B0]  }
0x138: {  	v3 =	vmul.bf16 v5, v4;
	v5 =	vmul.bf16 v11, v10;
	v10 =	vld [tilespmem:s29+$0x178D0]  }
0x139: {  	[tilespmem:$0x1FDA0] =	vst v60;
	v60 =	vld [tilespmem:s29+$0x17840]  }
0x13a: {  	v11 =	vld [tilespmem:s29+$0x114E0]  }
0x13b: {  	v13 =	vmul.bf16 v13, v12;
	v12 =	vld [tilespmem:s29+$0x178E0]  }
0x13c: {  	v15 =	vmul.bf16 v15, v14;
	v14 =	vld [tilespmem:s29+$0x114F0]  }
0x13d: {  	v25 =	vmul.bf16 v25, v24;
	v24 =	vld [tilespmem:s29+$0x11550]  }
0x13e: {  	[tilespmem:$0x1FDB0] =	vst v60;
	v60 =	vld [tilespmem:s29+$0x11450]  }
0x13f: {  	v33 =	vmul.bf16 v33, v32;
	v32 =	vld [tilespmem:s29+$0x11560]  }
0x140: {  	v35 =	vmul.bf16 v35, v34;
	v34 =	vld [tilespmem:s29+$0x17970]  }
0x141: {  	v58 =	vmul.bf16 v59, v58;
	v59 =	vld [tilespmem:$0x1FD70]  }
0x142: {  	v4 =	vmul.bf16 v7, v6;
	v0 =	vadd.bf16 v1, v0;
	v1 =	vld [tilespmem:s29+$0x178C0]  }
0x143: {  	v16 =	vmul.bf16 v17, v16;
	[tilespmem:$0x1FDC0] =	vst v60;
	v60 =	vld [tilespmem:s29+$0x17850]  }
0x144: {  	v17 =	vmul.bf16 v19, v18;
	v3 =	vadd.bf16 v4, v3;
	v4 =	vmul.bf16 v9, v8;
	v9 =	vld [tilespmem:s29+$0x114D0]  }
0x145: {  	v18 =	vmul.bf16 v21, v20;
	v19 =	vmul.bf16 v23, v22;
	v6 =	vadd.bf16 v15, v13;
	v13 =	vld [tilespmem:s29+$0x11500]  }
0x146: {  	v22 =	vadd.bf16 v17, v16;
	v16 =	vld [tilespmem:s29+$0x17900]  }
0x147: {  	v23 =	vadd.bf16 v19, v18;
	v18 =	vld [tilespmem:s29+$0x11510]  }
0x148: {  	v26 =	vmul.bf16 v27, v26;
	[tilespmem:$0x1FDD0] =	vst v60;
	v60 =	vld [tilespmem:s29+$0x11460]  }
0x149: {  	v30 =	vmul.bf16 v31, v30;
	v15 =	vld [tilespmem:s29+$0x17910]  }
0x14a: {  	v36 =	vmul.bf16 v37, v36;
	v37 =	vmul.bf16 v39, v38;
	v31 =	vadd.bf16 v26, v25;
	v25 =	vld [tilespmem:s29+$0x11540]  }
0x14b: {  	v17 =	vld [tilespmem:s29+$0x17960]  }
0x14c: {  	v39 =	vadd.bf16 v37, v36;
	v36 =	vld [tilespmem:s29+$0x11580]  }
0x14d: {  	v8 =	vadd.bf16 v35, v33;
	[tilespmem:$0x1FDE0] =	vst v60;
	v60 =	vld [tilespmem:s29+$0x17860]  }
0x14e: {  	v33 =	vld [tilespmem:s29+$0x17980];
	v0 =	vadd.bf16 v3, v0;
	v3 =	vadd.bf16 v5, v4  }
0x14f: {  	v11 =	vmul.bf16 v12, v11;
	v12 =	vld [tilespmem:s29+$0x115D0]  }
0x150: {  	v21 =	vadd.bf16 v6, v3;
	v3 =	vld [tilespmem:s29+$0x178F0]  }
0x151: {  	v6 =	vadd.bf16 v23, v22;
	v23 =	vld [tilespmem:s29+$0x17920]  }
0x152: {  	[tilespmem:$0x1FDF0] =	vst v60;
	v60 =	vld [tilespmem:s29+$0x11470]  }
0x153: {  	v22 =	vld [tilespmem:s29+$0x11530]  }
0x154: {  	v8 =	vadd.bf16 v39, v8;
	v20 =	vunpack.i.u.bf16.f32 v0;
	v0 =	vunpack.i.l.bf16.f32 v0;
	v39 =	vld [tilespmem:$0x1FD80]  }
0x155: {  	v4 =	vadd.f32 v0, v20;
	v20 =	vld [tilespmem:s29+$0x11520]  }
0x156: {  	v9 =	vmul.bf16 v10, v9;
	v10 =	vld [tilespmem:s29+$0x179C0]  }
0x157: {  	[tilespmem:$0x1FE00] =	vst v60;
	v60 =	vld [tilespmem:s29+$0x17870]  }
0x158: {  	v29 =	vmul.bf16 v29, v28;
	v27 =	vunpack.i.u.bf16.f32 v21;
	v0 =	vunpack.i.l.bf16.f32 v21;
	v21 =	vld [tilespmem:s29+$0x17930]  }
0x159: {  	v41 =	vmul.bf16 v41, v40;
	v5 =	vadd.f32 v0, v27;
	v27 =	vld [tilespmem:s29+$0x17940]  }
0x15a: {  	v49 =	vmul.bf16 v49, v48;
	v51 =	vmul.bf16 v51, v50;
	v0 =	vadd.bf16 v30, v29;
	v29 =	vld [tilespmem:s29+$0x17950]  }
0x15b: {  	v56 =	vmul.bf16 v57, v56;
	v62 =	vmul.bf16 v63, v62;
	v38 =	vunpack.i.u.bf16.f32 v6;
	v30 =	vld [tilespmem:s29+$0x11570]  }
0x15c: {  	v6 =	vunpack.i.l.bf16.f32 v6;
	v0 =	vadd.bf16 v0, v31;
	v31 =	vmul.bf16 v61, v59;
	[tilespmem:$0x1FE10] =	vst v60;
	v60 =	vld [tilespmem:s29+$0x11480]  }
0x15d: {  	v52 =	vmul.bf16 v53, v52;
	v54 =	vmul.bf16 v55, v54;
	v6 =	vadd.f32 v6, v38;
	v38 =	vld [tilespmem:s29+$0x11590]  }
0x15e: {  	v43 =	vmul.bf16 v43, v42;
	v63 =	vadd.bf16 v58, v56;
	v40 =	vld [tilespmem:$0x1FD90];
	v31 =	vadd.bf16 v62, v31  }
0x15f: {  	v19 =	vadd.bf16 v51, v49;
	v55 =	vadd.bf16 v54, v52;
	v3 =	vmul.bf16 v3, v14;
	v14 =	vld [tilespmem:s29+$0x179D0]  }
0x160: {  	v45 =	vmul.bf16 v45, v44;
	v46 =	vmul.bf16 v47, v46;
	v26 =	vadd.bf16 v31, v63;
	v31 =	vld [tilespmem:s29+$0x115A0]  }
0x161: {  	v19 =	vadd.bf16 v55, v19;
	v7 =	vunpack.i.u.bf16.f32 v0;
	v0 =	vunpack.i.l.bf16.f32 v0;
	[tilespmem:$0x1FE20] =	vst v60;
	v60 =	vld [tilespmem:s29+$0x17880]  }
0x162: {  	v47 =	vadd.bf16 v43, v41;
	v7 =	vadd.f32 v0, v7;
	v41 =	vld [tilespmem:$0x1FDA0]  }
0x163: {  	v0 =	vadd.bf16 v46, v45;
	v45 =	vunpack.i.u.bf16.f32 v19;
	v19 =	vunpack.i.l.bf16.f32 v19;
	v42 =	vld [tilespmem:$0x1FDB0]  }
0x164: {  	v19 =	vadd.f32 v19, v45;
	v45 =	vld [tilespmem:s29+$0x179B0]  }
0x165: {  	v63 =	vmul.bf16 v23, v20;
	v20 =	vld [tilespmem:s29+$0x115E0]  }
0x166: {  	[tilespmem:$0x1FE30] =	vst v60;
	v60 =	vld [tilespmem:s29+$0x11490]  }
0x167: {  	v28 =	vmul.bf16 v40, v39;
	v39 =	vld [tilespmem:s29+$0x179A0]  }
0x168: {  	v35 =	vmul.bf16 v42, v41;
	v43 =	vld [tilespmem:$0x1FDC0]  }
0x169: {  	v41 =	vld [tilespmem:s29+$0x17990]  }
0x16a: {  	v28 =	vadd.bf16 v35, v28;
	v35 =	vld [tilespmem:s29+$0x179E0]  }
0x16b: {  	[tilespmem:$0x1FE40] =	vst v60;
	v60 =	vld [tilespmem:s29+$0x17890]  }
0x16c: {  	v44 =	vld [tilespmem:$0x1FDD0]  }
0x16d: {  	v46 =	vld [tilespmem:$0x1FDE0]  }
0x16e: {  	v0 =	vadd.bf16 v0, v47;
	v47 =	vld [tilespmem:$0x1FDF0]  }
0x16f: {  	v49 =	vld [tilespmem:$0x1FE00]  }
0x170: {  	[tilespmem:$0x1FE50] =	vst v60;
	v60 =	vld [tilespmem:s29+$0x114A0]  }
0x171: {  	v50 =	vld [tilespmem:$0x1FE10]  }
0x172: {  	v53 =	vunpack.i.u.bf16.f32 v8;
	v8 =	vunpack.i.l.bf16.f32 v8;
	v52 =	vld [tilespmem:$0x1FE20]  }
0x173: {  	v8 =	vadd.f32 v8, v53;
	v53 =	vld [tilespmem:$0x1FE30]  }
0x174: {  	v37 =	vmul.bf16 v44, v43;
	v40 =	vmul.bf16 v47, v46;
	v47 =	vld [tilespmem:s29+$0x11600]  }
0x175: {  	[tilespmem:$0x1FE60] =	vst v60;
	v60 =	vld [tilespmem:s29+$0x178A0]  }
0x176: {  	v48 =	vadd.bf16 v40, v37;
	v37 =	vmul.bf16 v50, v49;
	v50 =	vld [tilespmem:s29+$0x17A00]  }
0x177: {  	v54 =	vld [tilespmem:$0x1FE40]  }
0x178: {  	v42 =	vmul.bf16 v53, v52;
	v53 =	vld [tilespmem:s29+$0x11610]  }
0x179: {  	v13 =	vmul.bf16 v16, v13;
	v55 =	vld [tilespmem:$0x1FE50]  }
0x17a: {  	v15 =	vmul.bf16 v15, v18;
	v17 =	vmul.bf16 v17, v32;
	[tilespmem:$0x1FE70] =	vst v60;
	v60 =	vld [tilespmem:s29+$0x114B0]  }
0x17b: {  	v3 =	vadd.bf16 v13, v3;
	v57 =	vunpack.i.u.bf16.f32 v0;
	v0 =	vunpack.i.l.bf16.f32 v0;
	v56 =	vld [tilespmem:$0x1FE60]  }
0x17c: {  	v23 =	vadd.bf16 v11, v9;
	v12 =	vmul.bf16 v14, v12;
	v0 =	vadd.f32 v0, v57;
	v57 =	vld [tilespmem:$0x1FE70]  }
0x17d: {  	v51 =	vunpack.i.u.bf16.f32 v26;
	v9 =	vmul.bf16 v35, v20;
	v58 =	vadd.bf16 v42, v37;
	v37 =	vld [tilespmem:s29+$0x115C0]  }
0x17e: {  	v26 =	vunpack.i.l.bf16.f32 v26;
	v28 =	vadd.bf16 v48, v28;
	v40 =	vmul.bf16 v55, v54;
	v55 =	vld [tilespmem:s29+$0x17A10]  }
0x17f: {  	v26 =	vadd.f32 v26, v51;
	v51 =	vmul.bf16 v27, v25;
	v9 =	vadd.bf16 v9, v12;
	[tilespmem:$0x1FE80] =	vst v60;
	v60 =	vld [tilespmem:s29+$0x114C0]  }
0x180: {  	v43 =	vld [tilespmem:s29+$0x115B0];
	v61 =	vunpack.i.u.bf16.f32 v28;
	v28 =	vunpack.i.l.bf16.f32 v28;
	v49 =	vmul.bf16 v21, v22  }
0x181: {  	v28 =	vadd.f32 v28, v61;
	v11 =	vmul.bf16 v50, v47;
	v44 =	vmul.bf16 v57, v56;
	v59 =	vld [tilespmem:$0x1FE80]  }
0x182: {  	v47 =	vsel vm0, v19, v26;
	v52 =	vmul.bf16 v29, v24;
	v56 =	vmul.bf16 v34, v30;
	v34 =	vld [tilespmem:$0x1FFC0]  }
0x183: {  	v10 =	vmul.bf16 v10, v37;
	v57 =	vmul.bf16 v33, v36;
	v40 =	vadd.bf16 v44, v40  }
0x184: {  	v17 =	vadd.bf16 v17, v52;
	v30 =	vmul.bf16 v55, v53;
	v1 =	vmul.bf16 v1, v60  }
0x185: {  	v62 =	vadd.bf16 v40, v58;
	v40 =	vadd.bf16 v63, v15;
	v60 =	vmul.bf16 v39, v31  }
0x186: {  	v46 =	vld [tilespmem:s29+$0x179F0];
	v63 =	vmul.bf16 v45, v43;
	v39 =	vsel vm0, v5, v4;
	v2 =	vmul.bf16 v2, v59  }
0x187: {  	v42 =	vld [tilespmem:s29+$0x115F0];
	v4 =	vsel vm0, v4, v5;
	v59 =	vmul.bf16 v41, v38;
	v12 =	vperm.xlane v39, v34  }
0x188: {  	v41 =	vsel vm0, v0, v8;
	v0 =	vsel vm0, v8, v0;
	v44 =	vunpack.i.u.bf16.f32 v62  }
0x189: {  	v16 =	vunpack.i.l.bf16.f32 v62;
	v3 =	vadd.bf16 v40, v3;
	v62 =	vadd.bf16 v57, v56  }
0x18a: {  	v61 =	vld [tilespmem:s29+$0x17A20];
	v10 =	vadd.bf16 v10, v63;
	v40 =	vsel vm0, v7, v6;
	v1 =	vadd.bf16 v1, v2  }
0x18b: {  	v58 =	vld [tilespmem:s29+$0x11620];
	v43 =	vperm.xlane v41, v34;
	v15 =	vadd.f32 v16, v44;
	v16 =	vadd.bf16 v51, v49  }
0x18c: {  	v18 =	vadd.bf16 v60, v59;
	v2 =	vmul.bf16 v46, v42;
	v42 =	vsel vm0, v6, v7  }
0x18d: {  	v4 =	vadd.f32 v12, v4;
	v44 =	vsel vm0, v26, v19;
	v54 =	vunpack.i.u.bf16.f32 v3  }
0x18e: {  	v3 =	vunpack.i.l.bf16.f32 v3;
	v9 =	vadd.bf16 v9, v10;
	v0 =	vadd.f32 v43, v0  }
0x18f: {  	v6 =	vperm.xlane v44, v34;
	v1 =	vadd.bf16 v23, v1;
	v3 =	vadd.f32 v3, v54  }
0x190: {  	v16 =	vadd.bf16 v17, v16;
	v27 =	vadd.bf16 v18, v62;
	v31 =	vmul.bf16 v61, v58  }
0x191: {  	v2 =	vadd.bf16 v11, v2;
	v45 =	vsel vm0, v15, v28;
	v37 =	vunpack.i.u.bf16.f32 v9  }
0x192: {  	v9 =	vunpack.i.l.bf16.f32 v9;
	v6 =	vadd.f32 v6, v47;
	v48 =	vunpack.i.u.bf16.f32 v1  }
0x193: {  	v1 =	vunpack.i.l.bf16.f32 v1;
	v32 =	vunpack.i.u.bf16.f32 v16;
	v13 =	vadd.bf16 v31, v30  }
0x194: {  	v33 =	vunpack.i.l.bf16.f32 v16;
	v35 =	vunpack.i.u.bf16.f32 v27;
	v9 =	vadd.f32 v9, v37  }
0x195: {  	v36 =	vunpack.i.l.bf16.f32 v27;
	v1 =	vadd.f32 v1, v48;
	v2 =	vadd.bf16 v13, v2  }
0x196: {  	v7 =	vperm.xlane v45, v34;
	v11 =	vadd.f32 v33, v32;
	v10 =	vadd.f32 v36, v35  }
0x197: {  	v48 =	vsel vm0, v28, v15;
	v38 =	vunpack.i.u.bf16.f32 v2;
	v2 =	vunpack.i.l.bf16.f32 v2  }
0x198: {  	v54 =	vsel vm1, v6, v0;
	v46 =	vsel vm0, v3, v1;
	v2 =	vadd.f32 v2, v38  }
0x199: {  	v52 =	vld [tilespmem:$0x1FFD0];
	v13 =	vperm.xlane v40, v34;
	v7 =	vadd.f32 v7, v48;
	v8 =	vperm.xlane v46, v34  }
0x19a: {  	v1 =	vsel vm0, v1, v3;
	v49 =	vsel vm0, v10, v11;
	v50 =	vsel vm0, v2, v9  }
0x19b: {  	v3 =	vperm.xlane v49, v34;
	v1 =	vadd.f32 v8, v1;
	v8 =	vperm.xlane v50, v34  }
0x19c: {  	v10 =	vsel vm0, v11, v10;
	v5 =	vadd.f32 v13, v42;
	v2 =	vsel vm0, v9, v2  }
0x19d: {  	v0 =	vsel vm1, v0, v6;
	v3 =	vadd.f32 v3, v10;
	v2 =	vadd.f32 v8, v2  }
0x19e: {  	v51 =	vsel vm1, v5, v4;
	v4 =	vsel vm1, v4, v5;
	v5 =	vperm.xlane v54, v52  }
0x19f: {  	v53 =	vperm.xlane v51, v52;
	v55 =	vsel vm1, v1, v7;
	v56 =	vsel vm1, v2, v3  }
0x1a0: {  	v59 =	vld [tilespmem:$0x1FFE0];
	v0 =	vadd.f32 v5, v0;
	v57 =	vperm.xlane v55, v52;
	v58 =	vperm.xlane v56, v52  }
0x1a1: {  	v1 =	vsel vm1, v7, v1;
	v4 =	vadd.f32 v53, v4;
	v2 =	vsel vm1, v3, v2  }
0x1a2: {  	v1 =	vadd.f32 v57, v1;
	v2 =	vadd.f32 v58, v2;
	_ =	sdelay $0x1  }
0x1a3: {  	v60 =	vsel vm2, v0, v4;
	v61 =	vsel vm2, v2, v1  }
0x1a4: {  	v62 =	vld [tilespmem:$0x1FFF0];
	v3 =	vperm.xlane v60, v59;
	v5 =	vperm.xlane v61, v59  }
0x1a5: {  	v0 =	vsel vm2, v4, v0;
	v1 =	vsel vm2, v1, v2  }
0x1a6: {  	v0 =	vadd.f32 v3, v0;
	v1 =	vadd.f32 v5, v1;
	_ =	sdelay $0x1  }
0x1a7: {  	p0 =	sne.s32 s26, $0x18FC0;
	v63 =	vsel vm3, v1, v0  }
.Ltmp1:
0x1a8: {  	v2 =	vperm.xlane v63, v62;
	(pc) =	sbr.rel @p0 .LBB2_5-.Ltmp1, $3  }
0x1a9: {  	v0 =	vsel vm3, v0, v1  }
0x1aa: {  	v0 =	vadd.f32 v0, v2;
	_ =	sdelay $0x1  }
0x1ab: {  	s26 =	sadd.s32 $0x1000, s26;
	[tilespmem:s28+$0x0] =	vst v0;
	s28 =	sadd.s32 $0x10, s28  }
0x1ac: {  	s25 =	sadd.s32 s4, s25;
	s24 =	sadd.s32 $0x1, s24  }
0x1ad: {  	s25 =	sshrl.u32 s25, $0x3;
	p0 =	sne.s32 s24, $0xC  }
.Ltmp2:
0x1ae: {  	s25 =	sadd.s32 s2, s25;
	(pc) =	sbr.rel @p0 .LBB2_2-.Ltmp2, $4  }
0x1af: {  	[hbm4b:s25+s3] =	stream.linear.scatter [tilespmem:s22], [sflag:$0x5], $0x190, $0x38;
	[tilespmem:$0x1DFB0] =	vst v63  }
0x1b0: {  	_ =	swait.ge [sflag:s11], $0x190  }
0x1b1: {  	[sflag:s11] =	ssyncset.done $0x0  }
0x1b2: {  	[sflag:s11] =	ssyncadd.s32 $0xFFFFFE70  }
0x1b3: {  	_ =	swait.ge [sflag:s18], $0x6400  }
0x1b4: {  	[sflag:s18] =	ssyncset.done $0x0  }
0x1b5: {  	[sflag:s18] =	ssyncadd.s32 $0xFFFF9C00  }
0x1b6: {  	_ =	swait.ge [sflag:s19], $0x6400  }
0x1b7: {  	[sflag:s19] =	ssyncset.done $0x0  }
0x1b8: {  	s24 =	simm.s32 $0xFC0;
	s25 =	simm.s32 $0x1DE20;
	[sflag:s19] =	ssyncadd.s32 $0xFFFF9C00  }
.LBB2_8:
0x1b9: {  	s26 =	sshra.s32 s24, $0x2  }
0x1ba: {  	v0 =	vld [tilespmem:s26+$0x4A30]  }
0x1bb: {  	v1 =	vld [tilespmem:s26+$0xAE30]  }
0x1bc: {  	v2 =	vld [tilespmem:s26+$0x4A40]  }
0x1bd: {  	v3 =	vld [tilespmem:s26+$0xAE40]  }
0x1be: {  	v4 =	vld [tilespmem:s26+$0x4A50]  }
0x1bf: {  	v5 =	vld [tilespmem:s26+$0xAE50]  }
0x1c0: {  	v6 =	vld [tilespmem:s26+$0x4A60]  }
0x1c1: {  	v7 =	vld [tilespmem:s26+$0xAE60]  }
0x1c2: {  	v8 =	vld [tilespmem:s26+$0x4A70]  }
0x1c3: {  	v9 =	vld [tilespmem:s26+$0xAE70]  }
0x1c4: {  	v10 =	vld [tilespmem:s26+$0x4A80]  }
0x1c5: {  	v11 =	vld [tilespmem:s26+$0xAE80]  }
0x1c6: {  	v12 =	vld [tilespmem:s26+$0x4A90]  }
0x1c7: {  	v13 =	vld [tilespmem:s26+$0xAE90]  }
0x1c8: {  	v14 =	vld [tilespmem:s26+$0x4AA0]  }
0x1c9: {  	v15 =	vld [tilespmem:s26+$0xAEA0]  }
0x1ca: {  	v16 =	vld [tilespmem:s26+$0x4AB0]  }
0x1cb: {  	v17 =	vld [tilespmem:s26+$0xAEB0]  }
0x1cc: {  	v18 =	vld [tilespmem:s26+$0x4AC0]  }
0x1cd: {  	v19 =	vld [tilespmem:s26+$0xAEC0]  }
0x1ce: {  	v20 =	vld [tilespmem:s26+$0x4AD0]  }
0x1cf: {  	v21 =	vld [tilespmem:s26+$0xAED0]  }
0x1d0: {  	v22 =	vld [tilespmem:s26+$0x4AE0]  }
0x1d1: {  	v23 =	vld [tilespmem:s26+$0xAEE0]  }
0x1d2: {  	v24 =	vld [tilespmem:s26+$0x4AF0]  }
0x1d3: {  	v25 =	vld [tilespmem:s26+$0xAEF0]  }
0x1d4: {  	v26 =	vld [tilespmem:s26+$0x4B00]  }
0x1d5: {  	v27 =	vld [tilespmem:s26+$0xAF00]  }
0x1d6: {  	v28 =	vld [tilespmem:s26+$0x4B10]  }
0x1d7: {  	v29 =	vld [tilespmem:s26+$0xAF10]  }
0x1d8: {  	v30 =	vld [tilespmem:s26+$0x4B20]  }
0x1d9: {  	v31 =	vld [tilespmem:s26+$0xAF20]  }
0x1da: {  	v32 =	vld [tilespmem:s26+$0x4B30]  }
0x1db: {  	v33 =	vld [tilespmem:s26+$0xAF30]  }
0x1dc: {  	v34 =	vld [tilespmem:s26+$0x4B40]  }
0x1dd: {  	v35 =	vld [tilespmem:s26+$0xAF40]  }
0x1de: {  	v36 =	vld [tilespmem:s26+$0x4B50]  }
0x1df: {  	v37 =	vld [tilespmem:s26+$0xAF50]  }
0x1e0: {  	v38 =	vld [tilespmem:s26+$0x4B60]  }
0x1e1: {  	v39 =	vld [tilespmem:s26+$0xAF60]  }
0x1e2: {  	v40 =	vld [tilespmem:s26+$0x4B70]  }
0x1e3: {  	v41 =	vld [tilespmem:s26+$0xAF70]  }
0x1e4: {  	v42 =	vld [tilespmem:s26+$0x4B80]  }
0x1e5: {  	v43 =	vld [tilespmem:s26+$0xAF80]  }
0x1e6: {  	v44 =	vld [tilespmem:s26+$0x4B90]  }
0x1e7: {  	v45 =	vld [tilespmem:s26+$0xAF90]  }
0x1e8: {  	v46 =	vld [tilespmem:s26+$0x4BA0]  }
0x1e9: {  	v47 =	vld [tilespmem:s26+$0xAFA0]  }
0x1ea: {  	v48 =	vld [tilespmem:s26+$0x4BB0]  }
0x1eb: {  	v60 =	vld [tilespmem:s26+$0x4C10]  }
0x1ec: {  	v49 =	vld [tilespmem:s26+$0xAFB0]  }
0x1ed: {  	v50 =	vld [tilespmem:s26+$0x4BC0]  }
0x1ee: {  	v51 =	vld [tilespmem:s26+$0xAFC0]  }
0x1ef: {  	v52 =	vld [tilespmem:s26+$0x4BD0]  }
0x1f0: {  	[tilespmem:$0x1FC50] =	vst v60;
	v60 =	vld [tilespmem:s26+$0x4C30]  }
0x1f1: {  	v53 =	vld [tilespmem:s26+$0xAFD0]  }
0x1f2: {  	v54 =	vld [tilespmem:s26+$0x4BE0]  }
0x1f3: {  	v55 =	vld [tilespmem:s26+$0xAFE0]  }
0x1f4: {  	v56 =	vld [tilespmem:s26+$0x4BF0]  }
0x1f5: {  	[tilespmem:$0x1FC60] =	vst v60;
	v60 =	vld [tilespmem:s26+$0xB030]  }
0x1f6: {  	v57 =	vld [tilespmem:s26+$0xAFF0]  }
0x1f7: {  	v58 =	vld [tilespmem:s26+$0x4C00]  }
0x1f8: {  	v59 =	vld [tilespmem:s26+$0xB000]  }
0x1f9: {  	v61 =	vld [tilespmem:s26+$0xB010]  }
0x1fa: {  	[tilespmem:$0x1FC70] =	vst v60;
	v60 =	vld [tilespmem:s26+$0x4C40]  }
0x1fb: {  	v62 =	vld [tilespmem:s26+$0x4C20]  }
0x1fc: {  	v63 =	vld [tilespmem:s26+$0xB020]  }
0x1fd: {  	v0 =	vmul.bf16 v1, v0;
	v1 =	vmul.bf16 v3, v2;
	v2 =	vld [tilespmem:s26+$0xB0B0]  }
0x1fe: {  	v3 =	vmul.bf16 v5, v4;
	v5 =	vmul.bf16 v11, v10;
	v10 =	vld [tilespmem:s26+$0xB0D0]  }
0x1ff: {  	[tilespmem:$0x1FC80] =	vst v60;
	v60 =	vld [tilespmem:s26+$0xB040]  }
0x200: {  	v11 =	vld [tilespmem:s26+$0x4CE0]  }
0x201: {  	v13 =	vmul.bf16 v13, v12;
	v12 =	vld [tilespmem:s26+$0xB0E0]  }
0x202: {  	v15 =	vmul.bf16 v15, v14;
	v14 =	vld [tilespmem:s26+$0x4CF0]  }
0x203: {  	v25 =	vmul.bf16 v25, v24;
	v24 =	vld [tilespmem:s26+$0x4D50]  }
0x204: {  	[tilespmem:$0x1FC90] =	vst v60;
	v60 =	vld [tilespmem:s26+$0x4C50]  }
0x205: {  	v33 =	vmul.bf16 v33, v32;
	v32 =	vld [tilespmem:s26+$0x4D60]  }
0x206: {  	v35 =	vmul.bf16 v35, v34;
	v34 =	vld [tilespmem:s26+$0xB170]  }
0x207: {  	v58 =	vmul.bf16 v59, v58;
	v59 =	vld [tilespmem:$0x1FC50]  }
0x208: {  	v4 =	vmul.bf16 v7, v6;
	v0 =	vadd.bf16 v1, v0;
	v1 =	vld [tilespmem:s26+$0xB0C0]  }
0x209: {  	v16 =	vmul.bf16 v17, v16;
	[tilespmem:$0x1FCA0] =	vst v60;
	v60 =	vld [tilespmem:s26+$0xB050]  }
0x20a: {  	v17 =	vmul.bf16 v19, v18;
	v3 =	vadd.bf16 v4, v3;
	v4 =	vmul.bf16 v9, v8;
	v9 =	vld [tilespmem:s26+$0x4CD0]  }
0x20b: {  	v18 =	vmul.bf16 v21, v20;
	v19 =	vmul.bf16 v23, v22;
	v6 =	vadd.bf16 v15, v13;
	v13 =	vld [tilespmem:s26+$0x4D00]  }
0x20c: {  	v22 =	vadd.bf16 v17, v16;
	v16 =	vld [tilespmem:s26+$0xB100]  }
0x20d: {  	v23 =	vadd.bf16 v19, v18;
	v18 =	vld [tilespmem:s26+$0x4D10]  }
0x20e: {  	v26 =	vmul.bf16 v27, v26;
	[tilespmem:$0x1FCB0] =	vst v60;
	v60 =	vld [tilespmem:s26+$0x4C60]  }
0x20f: {  	v30 =	vmul.bf16 v31, v30;
	v15 =	vld [tilespmem:s26+$0xB110]  }
0x210: {  	v36 =	vmul.bf16 v37, v36;
	v37 =	vmul.bf16 v39, v38;
	v31 =	vadd.bf16 v26, v25;
	v25 =	vld [tilespmem:s26+$0x4D40]  }
0x211: {  	v17 =	vld [tilespmem:s26+$0xB160]  }
0x212: {  	v39 =	vadd.bf16 v37, v36;
	v36 =	vld [tilespmem:s26+$0x4D80]  }
0x213: {  	v8 =	vadd.bf16 v35, v33;
	[tilespmem:$0x1FCC0] =	vst v60;
	v60 =	vld [tilespmem:s26+$0xB060]  }
0x214: {  	v33 =	vld [tilespmem:s26+$0xB180];
	v0 =	vadd.bf16 v3, v0;
	v3 =	vadd.bf16 v5, v4  }
0x215: {  	v11 =	vmul.bf16 v12, v11;
	v12 =	vld [tilespmem:s26+$0x4DD0]  }
0x216: {  	v21 =	vadd.bf16 v6, v3;
	v3 =	vld [tilespmem:s26+$0xB0F0]  }
0x217: {  	v6 =	vadd.bf16 v23, v22;
	v23 =	vld [tilespmem:s26+$0xB120]  }
0x218: {  	[tilespmem:$0x1FCD0] =	vst v60;
	v60 =	vld [tilespmem:s26+$0x4C70]  }
0x219: {  	v22 =	vld [tilespmem:s26+$0x4D30]  }
0x21a: {  	v8 =	vadd.bf16 v39, v8;
	v20 =	vunpack.i.u.bf16.f32 v0;
	v0 =	vunpack.i.l.bf16.f32 v0;
	v39 =	vld [tilespmem:$0x1FC60]  }
0x21b: {  	v4 =	vadd.f32 v0, v20;
	v20 =	vld [tilespmem:s26+$0x4D20]  }
0x21c: {  	v9 =	vmul.bf16 v10, v9;
	v10 =	vld [tilespmem:s26+$0xB1C0]  }
0x21d: {  	[tilespmem:$0x1FCE0] =	vst v60;
	v60 =	vld [tilespmem:s26+$0xB070]  }
0x21e: {  	v29 =	vmul.bf16 v29, v28;
	v27 =	vunpack.i.u.bf16.f32 v21;
	v0 =	vunpack.i.l.bf16.f32 v21;
	v21 =	vld [tilespmem:s26+$0xB130]  }
0x21f: {  	v41 =	vmul.bf16 v41, v40;
	v5 =	vadd.f32 v0, v27;
	v27 =	vld [tilespmem:s26+$0xB140]  }
0x220: {  	v49 =	vmul.bf16 v49, v48;
	v51 =	vmul.bf16 v51, v50;
	v0 =	vadd.bf16 v30, v29;
	v29 =	vld [tilespmem:s26+$0xB150]  }
0x221: {  	v56 =	vmul.bf16 v57, v56;
	v62 =	vmul.bf16 v63, v62;
	v38 =	vunpack.i.u.bf16.f32 v6;
	v30 =	vld [tilespmem:s26+$0x4D70]  }
0x222: {  	v6 =	vunpack.i.l.bf16.f32 v6;
	v0 =	vadd.bf16 v0, v31;
	v31 =	vmul.bf16 v61, v59;
	[tilespmem:$0x1FCF0] =	vst v60;
	v60 =	vld [tilespmem:s26+$0x4C80]  }
0x223: {  	v52 =	vmul.bf16 v53, v52;
	v54 =	vmul.bf16 v55, v54;
	v6 =	vadd.f32 v6, v38;
	v38 =	vld [tilespmem:s26+$0x4D90]  }
0x224: {  	v43 =	vmul.bf16 v43, v42;
	v63 =	vadd.bf16 v58, v56;
	v40 =	vld [tilespmem:$0x1FC70];
	v31 =	vadd.bf16 v62, v31  }
0x225: {  	v19 =	vadd.bf16 v51, v49;
	v55 =	vadd.bf16 v54, v52;
	v3 =	vmul.bf16 v3, v14;
	v14 =	vld [tilespmem:s26+$0xB1D0]  }
0x226: {  	v45 =	vmul.bf16 v45, v44;
	v46 =	vmul.bf16 v47, v46;
	v26 =	vadd.bf16 v31, v63;
	v31 =	vld [tilespmem:s26+$0x4DA0]  }
0x227: {  	v19 =	vadd.bf16 v55, v19;
	v7 =	vunpack.i.u.bf16.f32 v0;
	v0 =	vunpack.i.l.bf16.f32 v0;
	[tilespmem:$0x1FD00] =	vst v60;
	v60 =	vld [tilespmem:s26+$0xB080]  }
0x228: {  	v47 =	vadd.bf16 v43, v41;
	v7 =	vadd.f32 v0, v7;
	v41 =	vld [tilespmem:$0x1FC80]  }
0x229: {  	v0 =	vadd.bf16 v46, v45;
	v45 =	vunpack.i.u.bf16.f32 v19;
	v19 =	vunpack.i.l.bf16.f32 v19;
	v42 =	vld [tilespmem:$0x1FC90]  }
0x22a: {  	v19 =	vadd.f32 v19, v45;
	v45 =	vld [tilespmem:s26+$0xB1B0]  }
0x22b: {  	v63 =	vmul.bf16 v23, v20;
	v20 =	vld [tilespmem:s26+$0x4DE0]  }
0x22c: {  	[tilespmem:$0x1FD10] =	vst v60;
	v60 =	vld [tilespmem:s26+$0x4C90]  }
0x22d: {  	v28 =	vmul.bf16 v40, v39;
	v39 =	vld [tilespmem:s26+$0xB1A0]  }
0x22e: {  	v35 =	vmul.bf16 v42, v41;
	v43 =	vld [tilespmem:$0x1FCA0]  }
0x22f: {  	v41 =	vld [tilespmem:s26+$0xB190]  }
0x230: {  	v28 =	vadd.bf16 v35, v28;
	v35 =	vld [tilespmem:s26+$0xB1E0]  }
0x231: {  	[tilespmem:$0x1FD20] =	vst v60;
	v60 =	vld [tilespmem:s26+$0xB090]  }
0x232: {  	v44 =	vld [tilespmem:$0x1FCB0]  }
0x233: {  	v46 =	vld [tilespmem:$0x1FCC0]  }
0x234: {  	v0 =	vadd.bf16 v0, v47;
	v47 =	vld [tilespmem:$0x1FCD0]  }
0x235: {  	v49 =	vld [tilespmem:$0x1FCE0]  }
0x236: {  	[tilespmem:$0x1FD30] =	vst v60;
	v60 =	vld [tilespmem:s26+$0x4CA0]  }
0x237: {  	v50 =	vld [tilespmem:$0x1FCF0]  }
0x238: {  	v53 =	vunpack.i.u.bf16.f32 v8;
	v8 =	vunpack.i.l.bf16.f32 v8;
	v52 =	vld [tilespmem:$0x1FD00]  }
0x239: {  	v8 =	vadd.f32 v8, v53;
	v53 =	vld [tilespmem:$0x1FD10]  }
0x23a: {  	v37 =	vmul.bf16 v44, v43;
	v40 =	vmul.bf16 v47, v46;
	v47 =	vld [tilespmem:s26+$0x4E00]  }
0x23b: {  	[tilespmem:$0x1FD40] =	vst v60;
	v60 =	vld [tilespmem:s26+$0xB0A0]  }
0x23c: {  	v48 =	vadd.bf16 v40, v37;
	v37 =	vmul.bf16 v50, v49;
	v50 =	vld [tilespmem:s26+$0xB200]  }
0x23d: {  	v54 =	vld [tilespmem:$0x1FD20]  }
0x23e: {  	v42 =	vmul.bf16 v53, v52;
	v53 =	vld [tilespmem:s26+$0x4E10]  }
0x23f: {  	v13 =	vmul.bf16 v16, v13;
	v55 =	vld [tilespmem:$0x1FD30]  }
0x240: {  	v15 =	vmul.bf16 v15, v18;
	v17 =	vmul.bf16 v17, v32;
	[tilespmem:$0x1FD50] =	vst v60;
	v60 =	vld [tilespmem:s26+$0x4CB0]  }
0x241: {  	v3 =	vadd.bf16 v13, v3;
	v57 =	vunpack.i.u.bf16.f32 v0;
	v0 =	vunpack.i.l.bf16.f32 v0;
	v56 =	vld [tilespmem:$0x1FD40]  }
0x242: {  	v23 =	vadd.bf16 v11, v9;
	v12 =	vmul.bf16 v14, v12;
	v0 =	vadd.f32 v0, v57;
	v57 =	vld [tilespmem:$0x1FD50]  }
0x243: {  	v51 =	vunpack.i.u.bf16.f32 v26;
	v9 =	vmul.bf16 v35, v20;
	v58 =	vadd.bf16 v42, v37;
	v37 =	vld [tilespmem:s26+$0x4DC0]  }
0x244: {  	v26 =	vunpack.i.l.bf16.f32 v26;
	v28 =	vadd.bf16 v48, v28;
	v40 =	vmul.bf16 v55, v54;
	v55 =	vld [tilespmem:s26+$0xB210]  }
0x245: {  	v26 =	vadd.f32 v26, v51;
	v51 =	vmul.bf16 v27, v25;
	v9 =	vadd.bf16 v9, v12;
	[tilespmem:$0x1FD60] =	vst v60;
	v60 =	vld [tilespmem:s26+$0x4CC0]  }
0x246: {  	v43 =	vld [tilespmem:s26+$0x4DB0];
	v61 =	vunpack.i.u.bf16.f32 v28;
	v28 =	vunpack.i.l.bf16.f32 v28;
	v49 =	vmul.bf16 v21, v22  }
0x247: {  	v28 =	vadd.f32 v28, v61;
	v11 =	vmul.bf16 v50, v47;
	v44 =	vmul.bf16 v57, v56;
	v59 =	vld [tilespmem:$0x1FD60]  }
0x248: {  	v47 =	vsel vm0, v19, v26;
	v52 =	vmul.bf16 v29, v24;
	v56 =	vmul.bf16 v34, v30;
	v34 =	vld [tilespmem:$0x1FFC0]  }
0x249: {  	v10 =	vmul.bf16 v10, v37;
	v57 =	vmul.bf16 v33, v36;
	v40 =	vadd.bf16 v44, v40  }
0x24a: {  	v17 =	vadd.bf16 v17, v52;
	v30 =	vmul.bf16 v55, v53;
	v1 =	vmul.bf16 v1, v60  }
0x24b: {  	v62 =	vadd.bf16 v40, v58;
	v40 =	vadd.bf16 v63, v15;
	v60 =	vmul.bf16 v39, v31  }
0x24c: {  	v46 =	vld [tilespmem:s26+$0xB1F0];
	v63 =	vmul.bf16 v45, v43;
	v39 =	vsel vm0, v5, v4;
	v2 =	vmul.bf16 v2, v59  }
0x24d: {  	v42 =	vld [tilespmem:s26+$0x4DF0];
	v4 =	vsel vm0, v4, v5;
	v59 =	vmul.bf16 v41, v38;
	v12 =	vperm.xlane v39, v34  }
0x24e: {  	v41 =	vsel vm0, v0, v8;
	v0 =	vsel vm0, v8, v0;
	v44 =	vunpack.i.u.bf16.f32 v62  }
0x24f: {  	v16 =	vunpack.i.l.bf16.f32 v62;
	v3 =	vadd.bf16 v40, v3;
	v62 =	vadd.bf16 v57, v56  }
0x250: {  	v61 =	vld [tilespmem:s26+$0xB220];
	v10 =	vadd.bf16 v10, v63;
	v40 =	vsel vm0, v7, v6;
	v1 =	vadd.bf16 v1, v2  }
0x251: {  	v58 =	vld [tilespmem:s26+$0x4E20];
	v43 =	vperm.xlane v41, v34;
	v15 =	vadd.f32 v16, v44;
	v16 =	vadd.bf16 v51, v49  }
0x252: {  	v18 =	vadd.bf16 v60, v59;
	v2 =	vmul.bf16 v46, v42;
	v42 =	vsel vm0, v6, v7  }
0x253: {  	v4 =	vadd.f32 v12, v4;
	v44 =	vsel vm0, v26, v19;
	v54 =	vunpack.i.u.bf16.f32 v3  }
0x254: {  	v3 =	vunpack.i.l.bf16.f32 v3;
	v9 =	vadd.bf16 v9, v10;
	v0 =	vadd.f32 v43, v0  }
0x255: {  	v6 =	vperm.xlane v44, v34;
	v1 =	vadd.bf16 v23, v1;
	v3 =	vadd.f32 v3, v54  }
0x256: {  	v16 =	vadd.bf16 v17, v16;
	v27 =	vadd.bf16 v18, v62;
	v31 =	vmul.bf16 v61, v58  }
0x257: {  	v2 =	vadd.bf16 v11, v2;
	v45 =	vsel vm0, v15, v28;
	v37 =	vunpack.i.u.bf16.f32 v9  }
0x258: {  	v9 =	vunpack.i.l.bf16.f32 v9;
	v6 =	vadd.f32 v6, v47;
	v48 =	vunpack.i.u.bf16.f32 v1  }
0x259: {  	v1 =	vunpack.i.l.bf16.f32 v1;
	v32 =	vunpack.i.u.bf16.f32 v16;
	v13 =	vadd.bf16 v31, v30  }
0x25a: {  	v33 =	vunpack.i.l.bf16.f32 v16;
	v35 =	vunpack.i.u.bf16.f32 v27;
	v9 =	vadd.f32 v9, v37  }
0x25b: {  	v36 =	vunpack.i.l.bf16.f32 v27;
	v1 =	vadd.f32 v1, v48;
	v2 =	vadd.bf16 v13, v2  }
0x25c: {  	v7 =	vperm.xlane v45, v34;
	v11 =	vadd.f32 v33, v32;
	v10 =	vadd.f32 v36, v35  }
0x25d: {  	v48 =	vsel vm0, v28, v15;
	v38 =	vunpack.i.u.bf16.f32 v2;
	v2 =	vunpack.i.l.bf16.f32 v2  }
0x25e: {  	v54 =	vsel vm1, v6, v0;
	v46 =	vsel vm0, v3, v1;
	v2 =	vadd.f32 v2, v38  }
0x25f: {  	v52 =	vld [tilespmem:$0x1FFD0];
	v13 =	vperm.xlane v40, v34;
	v7 =	vadd.f32 v7, v48;
	v8 =	vperm.xlane v46, v34  }
0x260: {  	v1 =	vsel vm0, v1, v3;
	v49 =	vsel vm0, v10, v11;
	v50 =	vsel vm0, v2, v9  }
0x261: {  	v3 =	vperm.xlane v49, v34;
	v1 =	vadd.f32 v8, v1;
	v8 =	vperm.xlane v50, v34  }
0x262: {  	v10 =	vsel vm0, v11, v10;
	v5 =	vadd.f32 v13, v42;
	v2 =	vsel vm0, v9, v2  }
0x263: {  	v0 =	vsel vm1, v0, v6;
	v3 =	vadd.f32 v3, v10;
	v2 =	vadd.f32 v8, v2  }
0x264: {  	v51 =	vsel vm1, v5, v4;
	v4 =	vsel vm1, v4, v5;
	v5 =	vperm.xlane v54, v52  }
0x265: {  	v53 =	vperm.xlane v51, v52;
	v55 =	vsel vm1, v1, v7;
	v56 =	vsel vm1, v2, v3  }
0x266: {  	v59 =	vld [tilespmem:$0x1FFE0];
	v0 =	vadd.f32 v5, v0;
	v57 =	vperm.xlane v55, v52;
	v58 =	vperm.xlane v56, v52  }
0x267: {  	v1 =	vsel vm1, v7, v1;
	v4 =	vadd.f32 v53, v4;
	v2 =	vsel vm1, v3, v2  }
0x268: {  	v1 =	vadd.f32 v57, v1;
	v2 =	vadd.f32 v58, v2;
	_ =	sdelay $0x1  }
0x269: {  	v60 =	vsel vm2, v0, v4;
	v61 =	vsel vm2, v2, v1  }
0x26a: {  	v62 =	vld [tilespmem:$0x1FFF0];
	v3 =	vperm.xlane v60, v59;
	v5 =	vperm.xlane v61, v59  }
0x26b: {  	v0 =	vsel vm2, v4, v0;
	v1 =	vsel vm2, v1, v2  }
0x26c: {  	v0 =	vadd.f32 v3, v0;
	v1 =	vadd.f32 v5, v1;
	_ =	sdelay $0x1  }
0x26d: {  	p0 =	sne.s32 s24, $0x18FC0;
	v63 =	vsel vm3, v1, v0  }
.Ltmp3:
0x26e: {  	v2 =	vperm.xlane v63, v62;
	(pc) =	sbr.rel @p0 .LBB2_8-.Ltmp3, $3  }
0x26f: {  	v0 =	vsel vm3, v0, v1  }
0x270: {  	v0 =	vadd.f32 v0, v2;
	_ =	sdelay $0x1  }
0x271: {  	s24 =	sadd.s32 $0x1000, s24;
	[tilespmem:s25+$0x0] =	vst v0;
	s25 =	sadd.s32 $0x10, s25  }
0x272: {  	s23 =	sadd.s32 $0x1, s23  }
0x273: {  	p0 =	sne.s32 s23, s10  }
.Ltmp4:
0x274: {  	_ = 	snop;
	(pc) =	sbr.rel @p0 .LBB2_1-.Ltmp4, $4  }
0x275: {  	[hbm4b:s9+s3] =	stream.linear.scatter [tilespmem:s22], [sflag:$0x5], $0x190, $0x38;
	[tilespmem:$0x1DFB0] =	vst v63  }
0x276: {  	_ =	swait.ge [sflag:s11], $0x190  }
0x277: {  	[sflag:s11] =	ssyncset.done $0x0  }
0x278: {  	[sflag:s11] =	ssyncadd.s32 $0xFFFFFE70  }
0x279: {  	_ =	sfence.sel $0x180000  }
0x27a: {  	[bflag:$0x0] =	sbarrier.arrive $0xFFFF  }
0x27b: {  	p0 =	sne.s32 s0, $0x0;
	_ =	strace $0x90000047  }
0x27c: {  	s0 =	sadd.s32 @!p0 $0x100000, s1;
	[bflag:$0x2] =	sbarrier.arrive $0xFFFF  }
0x27d: {  	[sflag:s0] =	ssyncadd.tile.s32 @!p0 $0x1;
	_ =	shalt  }
.Lfunc_end2:
_tile_overlayer_lowered:
.L_overlay_start_2:
0x27e: {  	(tag) =	ssettag $0x2  }
0x27f: {  	s0 =	rddreg [dreg:$0x0];
	s2 =	stileid.u32  }
0x280: {  	s1 =	rddreg [dreg:$0x1];
	p0 =	sne.s32 s2, $0x0  }
0x281: {  	s3 =	rddreg [dreg:$0x2];
	[bflag:$0x3] =	sbarrier.arrive $0xFFFF;
	s2 =	simm.s32 @!p0 $0x1C05  }
0x282: {  	[timem:s3], [sflag:s2] =	dma.local @!p0 [hbm:s0], s1  }
0x283: {  	s0 =	simm.s32 @!p0 $0x5  }
0x284: {  	_ =	swait.ge @!p0 [sflag:s0], s1  }
0x285: {  	s1 =	ssub.s32 @!p0 $0x0, s1;
	[sflag:s0] =	ssyncset.done @!p0 $0x0  }
0x286: {  	[sflag:s0] =	ssyncadd.s32 @!p0 s1  }
0x287: {  	[bflag:$0x3] =	sbarrier.arrive $0xFFFF  }
0x288: {  	_ =	shalt  }

</sc_bundles>
